<compile_context>
chip_gen: v7x
topology: tpu7x:2x2x1
jax: 0.10.2.dev20260603
libtpu: 0.0.44.dev20260713+nightly
codegen_flags: <defaults>
</compile_context>

<pallas_src>
import jax
import jax.numpy as jnp
from jax import lax
from jax.experimental import pallas as pl
from jax.experimental.pallas import tpu as pltpu
from jax.experimental.pallas import tpu_sc as plsc

_B, _T, _D, _E, _H = 1, 2048, 768, 8, 1536
_N = _B * _T
_HD = _D // 2
_TILE = 128
_NCHUNK = _N // _TILE
_GTILE = 256
_MAXTILES = 2 * _N // _GTILE + _E
_PADDED = _MAXTILES * _GTILE
_SCWIN = 128


def _route_kernel(x_ref, gw_ref, x2_ref, d1_ref, d2_ref, w0_ref, w1_ref,
                  es_ref, ec_ref, loss_ref):
    x = x_ref[...]
    x2_ref[0:_N, :] = x[:, 0:_HD]
    x2_ref[_N:2 * _N, :] = x[:, _HD:_D]
    gw = gw_ref[...]
    logits = lax.dot_general(
        x, gw, (((1,), (1,)), ((), ())),
        preferred_element_type=jnp.float32)
    p = jax.nn.softmax(logits, axis=-1)
    rank = jnp.zeros_like(p)
    eidx = lax.broadcasted_iota(jnp.int32, (1, _E), 1)
    for j in range(_E):
        pj = p[:, j:j + 1]
        rank += (pj > p).astype(p.dtype)
        rank += ((pj == p) & (j < eidx)).astype(p.dtype)
    sel = (rank < 2.0).astype(p.dtype)
    w = p * sel
    wd = w / jnp.sum(w, axis=1, keepdims=True)
    ii = lax.broadcasted_iota(jnp.int32, (_TILE, _TILE), 0)
    jj = lax.broadcasted_iota(jnp.int32, (_TILE, _TILE), 1)
    tril = (ii >= jj).astype(jnp.float32)
    carry = jnp.zeros((1, _E), jnp.float32)
    cum_rows = []
    for c in range(_NCHUNK):
        sc = lax.slice(sel, (c * _TILE, 0), ((c + 1) * _TILE, _E))
        cum_rows.append(
            lax.dot_general(tril, sc, (((1,), (0,)), ((), ())),
                            preferred_element_type=jnp.float32) + carry)
        carry = carry + jnp.sum(sc, axis=0, keepdims=True)
    cum = jnp.concatenate(cum_rows, axis=0)
    cnt = carry
    pmean = jnp.mean(p, axis=0, keepdims=True)
    loss_ref[...] = (jnp.sum(pmean * cnt) * (_E / _N)).reshape(1, 1)
    ptiles = jnp.floor((cnt + (_GTILE - 1.0)) * (1.0 / _GTILE))
    ltmask = (lax.broadcasted_iota(jnp.int32, (_E, _E), 0) <
              lax.broadcasted_iota(jnp.int32, (_E, _E), 1)).astype(jnp.float32)
    tstart = lax.dot_general(ptiles, ltmask, (((1,), (0,)), ((), ())),
                             preferred_element_type=jnp.float32)
    pstart = _GTILE * tstart
    kcnt = lax.dot_general(sel, ltmask, (((1,), (0,)), ((), ())),
                           preferred_element_type=jnp.float32)
    pos = pstart + cum - 1.0
    is0 = sel * (kcnt == 0.0)
    is1 = sel * (kcnt == 1.0)
    d1_ref[...] = jnp.sum(pos * is0, axis=1, keepdims=True).astype(jnp.int32)
    d2_ref[...] = jnp.sum(pos * is1, axis=1, keepdims=True).astype(jnp.int32)
    w0_ref[...] = jnp.sum(wd * is0, axis=1, keepdims=True)
    w1_ref[...] = jnp.sum(wd * is1, axis=1, keepdims=True)
    es_ref[...] = jnp.transpose(tstart).astype(jnp.int32)
    ec_ref[...] = jnp.transpose(ptiles).astype(jnp.int32)


def _route(x_flat, gate_w):
    return pl.pallas_call(
        _route_kernel,
        out_shape=[
            jax.ShapeDtypeStruct((2 * _N, _HD), jnp.float32),
            jax.ShapeDtypeStruct((_N, 1), jnp.int32),
            jax.ShapeDtypeStruct((_N, 1), jnp.int32),
            jax.ShapeDtypeStruct((_N, 1), jnp.float32),
            jax.ShapeDtypeStruct((_N, 1), jnp.float32),
            jax.ShapeDtypeStruct((_E, 1), jnp.int32),
            jax.ShapeDtypeStruct((_E, 1), jnp.int32),
            jax.ShapeDtypeStruct((1, 1), jnp.float32),
        ],
    )(x_flat, gate_w)


def _sc_scatter(x2, dests):
    @pl.kernel(
        out_type=jax.ShapeDtypeStruct((2 * _PADDED, _HD), jnp.float32),
        mesh=plsc.VectorSubcoreMesh(core_axis_name="core",
                                    subcore_axis_name="subcore"))
    def k(x_hbm, i_hbm, o_hbm):
        def body(x_vmem, i_vmem):
            pltpu.sync_copy(x_vmem, o_hbm.at[i_vmem.at[0]])

        pltpu.emit_pipeline(
            body,
            grid=(4 * _N // _SCWIN,),
            in_specs=[
                pl.BlockSpec((_SCWIN, _HD),
                             lambda i: (lax.rem(i, 2 * _N // _SCWIN), 0)),
                pl.BlockSpec((1, _SCWIN), lambda i: (0, i)),
            ],
            out_specs=[],
            core_axis_name=("core", "subcore"),
            dimension_semantics=(pltpu.PARALLEL,),
        )(x_hbm, i_hbm)

    return k(x2, dests)


def _sc_gather(ys, dests):
    @pl.kernel(
        out_type=jax.ShapeDtypeStruct((4 * _N, _HD), jnp.float32),
        mesh=plsc.VectorSubcoreMesh(core_axis_name="core",
                                    subcore_axis_name="subcore"))
    def k(y_hbm, i_hbm, o_hbm):
        def body(i_vmem, o_vmem):
            pltpu.sync_copy(y_hbm.at[i_vmem.at[0]], o_vmem)

        pltpu.emit_pipeline(
            body,
            grid=(4 * _N // _SCWIN,),
            in_specs=[pl.BlockSpec((1, _SCWIN), lambda i: (0, i))],
            out_specs=[pl.BlockSpec((_SCWIN, _HD), lambda i: (i, 0))],
            core_axis_name=("core", "subcore"),
            dimension_semantics=(pltpu.PARALLEL,),
        )(i_hbm, o_hbm)

    return k(ys, dests)


def _expert_kernel(es_ref, ec_ref, xs_ref, wfc_ref, wp_ref, ys_ref,
                   xbuf, ybuf, hbuf, isem, osem):
    e = pl.program_id(0)
    s0 = es_ref[e, 0]
    n = ec_ref[e, 0]
    wfc = wfc_ref[0]
    wp = wp_ref[0]

    def in_copies(i, slot):
        r = (s0 + i) * _GTILE
        return (
            pltpu.make_async_copy(
                xs_ref.at[pl.ds(r, _GTILE), pl.ds(0, _HD)],
                xbuf.at[slot, pl.ds(0, _GTILE), pl.ds(0, _HD)],
                isem.at[slot, 0]),
            pltpu.make_async_copy(
                xs_ref.at[pl.ds(_PADDED + r, _GTILE), pl.ds(0, _HD)],
                xbuf.at[slot, pl.ds(0, _GTILE), pl.ds(_HD, _HD)],
                isem.at[slot, 1]),
        )

    def out_copies(i, slot):
        r = (s0 + i) * _GTILE
        return (
            pltpu.make_async_copy(
                ybuf.at[slot, pl.ds(0, _GTILE), pl.ds(0, _HD)],
                ys_ref.at[pl.ds(r, _GTILE), pl.ds(0, _HD)],
                osem.at[slot, 0]),
            pltpu.make_async_copy(
                ybuf.at[slot, pl.ds(0, _GTILE), pl.ds(_HD, _HD)],
                ys_ref.at[pl.ds(_PADDED + r, _GTILE), pl.ds(0, _HD)],
                osem.at[slot, 1]),
        )

    def start(copies):
        for c in copies:
            c.start()

    def wait(copies):
        for c in copies:
            c.wait()

    @pl.when(n >= 1)
    def _():
        start(in_copies(0, 0))

    @pl.when(n >= 2)
    def _():
        start(in_copies(1, 1))

    def body(i, _):
        slot = lax.rem(i, 2)
        wait(in_copies(i, slot))
        xt = xbuf[slot]
        h = lax.dot_general(xt, wfc, (((1,), (1,)), ((), ())),
                            preferred_element_type=jnp.float32)
        h = jnp.square(jnp.maximum(h, 0.0))
        y = lax.dot_general(h, wp, (((1,), (1,)), ((), ())),
                            preferred_element_type=jnp.float32)

        @pl.when(i >= 2)
        def _():
            wait(out_copies(i - 2, slot))

        ybuf[slot] = y
        start(out_copies(i, slot))

        @pl.when(i + 2 < n)
        def _():
            start(in_copies(i + 2, slot))

        return 0

    lax.fori_loop(0, n, body, 0)

    @pl.when(n >= 1)
    def _():
        wait(out_copies(n - 1, lax.rem(n - 1, 2)))

    @pl.when(n >= 2)
    def _():
        wait(out_copies(n - 2, lax.rem(n - 2, 2)))


def _grouped_matmul(es, ec, xs, w_fc, w_proj):
    grid_spec = pltpu.PrefetchScalarGridSpec(
        num_scalar_prefetch=2,
        grid=(_E,),
        in_specs=[
            pl.BlockSpec(memory_space=pltpu.MemorySpace.HBM),
            pl.BlockSpec((1, _H, _D), lambda e, es_r, ec_r: (e, 0, 0)),
            pl.BlockSpec((1, _D, _H), lambda e, es_r, ec_r: (e, 0, 0)),
        ],
        out_specs=pl.BlockSpec(memory_space=pltpu.MemorySpace.HBM),
        scratch_shapes=[
            pltpu.VMEM((2, _GTILE, _D), jnp.float32),
            pltpu.VMEM((2, _GTILE, _D), jnp.float32),
            pltpu.VMEM((2, _GTILE, _H), jnp.float32),
            pltpu.SemaphoreType.DMA((2, 2)),
            pltpu.SemaphoreType.DMA((2, 2)),
        ],
    )
    return pl.pallas_call(
        _expert_kernel,
        grid_spec=grid_spec,
        out_shape=jax.ShapeDtypeStruct((2 * _PADDED, _HD), jnp.float32),
    )(es, ec, xs, w_fc, w_proj)


def _combine_kernel(g_ref, w0_ref, w1_ref, out_ref):
    w0 = w0_ref[...]
    w1 = w1_ref[...]
    out_ref[:, 0:_HD] = (w0 * g_ref[0:_N, :] +
                         w1 * g_ref[2 * _N:3 * _N, :])
    out_ref[:, _HD:_D] = (w0 * g_ref[_N:2 * _N, :] +
                          w1 * g_ref[3 * _N:4 * _N, :])


def _combine(g, w0, w1):
    return pl.pallas_call(
        _combine_kernel,
        out_shape=jax.ShapeDtypeStruct((_N, _D), jnp.float32),
    )(g, w0, w1)


def kernel(x, gate_w, w_fc, w_proj):
    x_flat = x.reshape(_N, _D)
    x2, d1, d2, w0, w1, es, ec, loss = _route(x_flat, gate_w)
    dr1 = d1.reshape(1, _N)
    dr2 = d2.reshape(1, _N)
    dests = jnp.concatenate(
        [dr1, dr1 + _PADDED, dr2, dr2 + _PADDED], axis=1)
    xs = _sc_scatter(x2, dests)
    ys = _grouped_matmul(es, ec, xs, w_fc, w_proj)
    g = _sc_gather(ys, dests)
    out = _combine(g, w0, w1)
    return out.reshape(_B, _T, _D), loss[0, 0]

# --- scband reference (transcript-rebuilt; emitter-appended) ---
"""Pipeline reference for scband-mo-e-40870908789399 (READ-ONLY COPY).

The authoritative reference and input builder live on the scoring server;
editing this copy changes nothing except your own understanding.
"""

import jax, jax.numpy as jnp
import numpy as np

B, T, D, E, H, TOPK = 1, 2048, 768, 8, 1536, 2

def setup_inputs(seed: int = 0) -> dict:
    key = jax.random.key(seed)
    k1, k2, k3, k4 = jax.random.split(key, 4)
    x = jax.random.normal(k1, (B, T, D), dtype=jnp.float32)
    gate_w = jax.random.normal(k2, (E, D), dtype=jnp.float32) * 0.02
    w_fc = jax.random.normal(k3, (E, H, D), dtype=jnp.float32) * 0.02
    w_proj = jax.random.normal(k4, (E, D, H), dtype=jnp.float32) * 0.02
    return {"x": x, "gate_w": gate_w, "w_fc": w_fc, "w_proj": w_proj}


def reference(x, gate_w, w_fc, w_proj):
    Bs, Ts, Ds = x.shape
    N = Bs * Ts
    x_flat = x.reshape(N, Ds)
    # gate (Linear, no bias): logits = x @ W_g^T
    gate_logits = x_flat @ gate_w.T
    gate_probs = jax.nn.softmax(gate_logits, axis=-1)
    routing_weights, expert_indices = jax.lax.top_k(gate_probs, TOPK)
    routing_weights = routing_weights / routing_weights.sum(axis=-1, keepdims=True)
    # dense per-token, per-expert combine weights via scatter-add
    token_idx = jnp.arange(N)[:, None]  # [N, 1]
    w_dense = jnp.zeros((N, E), dtype=x.dtype)
    w_dense = w_dense.at[token_idx, expert_indices].add(routing_weights)
    # expert MLPs: relu(x W_fc^T)^2 W_proj^T, computed for all experts;
    # tokens not routed to an expert have combine weight 0, so the math
    # matches the original sparse dispatch exactly.
    h = jnp.einsum('nd,ehd->neh', x_flat, w_fc)
    h = jnp.square(jax.nn.relu(h))
    y = jnp.einsum('neh,edh->ned', h, w_proj)
    out = jnp.einsum('ne,ned->nd', w_dense, y).reshape(Bs, Ts, Ds)
    # load-balance loss
    counts = jnp.bincount(expert_indices.reshape(-1), length=E)
    expert_freq = counts.astype(gate_probs.dtype) / N
    balance_loss = (gate_probs.mean(axis=0) * jax.lax.stop_gradient(expert_freq)).sum() * E
    return out, balance_loss

if __name__ == "__main__":
    import jax
    _d = setup_inputs()
    print(jax.jit(kernel)(*tuple(_d.values())))

</pallas_src>

<mosaic_0001>
#map = affine_map<(d0, d1) -> (0, 0)>
module attributes {stable_mosaic.version = 14 : i64} {
  func.func @k(%arg0: i32, %arg1: i32, %arg2: memref<12288x384xf32, #tpu.memory_space<hbm>>, %arg3: memref<1x8192xi32, #tpu.memory_space<hbm>>, %arg4: memref<8192x384xf32, #tpu.memory_space<hbm>>) attributes {dimension_semantics = [#tpu.dimension_semantics<core_parallel>, #tpu.dimension_semantics<subcore_parallel>], iteration_bounds = array<i64: 2, 16>, scalar_prefetch = 0 : i64, scratch_operands = 0 : i64, tpu.core_type = #tpu.core_type<sc_vector_subcore>, window_params = [{transform_indices = #map}, {transform_indices = #map}, {transform_indices = #map}]} {
    %mul3A = arith.constant 1 : i32
    %mul3A_0 = arith.muli %arg1, %mul3A : i32
    %add3A = arith.constant 0 : i32
    %add3A_1 = arith.addi %add3A, %mul3A_0 : i32
    %mul3A_2 = arith.constant 16 : i32
    %mul3A_3 = arith.muli %arg0, %mul3A_2 : i32
    %add3A_4 = arith.addi %add3A_1, %mul3A_3 : i32
    %mul3A_5 = arith.constant 2 : i32
    %mul3A_6 = arith.muli %add3A_4, %mul3A_5 : i32
    "tpu.region"() ({
      %run_scoped3A = memref.alloca() : memref<2x1x128xi32, #tpu.memory_space<vmem>>
      %run_scoped3A_7 = tpu.sem_alloc : memref<2x!tpu.dma_semaphore, #tpu.memory_space<semaphore_mem>>
      %run_scoped3A_8 = memref.alloca() : memref<2x128x384xf32, #tpu.memory_space<vmem>>
      %run_scoped3A_9 = tpu.sem_alloc : memref<2x!tpu.dma_semaphore, #tpu.memory_space<semaphore_mem>>
      %add3A_10 = arith.constant 0 : i32
      %add3A_11 = arith.addi %add3A_10, %mul3A_6 : i32
      %select_n3A = arith.constant true
      %select_n3A_12 = arith.constant 0 : i32
      %select_n3A_13 = arith.constant -1 : i32
      %select_n3A_14 = arith.select %select_n3A, %select_n3A_13, %select_n3A_12 : i32
      %eq3A = arith.constant -1 : i32
      %eq3A_15 = arith.cmpi eq, %select_n3A_14, %eq3A : i32
      %select_n3A_16 = arith.constant 1 : i32
      %select_n3A_17 = arith.select %eq3A_15, %select_n3A_16, %select_n3A_14 : i32
      %add3A_18 = arith.addi %select_n3A_17, %mul3A_6 : i32
      %select_n3A_19 = arith.constant true
      %select_n3A_20 = arith.constant 0 : i32
      %select_n3A_21 = arith.constant 1 : i32
      %select_n3A_22 = arith.select %select_n3A_19, %select_n3A_21, %select_n3A_20 : i32
      %eq3A_23 = arith.constant 2 : i32
      %eq3A_24 = arith.cmpi eq, %select_n3A_22, %eq3A_23 : i32
      %select_n3A_25 = arith.constant 0 : i32
      %select_n3A_26 = arith.select %eq3A_24, %select_n3A_25, %select_n3A_22 : i32
      %add3A_27 = arith.addi %select_n3A_26, %mul3A_6 : i32
      %add3A_28 = arith.constant 1 : i32
      %add3A_29 = arith.addi %select_n3A_26, %add3A_28 : i32
      %select_n3A_30 = arith.constant true
      %select_n3A_31 = arith.select %select_n3A_30, %add3A_29, %select_n3A_26 : i32
      %eq3A_32 = arith.constant 2 : i32
      %eq3A_33 = arith.cmpi eq, %select_n3A_31, %eq3A_32 : i32
      %select_n3A_34 = arith.constant 0 : i32
      %select_n3A_35 = arith.select %eq3A_33, %select_n3A_34, %select_n3A_31 : i32
      %add3A_36 = arith.addi %select_n3A_35, %mul3A_6 : i32
      "tpu.trace_start"() <{level = 10 : i32, message = "ep_initialize_0"}> : () -> ()
      %rem3A = arith.constant 0 : i32
      %rem3A_37 = arith.constant 2 : i32
      %rem3A_38 = arith.remui %rem3A, %rem3A_37 : i32
      %mul3A_39 = arith.constant 128 : i32
      %mul3A_40 = arith.muli %mul3A_39, %add3A_11 : i32
      %dma_start3A = arith.constant 0 : i32
      %dma_start3A_41 = arith.constant 0 : i32
      %dma_start3A_42 = tpu.memref_slice %run_scoped3A[%rem3A_38, %dma_start3A, %dma_start3A_41] : memref<2x1x128xi32, #tpu.memory_space<vmem>> -> memref<1x1x128xi32, #tpu.memory_space<vmem>>
      %dma_start3A_43 = tpu.memref_squeeze %dma_start3A_42 : memref<1x1x128xi32, #tpu.memory_space<vmem>> -> memref<1x128xi32, #tpu.memory_space<vmem>>
      %dma_start3A_44 = arith.constant 0 : i32
      %dma_start3A_45 = tpu.memref_slice %arg3[%dma_start3A_44, %mul3A_40] : memref<1x8192xi32, #tpu.memory_space<hbm>> -> memref<1x128xi32, #tpu.memory_space<hbm>>
      %dma_start3A_46 = tpu.memref_slice %run_scoped3A_7[%rem3A_38] : memref<2x!tpu.dma_semaphore, #tpu.memory_space<semaphore_mem>> -> memref<1x!tpu.dma_semaphore, #tpu.memory_space<semaphore_mem>>
      %dma_start3A_47 = tpu.memref_squeeze %dma_start3A_46 : memref<1x!tpu.dma_semaphore, #tpu.memory_space<semaphore_mem>> -> memref<!tpu.dma_semaphore, #tpu.memory_space<semaphore_mem>>
      %dma_start3A_48 = arith.constant 0 : i32
      %dma_start3A_49 = arith.constant 0 : i32
      %dma_start3A_50 = tpu.memref_slice %run_scoped3A[%rem3A_38, %dma_start3A_48, %dma_start3A_49] : memref<2x1x128xi32, #tpu.memory_space<vmem>> -> memref<1x1x128xi32, #tpu.memory_space<vmem>>
      %dma_start3A_51 = tpu.memref_squeeze %dma_start3A_50 : memref<1x1x128xi32, #tpu.memory_space<vmem>> -> memref<1x128xi32, #tpu.memory_space<vmem>>
      %dma_start3A_52 = arith.constant 0 : i32
      %dma_start3A_53 = tpu.memref_slice %arg3[%dma_start3A_52, %mul3A_40] : memref<1x8192xi32, #tpu.memory_space<hbm>> -> memref<1x128xi32, #tpu.memory_space<hbm>>
      tpu.enqueue_dma source(%dma_start3A_53 : memref<1x128xi32, #tpu.memory_space<hbm>>) target(%dma_start3A_51 : memref<1x128xi32, #tpu.memory_space<vmem>>) target_semaphore(%dma_start3A_47 : memref<!tpu.dma_semaphore, #tpu.memory_space<semaphore_mem>>)
      %add3A_54 = arith.constant 0 : i32
      %add3A_55 = arith.constant 1 : i32
      %add3A_56 = arith.addi %add3A_54, %add3A_55 : i32
      %select_n3A_57 = arith.constant true
      %select_n3A_58 = arith.constant 0 : i32
      %select_n3A_59 = arith.select %select_n3A_57, %add3A_56, %select_n3A_58 : i32
      "tpu.trace_stop"() : () -> ()
      %scan3A = arith.constant 0 : i32
      %scan3A_60 = arith.constant 0 : i32
      %scan3A_61 = arith.constant 0 : i32
      %scan3A_62 = arith.constant 0 : i32
      %scan3A_63 = arith.constant 0 : i32
      %scan3A_64 = arith.constant 2 : i32
      %scan3A_65 = arith.addi %scan3A_63, %scan3A_64 : i32
      %scan3A_66 = arith.constant 1 : i32
      %scan3A_67:5 = scf.for %scan3A_121 = %scan3A_63 to %scan3A_65 step %scan3A_66 iter_args(%scan3A_122 = %select_n3A_59, %scan3A_123 = %scan3A, %scan3A_124 = %scan3A_60, %scan3A_125 = %scan3A_61, %scan3A_126 = %scan3A_62) -> (i32, i32, i32, i32, i32)  : i32 {
        %eq3A_127 = arith.constant 0 : i32
        %eq3A_128 = arith.cmpi eq, %scan3A_121, %eq3A_127 : i32
        %eq3A_129 = arith.constant 1 : i32
        %eq3A_130 = arith.cmpi eq, %scan3A_121, %eq3A_129 : i32
        %add3A_131 = arith.addi %scan3A_126, %mul3A_6 : i32
        %sub3A_132 = arith.constant 1 : i32
        %sub3A_133 = arith.subi %scan3A_126, %sub3A_132 : i32
        %select_n3A_134 = arith.constant true
        %select_n3A_135 = arith.select %select_n3A_134, %sub3A_133, %scan3A_126 : i32
        %eq3A_136 = arith.constant -1 : i32
        %eq3A_137 = arith.cmpi eq, %select_n3A_135, %eq3A_136 : i32
        %select_n3A_138 = arith.constant 1 : i32
        %select_n3A_139 = arith.select %eq3A_137, %select_n3A_138, %select_n3A_135 : i32
        %add3A_140 = arith.addi %select_n3A_139, %mul3A_6 : i32
        %add3A_141 = arith.constant 1 : i32
        %add3A_142 = arith.addi %scan3A_126, %add3A_141 : i32
        %select_n3A_143 = arith.constant true
        %select_n3A_144 = arith.select %select_n3A_143, %add3A_142, %scan3A_126 : i32
        %eq3A_145 = arith.constant 2 : i32
        %eq3A_146 = arith.cmpi eq, %select_n3A_144, %eq3A_145 : i32
        %select_n3A_147 = arith.constant 0 : i32
        %select_n3A_148 = arith.select %eq3A_146, %select_n3A_147, %select_n3A_144 : i32
        %add3A_149 = arith.addi %select_n3A_148, %mul3A_6 : i32
        %add3A_150 = arith.constant 1 : i32
        %add3A_151 = arith.addi %select_n3A_148, %add3A_150 : i32
        %select_n3A_152 = arith.constant true
        %select_n3A_153 = arith.select %select_n3A_152, %add3A_151, %select_n3A_148 : i32
        %eq3A_154 = arith.constant 2 : i32
        %eq3A_155 = arith.cmpi eq, %select_n3A_153, %eq3A_154 : i32
        %select_n3A_156 = arith.constant 0 : i32
        %select_n3A_157 = arith.select %eq3A_155, %select_n3A_156, %select_n3A_153 : i32
        %add3A_158 = arith.addi %select_n3A_157, %mul3A_6 : i32
        %ne3A = arith.cmpi ne, %add3A_131, %add3A_149 : i32
        %or3A = arith.constant false
        %or3A_159 = arith.ori %or3A, %ne3A : i1
        %ge3A = arith.constant 1 : i32
        %ge3A_160 = arith.cmpi sge, %scan3A_121, %ge3A : i32
        %not3A = arith.constant true
        %not3A_161 = arith.xori %ge3A_160, %not3A : i1
        %and3A = arith.andi %or3A_159, %not3A_161 : i1
        %convert_element_type3A = arith.extui %and3A : i1 to i32
        %cond3A = arith.constant 0 : i32
        %cond3A_162 = arith.cmpi ne, %convert_element_type3A, %cond3A : i32
        scf.if %cond3A_162 {
          "tpu.trace_start"() <{level = 10 : i32, message = "ep_copy_in"}> : () -> ()
          %rem3A_264 = arith.constant 2 : i32
          %rem3A_265 = arith.remui %scan3A_122, %rem3A_264 : i32
          %mul3A_266 = arith.constant 128 : i32
          %mul3A_267 = arith.muli %mul3A_266, %add3A_149 : i32
          %dma_start3A_268 = arith.constant 0 : i32
          %dma_start3A_269 = arith.constant 0 : i32
          %dma_start3A_270 = tpu.memref_slice %run_scoped3A[%rem3A_265, %dma_start3A_268, %dma_start3A_269] : memref<2x1x128xi32, #tpu.memory_space<vmem>> -> memref<1x1x128xi32, #tpu.memory_space<vmem>>
          %dma_start3A_271 = tpu.memref_squeeze %dma_start3A_270 : memref<1x1x128xi32, #tpu.memory_space<vmem>> -> memref<1x128xi32, #tpu.memory_space<vmem>>
          %dma_start3A_272 = arith.constant 0 : i32
          %dma_start3A_273 = tpu.memref_slice %arg3[%dma_start3A_272, %mul3A_267] : memref<1x8192xi32, #tpu.memory_space<hbm>> -> memref<1x128xi32, #tpu.memory_space<hbm>>
          %dma_start3A_274 = tpu.memref_slice %run_scoped3A_7[%rem3A_265] : memref<2x!tpu.dma_semaphore, #tpu.memory_space<semaphore_mem>> -> memref<1x!tpu.dma_semaphore, #tpu.memory_space<semaphore_mem>>
          %dma_start3A_275 = tpu.memref_squeeze %dma_start3A_274 : memref<1x!tpu.dma_semaphore, #tpu.memory_space<semaphore_mem>> -> memref<!tpu.dma_semaphore, #tpu.memory_space<semaphore_mem>>
          %dma_start3A_276 = arith.constant 0 : i32
          %dma_start3A_277 = arith.constant 0 : i32
          %dma_start3A_278 = tpu.memref_slice %run_scoped3A[%rem3A_265, %dma_start3A_276, %dma_start3A_277] : memref<2x1x128xi32, #tpu.memory_space<vmem>> -> memref<1x1x128xi32, #tpu.memory_space<vmem>>
          %dma_start3A_279 = tpu.memref_squeeze %dma_start3A_278 : memref<1x1x128xi32, #tpu.memory_space<vmem>> -> memref<1x128xi32, #tpu.memory_space<vmem>>
          %dma_start3A_280 = arith.constant 0 : i32
          %dma_start3A_281 = tpu.memref_slice %arg3[%dma_start3A_280, %mul3A_267] : memref<1x8192xi32, #tpu.memory_space<hbm>> -> memref<1x128xi32, #tpu.memory_space<hbm>>
          tpu.enqueue_dma source(%dma_start3A_281 : memref<1x128xi32, #tpu.memory_space<hbm>>) target(%dma_start3A_279 : memref<1x128xi32, #tpu.memory_space<vmem>>) target_semaphore(%dma_start3A_275 : memref<!tpu.dma_semaphore, #tpu.memory_space<semaphore_mem>>)
          "tpu.trace_stop"() : () -> ()
        } else {
        }
        %and3A_163 = arith.constant true
        %and3A_164 = arith.andi %and3A, %and3A_163 : i1
        %add3A_165 = arith.constant 1 : i32
        %add3A_166 = arith.addi %scan3A_122, %add3A_165 : i32
        %select_n3A_167 = arith.select %and3A_164, %add3A_166, %scan3A_122 : i32
        %ne3A_168 = arith.cmpi ne, %add3A_131, %add3A_149 : i32
        %or3A_169 = arith.constant false
        %or3A_170 = arith.ori %or3A_169, %ne3A_168 : i1
        %or3A_171 = arith.constant false
        %or3A_172 = arith.ori %or3A_170, %or3A_171 : i1
        %ge3A_173 = arith.constant 1 : i32
        %ge3A_174 = arith.cmpi sge, %scan3A_121, %ge3A_173 : i32
        %not3A_175 = arith.constant true
        %not3A_176 = arith.xori %ge3A_174, %not3A_175 : i1
        %and3A_177 = arith.andi %or3A_172, %not3A_176 : i1
        %ne3A_178 = arith.cmpi ne, %add3A_131, %add3A_140 : i32
        %or3A_179 = arith.constant false
        %or3A_180 = arith.ori %or3A_179, %ne3A_178 : i1
        %or3A_181 = arith.ori %or3A_180, %eq3A_128 : i1
        %convert_element_type3A_182 = arith.extui %or3A_181 : i1 to i32
        %cond3A_183 = arith.constant 0 : i32
        %cond3A_184 = arith.cmpi ne, %convert_element_type3A_182, %cond3A_183 : i32
        scf.if %cond3A_184 {
          "tpu.trace_start"() <{level = 10 : i32, message = "ep_wait_in"}> : () -> ()
          %mul3A_264 = arith.constant 128 : i32
          %mul3A_265 = arith.muli %mul3A_264, %add3A_131 : i32
          %rem3A_266 = arith.constant 2 : i32
          %rem3A_267 = arith.remui %scan3A_123, %rem3A_266 : i32
          %dma_wait3A_268 = arith.constant 0 : i32
          %dma_wait3A_269 = arith.constant 0 : i32
          %dma_wait3A_270 = tpu.memref_slice %run_scoped3A[%rem3A_267, %dma_wait3A_268, %dma_wait3A_269] : memref<2x1x128xi32, #tpu.memory_space<vmem>> -> memref<1x1x128xi32, #tpu.memory_space<vmem>>
          %dma_wait3A_271 = tpu.memref_squeeze %dma_wait3A_270 : memref<1x1x128xi32, #tpu.memory_space<vmem>> -> memref<1x128xi32, #tpu.memory_space<vmem>>
          %dma_wait3A_272 = arith.constant 0 : i32
          %dma_wait3A_273 = tpu.memref_slice %arg3[%dma_wait3A_272, %mul3A_265] : memref<1x8192xi32, #tpu.memory_space<hbm>> -> memref<1x128xi32, #tpu.memory_space<hbm>>
          %dma_wait3A_274 = tpu.memref_slice %run_scoped3A_7[%rem3A_267] : memref<2x!tpu.dma_semaphore, #tpu.memory_space<semaphore_mem>> -> memref<1x!tpu.dma_semaphore, #tpu.memory_space<semaphore_mem>>
          %dma_wait3A_275 = tpu.memref_squeeze %dma_wait3A_274 : memref<1x!tpu.dma_semaphore, #tpu.memory_space<semaphore_mem>> -> memref<!tpu.dma_semaphore, #tpu.memory_space<semaphore_mem>>
          %dma_wait3A_276 = arith.constant 0 : i32
          %dma_wait3A_277 = arith.constant 0 : i32
          %dma_wait3A_278 = tpu.memref_slice %run_scoped3A[%rem3A_267, %dma_wait3A_276, %dma_wait3A_277] : memref<2x1x128xi32, #tpu.memory_space<vmem>> -> memref<1x1x128xi32, #tpu.memory_space<vmem>>
          %dma_wait3A_279 = tpu.memref_squeeze %dma_wait3A_278 : memref<1x1x128xi32, #tpu.memory_space<vmem>> -> memref<1x128xi32, #tpu.memory_space<vmem>>
          %dma_wait3A_280 = arith.constant 0 : i32
          %dma_wait3A_281 = tpu.memref_slice %arg3[%dma_wait3A_280, %mul3A_265] : memref<1x8192xi32, #tpu.memory_space<hbm>> -> memref<1x128xi32, #tpu.memory_space<hbm>>
          tpu.wait_dma2 semaphore(%dma_wait3A_275 : memref<!tpu.dma_semaphore, #tpu.memory_space<semaphore_mem>>) src(%dma_wait3A_281 : memref<1x128xi32, #tpu.memory_space<hbm>>) dst(%dma_wait3A_279 : memref<1x128xi32, #tpu.memory_space<vmem>>)
          "tpu.trace_stop"() : () -> ()
        } else {
        }
        %ne3A_185 = arith.cmpi ne, %add3A_131, %add3A_140 : i32
        %or3A_186 = arith.constant false
        %or3A_187 = arith.ori %or3A_186, %ne3A_185 : i1
        %or3A_188 = arith.constant false
        %or3A_189 = arith.ori %or3A_187, %or3A_188 : i1
        %or3A_190 = arith.ori %or3A_189, %eq3A_128 : i1
        %convert_element_type3A_191 = arith.extui %or3A_190 : i1 to i32
        %cond3A_192 = arith.constant 0 : i32
        %cond3A_193 = arith.cmpi ne, %convert_element_type3A_191, %cond3A_192 : i32
        scf.if %cond3A_193 {
        } else {
        }
        %rem3A_194 = arith.constant 2 : i32
        %rem3A_195 = arith.remui %scan3A_123, %rem3A_194 : i32
        %rem3A_196 = arith.constant 2 : i32
        %rem3A_197 = arith.remui %scan3A_124, %rem3A_196 : i32
        %run_scoped3A_198 = arith.constant 0 : i32
        "tpu.trace_start"() <{level = 10 : i32, message = "ep_run_kernel"}> : () -> ()
        "tpu.region"() ({
          %run_scoped3A_264 = tpu.sem_alloc : memref<!tpu.dma_semaphore, #tpu.memory_space<semaphore_mem>>
          %dma_start3A_265 = arith.constant 0 : i32
          %dma_start3A_266 = arith.constant 0 : i32
          %dma_start3A_267 = tpu.memref_slice %run_scoped3A_8[%rem3A_197, %dma_start3A_265, %dma_start3A_266] : memref<2x128x384xf32, #tpu.memory_space<vmem>> -> memref<1x128x384xf32, #tpu.memory_space<vmem>>
          %dma_start3A_268 = tpu.memref_squeeze %dma_start3A_267 : memref<1x128x384xf32, #tpu.memory_space<vmem>> -> memref<128x384xf32, #tpu.memory_space<vmem>>
          %dma_start3A_269 = arith.constant 0 : i32
          %dma_start3A_270 = arith.constant 0 : i32
          %dma_start3A_271 = tpu.memref_slice %run_scoped3A[%rem3A_195, %dma_start3A_269, %dma_start3A_270] : memref<2x1x128xi32, #tpu.memory_space<vmem>> -> memref<1x1x128xi32, #tpu.memory_space<vmem>>
          %dma_start3A_272 = tpu.memref_squeeze %dma_start3A_271 : memref<1x1x128xi32, #tpu.memory_space<vmem>> -> memref<1x128xi32, #tpu.memory_space<vmem>>
          %dma_start3A_273 = arith.constant 0 : i32
          %dma_start3A_274 = tpu.memref_slice %dma_start3A_272[%run_scoped3A_198, %dma_start3A_273] : memref<1x128xi32, #tpu.memory_space<vmem>> -> memref<1x128xi32, #tpu.memory_space<vmem>>
          %dma_start3A_275 = tpu.memref_squeeze %dma_start3A_274 : memref<1x128xi32, #tpu.memory_space<vmem>> -> memref<128xi32, #tpu.memory_space<vmem>>
          %dma_start3A_276 = arith.constant 0 : i32
          %dma_start3A_277 = arith.constant 0 : i32
          %dma_start3A_278 = tpu.memref_slice %arg2[%dma_start3A_276, %dma_start3A_277] : memref<12288x384xf32, #tpu.memory_space<hbm>> -> memref<12288x384xf32, #tpu.memory_space<hbm>>
          tpu.enqueue_indirect_dma source(%dma_start3A_278 : memref<12288x384xf32, #tpu.memory_space<hbm>>) target(%dma_start3A_268 : memref<128x384xf32, #tpu.memory_space<vmem>>) offsets(%dma_start3A_275 : memref<128xi32, #tpu.memory_space<vmem>>) semaphore(%run_scoped3A_264 : memref<!tpu.dma_semaphore, #tpu.memory_space<semaphore_mem>>)
          %dma_wait3A_279 = arith.constant 0 : i32
          %dma_wait3A_280 = arith.constant 0 : i32
          %dma_wait3A_281 = tpu.memref_slice %run_scoped3A_8[%rem3A_197, %dma_wait3A_279, %dma_wait3A_280] : memref<2x128x384xf32, #tpu.memory_space<vmem>> -> memref<1x128x384xf32, #tpu.memory_space<vmem>>
          %dma_wait3A_282 = tpu.memref_squeeze %dma_wait3A_281 : memref<1x128x384xf32, #tpu.memory_space<vmem>> -> memref<128x384xf32, #tpu.memory_space<vmem>>
          %dma_wait3A_283 = arith.constant 0 : i32
          %dma_wait3A_284 = arith.constant 0 : i32
          %dma_wait3A_285 = tpu.memref_slice %run_scoped3A[%rem3A_195, %dma_wait3A_283, %dma_wait3A_284] : memref<2x1x128xi32, #tpu.memory_space<vmem>> -> memref<1x1x128xi32, #tpu.memory_space<vmem>>
          %dma_wait3A_286 = tpu.memref_squeeze %dma_wait3A_285 : memref<1x1x128xi32, #tpu.memory_space<vmem>> -> memref<1x128xi32, #tpu.memory_space<vmem>>
          %dma_wait3A_287 = arith.constant 0 : i32
          %dma_wait3A_288 = tpu.memref_slice %dma_wait3A_286[%run_scoped3A_198, %dma_wait3A_287] : memref<1x128xi32, #tpu.memory_space<vmem>> -> memref<1x128xi32, #tpu.memory_space<vmem>>
          %dma_wait3A_289 = tpu.memref_squeeze %dma_wait3A_288 : memref<1x128xi32, #tpu.memory_space<vmem>> -> memref<128xi32, #tpu.memory_space<vmem>>
          %dma_wait3A_290 = arith.constant 0 : i32
          %dma_wait3A_291 = arith.constant 0 : i32
          %dma_wait3A_292 = tpu.memref_slice %arg2[%dma_wait3A_290, %dma_wait3A_291] : memref<12288x384xf32, #tpu.memory_space<hbm>> -> memref<12288x384xf32, #tpu.memory_space<hbm>>
          tpu.wait_indirect_dma semaphore(%run_scoped3A_264 : memref<!tpu.dma_semaphore, #tpu.memory_space<semaphore_mem>>) src(%dma_wait3A_292 : memref<12288x384xf32, #tpu.memory_space<hbm>>) dst(%dma_wait3A_282 : memref<128x384xf32, #tpu.memory_space<vmem>>)
          tpu.yield
        }) : () -> ()
        "tpu.trace_stop"() : () -> ()
        %ne3A_199 = arith.cmpi ne, %add3A_131, %add3A_149 : i32
        %or3A_200 = arith.constant false
        %or3A_201 = arith.ori %or3A_200, %ne3A_199 : i1
        %or3A_202 = arith.ori %or3A_201, %eq3A_130 : i1
        %convert_element_type3A_203 = arith.extui %or3A_202 : i1 to i32
        %cond3A_204 = arith.constant 0 : i32
        %cond3A_205 = arith.cmpi ne, %convert_element_type3A_203, %cond3A_204 : i32
        scf.if %cond3A_205 {
        } else {
        }
        %and3A_206 = arith.constant false
        %and3A_207 = arith.andi %or3A_202, %and3A_206 : i1
        %ne3A_208 = arith.cmpi ne, %add3A_131, %add3A_149 : i32
        %or3A_209 = arith.constant false
        %or3A_210 = arith.ori %or3A_209, %ne3A_208 : i1
        %or3A_211 = arith.constant false
        %or3A_212 = arith.ori %or3A_210, %or3A_211 : i1
        %or3A_213 = arith.ori %or3A_212, %eq3A_130 : i1
        %convert_element_type3A_214 = arith.extui %or3A_213 : i1 to i32
        %cond3A_215 = arith.constant 0 : i32
        %cond3A_216 = arith.cmpi ne, %convert_element_type3A_214, %cond3A_215 : i32
        scf.if %cond3A_216 {
          "tpu.trace_start"() <{level = 10 : i32, message = "ep_copy_out"}> : () -> ()
          %rem3A_264 = arith.constant 2 : i32
          %rem3A_265 = arith.remui %scan3A_124, %rem3A_264 : i32
          %mul3A_266 = arith.constant 128 : i32
          %mul3A_267 = arith.muli %mul3A_266, %add3A_131 : i32
          %dma_start3A_268 = arith.constant 0 : i32
          %dma_start3A_269 = arith.constant 0 : i32
          %dma_start3A_270 = tpu.memref_slice %run_scoped3A_8[%rem3A_265, %dma_start3A_268, %dma_start3A_269] : memref<2x128x384xf32, #tpu.memory_space<vmem>> -> memref<1x128x384xf32, #tpu.memory_space<vmem>>
          %dma_start3A_271 = tpu.memref_squeeze %dma_start3A_270 : memref<1x128x384xf32, #tpu.memory_space<vmem>> -> memref<128x384xf32, #tpu.memory_space<vmem>>
          %dma_start3A_272 = arith.constant 0 : i32
          %dma_start3A_273 = tpu.memref_slice %arg4[%mul3A_267, %dma_start3A_272] : memref<8192x384xf32, #tpu.memory_space<hbm>> -> memref<128x384xf32, #tpu.memory_space<hbm>>
          %dma_start3A_274 = tpu.memref_slice %run_scoped3A_9[%rem3A_265] : memref<2x!tpu.dma_semaphore, #tpu.memory_space<semaphore_mem>> -> memref<1x!tpu.dma_semaphore, #tpu.memory_space<semaphore_mem>>
          %dma_start3A_275 = tpu.memref_squeeze %dma_start3A_274 : memref<1x!tpu.dma_semaphore, #tpu.memory_space<semaphore_mem>> -> memref<!tpu.dma_semaphore, #tpu.memory_space<semaphore_mem>>
          %dma_start3A_276 = arith.constant 0 : i32
          %dma_start3A_277 = tpu.memref_slice %arg4[%mul3A_267, %dma_start3A_276] : memref<8192x384xf32, #tpu.memory_space<hbm>> -> memref<128x384xf32, #tpu.memory_space<hbm>>
          %dma_start3A_278 = arith.constant 0 : i32
          %dma_start3A_279 = arith.constant 0 : i32
          %dma_start3A_280 = tpu.memref_slice %run_scoped3A_8[%rem3A_265, %dma_start3A_278, %dma_start3A_279] : memref<2x128x384xf32, #tpu.memory_space<vmem>> -> memref<1x128x384xf32, #tpu.memory_space<vmem>>
          %dma_start3A_281 = tpu.memref_squeeze %dma_start3A_280 : memref<1x128x384xf32, #tpu.memory_space<vmem>> -> memref<128x384xf32, #tpu.memory_space<vmem>>
          tpu.enqueue_dma source(%dma_start3A_281 : memref<128x384xf32, #tpu.memory_space<vmem>>) target(%dma_start3A_277 : memref<128x384xf32, #tpu.memory_space<hbm>>) target_semaphore(%dma_start3A_275 : memref<!tpu.dma_semaphore, #tpu.memory_space<semaphore_mem>>)
          "tpu.trace_stop"() : () -> ()
        } else {
        }
        %and3A_217 = arith.constant true
        %and3A_218 = arith.andi %or3A_213, %and3A_217 : i1
        %add3A_219 = arith.constant 1 : i32
        %add3A_220 = arith.addi %scan3A_124, %add3A_219 : i32
        %select_n3A_221 = arith.select %and3A_218, %add3A_220, %scan3A_124 : i32
        %ne3A_222 = arith.cmpi ne, %add3A_131, %add3A_140 : i32
        %or3A_223 = arith.constant false
        %or3A_224 = arith.ori %or3A_223, %ne3A_222 : i1
        %not3A_225 = arith.constant true
        %not3A_226 = arith.xori %eq3A_128, %not3A_225 : i1
        %and3A_227 = arith.andi %or3A_224, %not3A_226 : i1
        %convert_element_type3A_228 = arith.extui %and3A_227 : i1 to i32
        %cond3A_229 = arith.constant 0 : i32
        %cond3A_230 = arith.cmpi ne, %convert_element_type3A_228, %cond3A_229 : i32
        scf.if %cond3A_230 {
        } else {
        }
        %and3A_231 = arith.constant false
        %and3A_232 = arith.andi %and3A_227, %and3A_231 : i1
        %ne3A_233 = arith.cmpi ne, %add3A_131, %add3A_140 : i32
        %or3A_234 = arith.constant false
        %or3A_235 = arith.ori %or3A_234, %ne3A_233 : i1
        %or3A_236 = arith.constant false
        %or3A_237 = arith.ori %or3A_235, %or3A_236 : i1
        %not3A_238 = arith.constant true
        %not3A_239 = arith.xori %eq3A_128, %not3A_238 : i1
        %and3A_240 = arith.andi %or3A_237, %not3A_239 : i1
        %convert_element_type3A_241 = arith.extui %and3A_240 : i1 to i32
        %cond3A_242 = arith.constant 0 : i32
        %cond3A_243 = arith.cmpi ne, %convert_element_type3A_241, %cond3A_242 : i32
        scf.if %cond3A_243 {
          "tpu.trace_start"() <{level = 10 : i32, message = "ep_wait_out"}> : () -> ()
          %rem3A_264 = arith.constant 2 : i32
          %rem3A_265 = arith.remui %scan3A_125, %rem3A_264 : i32
          %mul3A_266 = arith.constant 128 : i32
          %mul3A_267 = arith.muli %mul3A_266, %add3A_140 : i32
          %dma_wait3A_268 = arith.constant 0 : i32
          %dma_wait3A_269 = arith.constant 0 : i32
          %dma_wait3A_270 = tpu.memref_slice %run_scoped3A_8[%rem3A_265, %dma_wait3A_268, %dma_wait3A_269] : memref<2x128x384xf32, #tpu.memory_space<vmem>> -> memref<1x128x384xf32, #tpu.memory_space<vmem>>
          %dma_wait3A_271 = tpu.memref_squeeze %dma_wait3A_270 : memref<1x128x384xf32, #tpu.memory_space<vmem>> -> memref<128x384xf32, #tpu.memory_space<vmem>>
          %dma_wait3A_272 = arith.constant 0 : i32
          %dma_wait3A_273 = tpu.memref_slice %arg4[%mul3A_267, %dma_wait3A_272] : memref<8192x384xf32, #tpu.memory_space<hbm>> -> memref<128x384xf32, #tpu.memory_space<hbm>>
          %dma_wait3A_274 = tpu.memref_slice %run_scoped3A_9[%rem3A_265] : memref<2x!tpu.dma_semaphore, #tpu.memory_space<semaphore_mem>> -> memref<1x!tpu.dma_semaphore, #tpu.memory_space<semaphore_mem>>
          %dma_wait3A_275 = tpu.memref_squeeze %dma_wait3A_274 : memref<1x!tpu.dma_semaphore, #tpu.memory_space<semaphore_mem>> -> memref<!tpu.dma_semaphore, #tpu.memory_space<semaphore_mem>>
          %dma_wait3A_276 = arith.constant 0 : i32
          %dma_wait3A_277 = tpu.memref_slice %arg4[%mul3A_267, %dma_wait3A_276] : memref<8192x384xf32, #tpu.memory_space<hbm>> -> memref<128x384xf32, #tpu.memory_space<hbm>>
          %dma_wait3A_278 = arith.constant 0 : i32
          %dma_wait3A_279 = arith.constant 0 : i32
          %dma_wait3A_280 = tpu.memref_slice %run_scoped3A_8[%rem3A_265, %dma_wait3A_278, %dma_wait3A_279] : memref<2x128x384xf32, #tpu.memory_space<vmem>> -> memref<1x128x384xf32, #tpu.memory_space<vmem>>
          %dma_wait3A_281 = tpu.memref_squeeze %dma_wait3A_280 : memref<1x128x384xf32, #tpu.memory_space<vmem>> -> memref<128x384xf32, #tpu.memory_space<vmem>>
          tpu.wait_dma2 semaphore(%dma_wait3A_275 : memref<!tpu.dma_semaphore, #tpu.memory_space<semaphore_mem>>) src(%dma_wait3A_281 : memref<128x384xf32, #tpu.memory_space<vmem>>) dst(%dma_wait3A_277 : memref<128x384xf32, #tpu.memory_space<hbm>>)
          "tpu.trace_stop"() : () -> ()
        } else {
        }
        %and3A_244 = arith.constant true
        %and3A_245 = arith.andi %and3A_240, %and3A_244 : i1
        %add3A_246 = arith.constant 1 : i32
        %add3A_247 = arith.addi %scan3A_125, %add3A_246 : i32
        %select_n3A_248 = arith.select %and3A_245, %add3A_247, %scan3A_125 : i32
        %ne3A_249 = arith.cmpi ne, %add3A_131, %add3A_149 : i32
        %or3A_250 = arith.constant false
        %or3A_251 = arith.ori %or3A_250, %ne3A_249 : i1
        %or3A_252 = arith.ori %or3A_251, %eq3A_130 : i1
        %add3A_253 = arith.constant 1 : i32
        %add3A_254 = arith.addi %scan3A_123, %add3A_253 : i32
        %select_n3A_255 = arith.select %or3A_252, %add3A_254, %scan3A_123 : i32
        %add3A_256 = arith.constant 1 : i32
        %add3A_257 = arith.addi %scan3A_126, %add3A_256 : i32
        %select_n3A_258 = arith.constant true
        %select_n3A_259 = arith.select %select_n3A_258, %add3A_257, %scan3A_126 : i32
        %eq3A_260 = arith.constant 2 : i32
        %eq3A_261 = arith.cmpi eq, %select_n3A_259, %eq3A_260 : i32
        %select_n3A_262 = arith.constant 0 : i32
        %select_n3A_263 = arith.select %eq3A_261, %select_n3A_262, %select_n3A_259 : i32
        scf.yield %select_n3A_167, %select_n3A_255, %select_n3A_221, %select_n3A_248, %select_n3A_263 : i32, i32, i32, i32, i32
      }
      %scan3A_68 = arith.constant 2 : i32
      %sub3A = arith.constant 1 : i32
      %sub3A_69 = arith.subi %scan3A_67#4, %sub3A : i32
      %select_n3A_70 = arith.constant true
      %select_n3A_71 = arith.select %select_n3A_70, %sub3A_69, %scan3A_67#4 : i32
      %eq3A_72 = arith.constant -1 : i32
      %eq3A_73 = arith.cmpi eq, %select_n3A_71, %eq3A_72 : i32
      %select_n3A_74 = arith.constant 1 : i32
      %select_n3A_75 = arith.select %eq3A_73, %select_n3A_74, %select_n3A_71 : i32
      %add3A_76 = arith.addi %select_n3A_75, %mul3A_6 : i32
      %sub3A_77 = arith.constant 1 : i32
      %sub3A_78 = arith.subi %select_n3A_75, %sub3A_77 : i32
      %select_n3A_79 = arith.constant true
      %select_n3A_80 = arith.select %select_n3A_79, %sub3A_78, %select_n3A_75 : i32
      %eq3A_81 = arith.constant -1 : i32
      %eq3A_82 = arith.cmpi eq, %select_n3A_80, %eq3A_81 : i32
      %select_n3A_83 = arith.constant 1 : i32
      %select_n3A_84 = arith.select %eq3A_82, %select_n3A_83, %select_n3A_80 : i32
      %add3A_85 = arith.addi %select_n3A_84, %mul3A_6 : i32
      %add3A_86 = arith.constant 1 : i32
      %add3A_87 = arith.addi %select_n3A_75, %add3A_86 : i32
      %select_n3A_88 = arith.constant true
      %select_n3A_89 = arith.select %select_n3A_88, %add3A_87, %select_n3A_75 : i32
      %eq3A_90 = arith.constant 2 : i32
      %eq3A_91 = arith.cmpi eq, %select_n3A_89, %eq3A_90 : i32
      %select_n3A_92 = arith.constant 0 : i32
      %select_n3A_93 = arith.select %eq3A_91, %select_n3A_92, %select_n3A_89 : i32
      %add3A_94 = arith.addi %select_n3A_93, %mul3A_6 : i32
      %add3A_95 = arith.constant 1 : i32
      %add3A_96 = arith.addi %select_n3A_93, %add3A_95 : i32
      %select_n3A_97 = arith.constant true
      %select_n3A_98 = arith.select %select_n3A_97, %add3A_96, %select_n3A_93 : i32
      %eq3A_99 = arith.constant 2 : i32
      %eq3A_100 = arith.cmpi eq, %select_n3A_98, %eq3A_99 : i32
      %select_n3A_101 = arith.constant 0 : i32
      %select_n3A_102 = arith.select %eq3A_100, %select_n3A_101, %select_n3A_98 : i32
      %add3A_103 = arith.addi %select_n3A_102, %mul3A_6 : i32
      "tpu.trace_start"() <{level = 10 : i32, message = "ep_finalize"}> : () -> ()
      %rem3A_104 = arith.constant 2 : i32
      %rem3A_105 = arith.remui %scan3A_67#3, %rem3A_104 : i32
      %mul3A_106 = arith.constant 128 : i32
      %mul3A_107 = arith.muli %mul3A_106, %add3A_76 : i32
      %dma_wait3A = arith.constant 0 : i32
      %dma_wait3A_108 = arith.constant 0 : i32
      %dma_wait3A_109 = tpu.memref_slice %run_scoped3A_8[%rem3A_105, %dma_wait3A, %dma_wait3A_108] : memref<2x128x384xf32, #tpu.memory_space<vmem>> -> memref<1x128x384xf32, #tpu.memory_space<vmem>>
      %dma_wait3A_110 = tpu.memref_squeeze %dma_wait3A_109 : memref<1x128x384xf32, #tpu.memory_space<vmem>> -> memref<128x384xf32, #tpu.memory_space<vmem>>
      %dma_wait3A_111 = arith.constant 0 : i32
      %dma_wait3A_112 = tpu.memref_slice %arg4[%mul3A_107, %dma_wait3A_111] : memref<8192x384xf32, #tpu.memory_space<hbm>> -> memref<128x384xf32, #tpu.memory_space<hbm>>
      %dma_wait3A_113 = tpu.memref_slice %run_scoped3A_9[%rem3A_105] : memref<2x!tpu.dma_semaphore, #tpu.memory_space<semaphore_mem>> -> memref<1x!tpu.dma_semaphore, #tpu.memory_space<semaphore_mem>>
      %dma_wait3A_114 = tpu.memref_squeeze %dma_wait3A_113 : memref<1x!tpu.dma_semaphore, #tpu.memory_space<semaphore_mem>> -> memref<!tpu.dma_semaphore, #tpu.memory_space<semaphore_mem>>
      %dma_wait3A_115 = arith.constant 0 : i32
      %dma_wait3A_116 = tpu.memref_slice %arg4[%mul3A_107, %dma_wait3A_115] : memref<8192x384xf32, #tpu.memory_space<hbm>> -> memref<128x384xf32, #tpu.memory_space<hbm>>
      %dma_wait3A_117 = arith.constant 0 : i32
      %dma_wait3A_118 = arith.constant 0 : i32
      %dma_wait3A_119 = tpu.memref_slice %run_scoped3A_8[%rem3A_105, %dma_wait3A_117, %dma_wait3A_118] : memref<2x128x384xf32, #tpu.memory_space<vmem>> -> memref<1x128x384xf32, #tpu.memory_space<vmem>>
      %dma_wait3A_120 = tpu.memref_squeeze %dma_wait3A_119 : memref<1x128x384xf32, #tpu.memory_space<vmem>> -> memref<128x384xf32, #tpu.memory_space<vmem>>
      tpu.wait_dma2 semaphore(%dma_wait3A_114 : memref<!tpu.dma_semaphore, #tpu.memory_space<semaphore_mem>>) src(%dma_wait3A_120 : memref<128x384xf32, #tpu.memory_space<vmem>>) dst(%dma_wait3A_116 : memref<128x384xf32, #tpu.memory_space<hbm>>)
      "tpu.trace_stop"() : () -> ()
      tpu.yield
    }) : () -> ()
    return
  }
}

#map = affine_map<(d0, d1) -> (0, 0)>
module attributes {stable_mosaic.version = 14 : i64} {
  func.func @k(%arg0: i32, %arg1: i32, %arg2: memref<4096x384xf32, #tpu.memory_space<hbm>>, %arg3: memref<1x8192xi32, #tpu.memory_space<hbm>>, %arg4: memref<12288x384xf32, #tpu.memory_space<hbm>>) attributes {dimension_semantics = [#tpu.dimension_semantics<core_parallel>, #tpu.dimension_semantics<subcore_parallel>], iteration_bounds = array<i64: 2, 16>, scalar_prefetch = 0 : i64, scratch_operands = 0 : i64, tpu.core_type = #tpu.core_type<sc_vector_subcore>, window_params = [{transform_indices = #map}, {transform_indices = #map}, {transform_indices = #map}]} {
    %mul3A = arith.constant 1 : i32
    %mul3A_0 = arith.muli %arg1, %mul3A : i32
    %add3A = arith.constant 0 : i32
    %add3A_1 = arith.addi %add3A, %mul3A_0 : i32
    %mul3A_2 = arith.constant 16 : i32
    %mul3A_3 = arith.muli %arg0, %mul3A_2 : i32
    %add3A_4 = arith.addi %add3A_1, %mul3A_3 : i32
    %mul3A_5 = arith.constant 2 : i32
    %mul3A_6 = arith.muli %add3A_4, %mul3A_5 : i32
    "tpu.region"() ({
      %run_scoped3A = memref.alloca() : memref<2x128x384xf32, #tpu.memory_space<vmem>>
      %run_scoped3A_7 = tpu.sem_alloc : memref<2x!tpu.dma_semaphore, #tpu.memory_space<semaphore_mem>>
      %run_scoped3A_8 = memref.alloca() : memref<2x1x128xi32, #tpu.memory_space<vmem>>
      %run_scoped3A_9 = tpu.sem_alloc : memref<2x!tpu.dma_semaphore, #tpu.memory_space<semaphore_mem>>
      %add3A_10 = arith.constant 0 : i32
      %add3A_11 = arith.addi %add3A_10, %mul3A_6 : i32
      %select_n3A = arith.constant true
      %select_n3A_12 = arith.constant 0 : i32
      %select_n3A_13 = arith.constant -1 : i32
      %select_n3A_14 = arith.select %select_n3A, %select_n3A_13, %select_n3A_12 : i32
      %eq3A = arith.constant -1 : i32
      %eq3A_15 = arith.cmpi eq, %select_n3A_14, %eq3A : i32
      %select_n3A_16 = arith.constant 1 : i32
      %select_n3A_17 = arith.select %eq3A_15, %select_n3A_16, %select_n3A_14 : i32
      %add3A_18 = arith.addi %select_n3A_17, %mul3A_6 : i32
      %select_n3A_19 = arith.constant true
      %select_n3A_20 = arith.constant 0 : i32
      %select_n3A_21 = arith.constant 1 : i32
      %select_n3A_22 = arith.select %select_n3A_19, %select_n3A_21, %select_n3A_20 : i32
      %eq3A_23 = arith.constant 2 : i32
      %eq3A_24 = arith.cmpi eq, %select_n3A_22, %eq3A_23 : i32
      %select_n3A_25 = arith.constant 0 : i32
      %select_n3A_26 = arith.select %eq3A_24, %select_n3A_25, %select_n3A_22 : i32
      %add3A_27 = arith.addi %select_n3A_26, %mul3A_6 : i32
      %add3A_28 = arith.constant 1 : i32
      %add3A_29 = arith.addi %select_n3A_26, %add3A_28 : i32
      %select_n3A_30 = arith.constant true
      %select_n3A_31 = arith.select %select_n3A_30, %add3A_29, %select_n3A_26 : i32
      %eq3A_32 = arith.constant 2 : i32
      %eq3A_33 = arith.cmpi eq, %select_n3A_31, %eq3A_32 : i32
      %select_n3A_34 = arith.constant 0 : i32
      %select_n3A_35 = arith.select %eq3A_33, %select_n3A_34, %select_n3A_31 : i32
      %add3A_36 = arith.addi %select_n3A_35, %mul3A_6 : i32
      "tpu.trace_start"() <{level = 10 : i32, message = "ep_initialize_0"}> : () -> ()
      %rem3A = arith.constant 0 : i32
      %rem3A_37 = arith.constant 2 : i32
      %rem3A_38 = arith.remui %rem3A, %rem3A_37 : i32
      %rem3A_39 = arith.constant 32 : i32
      %rem3A_40 = arith.remsi %add3A_11, %rem3A_39 : i32
      %mul3A_41 = arith.constant 128 : i32
      %mul3A_42 = arith.muli %mul3A_41, %rem3A_40 : i32
      %dma_start3A = arith.constant 0 : i32
      %dma_start3A_43 = arith.constant 0 : i32
      %dma_start3A_44 = tpu.memref_slice %run_scoped3A[%rem3A_38, %dma_start3A, %dma_start3A_43] : memref<2x128x384xf32, #tpu.memory_space<vmem>> -> memref<1x128x384xf32, #tpu.memory_space<vmem>>
      %dma_start3A_45 = tpu.memref_squeeze %dma_start3A_44 : memref<1x128x384xf32, #tpu.memory_space<vmem>> -> memref<128x384xf32, #tpu.memory_space<vmem>>
      %dma_start3A_46 = arith.constant 0 : i32
      %dma_start3A_47 = tpu.memref_slice %arg2[%mul3A_42, %dma_start3A_46] : memref<4096x384xf32, #tpu.memory_space<hbm>> -> memref<128x384xf32, #tpu.memory_space<hbm>>
      %dma_start3A_48 = tpu.memref_slice %run_scoped3A_7[%rem3A_38] : memref<2x!tpu.dma_semaphore, #tpu.memory_space<semaphore_mem>> -> memref<1x!tpu.dma_semaphore, #tpu.memory_space<semaphore_mem>>
      %dma_start3A_49 = tpu.memref_squeeze %dma_start3A_48 : memref<1x!tpu.dma_semaphore, #tpu.memory_space<semaphore_mem>> -> memref<!tpu.dma_semaphore, #tpu.memory_space<semaphore_mem>>
      %dma_start3A_50 = arith.constant 0 : i32
      %dma_start3A_51 = arith.constant 0 : i32
      %dma_start3A_52 = tpu.memref_slice %run_scoped3A[%rem3A_38, %dma_start3A_50, %dma_start3A_51] : memref<2x128x384xf32, #tpu.memory_space<vmem>> -> memref<1x128x384xf32, #tpu.memory_space<vmem>>
      %dma_start3A_53 = tpu.memref_squeeze %dma_start3A_52 : memref<1x128x384xf32, #tpu.memory_space<vmem>> -> memref<128x384xf32, #tpu.memory_space<vmem>>
      %dma_start3A_54 = arith.constant 0 : i32
      %dma_start3A_55 = tpu.memref_slice %arg2[%mul3A_42, %dma_start3A_54] : memref<4096x384xf32, #tpu.memory_space<hbm>> -> memref<128x384xf32, #tpu.memory_space<hbm>>
      tpu.enqueue_dma source(%dma_start3A_55 : memref<128x384xf32, #tpu.memory_space<hbm>>) target(%dma_start3A_53 : memref<128x384xf32, #tpu.memory_space<vmem>>) target_semaphore(%dma_start3A_49 : memref<!tpu.dma_semaphore, #tpu.memory_space<semaphore_mem>>)
      %add3A_56 = arith.constant 0 : i32
      %add3A_57 = arith.constant 1 : i32
      %add3A_58 = arith.addi %add3A_56, %add3A_57 : i32
      %select_n3A_59 = arith.constant true
      %select_n3A_60 = arith.constant 0 : i32
      %select_n3A_61 = arith.select %select_n3A_59, %add3A_58, %select_n3A_60 : i32
      %rem3A_62 = arith.constant 0 : i32
      %rem3A_63 = arith.constant 2 : i32
      %rem3A_64 = arith.remui %rem3A_62, %rem3A_63 : i32
      %mul3A_65 = arith.constant 128 : i32
      %mul3A_66 = arith.muli %mul3A_65, %add3A_11 : i32
      %dma_start3A_67 = arith.constant 0 : i32
      %dma_start3A_68 = arith.constant 0 : i32
      %dma_start3A_69 = tpu.memref_slice %run_scoped3A_8[%rem3A_64, %dma_start3A_67, %dma_start3A_68] : memref<2x1x128xi32, #tpu.memory_space<vmem>> -> memref<1x1x128xi32, #tpu.memory_space<vmem>>
      %dma_start3A_70 = tpu.memref_squeeze %dma_start3A_69 : memref<1x1x128xi32, #tpu.memory_space<vmem>> -> memref<1x128xi32, #tpu.memory_space<vmem>>
      %dma_start3A_71 = arith.constant 0 : i32
      %dma_start3A_72 = tpu.memref_slice %arg3[%dma_start3A_71, %mul3A_66] : memref<1x8192xi32, #tpu.memory_space<hbm>> -> memref<1x128xi32, #tpu.memory_space<hbm>>
      %dma_start3A_73 = tpu.memref_slice %run_scoped3A_9[%rem3A_64] : memref<2x!tpu.dma_semaphore, #tpu.memory_space<semaphore_mem>> -> memref<1x!tpu.dma_semaphore, #tpu.memory_space<semaphore_mem>>
      %dma_start3A_74 = tpu.memref_squeeze %dma_start3A_73 : memref<1x!tpu.dma_semaphore, #tpu.memory_space<semaphore_mem>> -> memref<!tpu.dma_semaphore, #tpu.memory_space<semaphore_mem>>
      %dma_start3A_75 = arith.constant 0 : i32
      %dma_start3A_76 = arith.constant 0 : i32
      %dma_start3A_77 = tpu.memref_slice %run_scoped3A_8[%rem3A_64, %dma_start3A_75, %dma_start3A_76] : memref<2x1x128xi32, #tpu.memory_space<vmem>> -> memref<1x1x128xi32, #tpu.memory_space<vmem>>
      %dma_start3A_78 = tpu.memref_squeeze %dma_start3A_77 : memref<1x1x128xi32, #tpu.memory_space<vmem>> -> memref<1x128xi32, #tpu.memory_space<vmem>>
      %dma_start3A_79 = arith.constant 0 : i32
      %dma_start3A_80 = tpu.memref_slice %arg3[%dma_start3A_79, %mul3A_66] : memref<1x8192xi32, #tpu.memory_space<hbm>> -> memref<1x128xi32, #tpu.memory_space<hbm>>
      tpu.enqueue_dma source(%dma_start3A_80 : memref<1x128xi32, #tpu.memory_space<hbm>>) target(%dma_start3A_78 : memref<1x128xi32, #tpu.memory_space<vmem>>) target_semaphore(%dma_start3A_74 : memref<!tpu.dma_semaphore, #tpu.memory_space<semaphore_mem>>)
      %add3A_81 = arith.constant 0 : i32
      %add3A_82 = arith.constant 1 : i32
      %add3A_83 = arith.addi %add3A_81, %add3A_82 : i32
      %select_n3A_84 = arith.constant true
      %select_n3A_85 = arith.constant 0 : i32
      %select_n3A_86 = arith.select %select_n3A_84, %add3A_83, %select_n3A_85 : i32
      "tpu.trace_stop"() : () -> ()
      %scan3A = arith.constant 0 : i32
      %scan3A_87 = arith.constant 0 : i32
      %scan3A_88 = arith.constant 0 : i32
      %scan3A_89 = arith.constant 0 : i32
      %scan3A_90 = arith.constant 2 : i32
      %scan3A_91 = arith.addi %scan3A_89, %scan3A_90 : i32
      %scan3A_92 = arith.constant 1 : i32
      %scan3A_93:5 = scf.for %scan3A_130 = %scan3A_89 to %scan3A_91 step %scan3A_92 iter_args(%scan3A_131 = %select_n3A_61, %scan3A_132 = %scan3A, %scan3A_133 = %select_n3A_86, %scan3A_134 = %scan3A_87, %scan3A_135 = %scan3A_88) -> (i32, i32, i32, i32, i32)  : i32 {
        %eq3A_136 = arith.constant 0 : i32
        %eq3A_137 = arith.cmpi eq, %scan3A_130, %eq3A_136 : i32
        %eq3A_138 = arith.constant 1 : i32
        %eq3A_139 = arith.cmpi eq, %scan3A_130, %eq3A_138 : i32
        %add3A_140 = arith.addi %scan3A_135, %mul3A_6 : i32
        %sub3A_141 = arith.constant 1 : i32
        %sub3A_142 = arith.subi %scan3A_135, %sub3A_141 : i32
        %select_n3A_143 = arith.constant true
        %select_n3A_144 = arith.select %select_n3A_143, %sub3A_142, %scan3A_135 : i32
        %eq3A_145 = arith.constant -1 : i32
        %eq3A_146 = arith.cmpi eq, %select_n3A_144, %eq3A_145 : i32
        %select_n3A_147 = arith.constant 1 : i32
        %select_n3A_148 = arith.select %eq3A_146, %select_n3A_147, %select_n3A_144 : i32
        %add3A_149 = arith.addi %select_n3A_148, %mul3A_6 : i32
        %add3A_150 = arith.constant 1 : i32
        %add3A_151 = arith.addi %scan3A_135, %add3A_150 : i32
        %select_n3A_152 = arith.constant true
        %select_n3A_153 = arith.select %select_n3A_152, %add3A_151, %scan3A_135 : i32
        %eq3A_154 = arith.constant 2 : i32
        %eq3A_155 = arith.cmpi eq, %select_n3A_153, %eq3A_154 : i32
        %select_n3A_156 = arith.constant 0 : i32
        %select_n3A_157 = arith.select %eq3A_155, %select_n3A_156, %select_n3A_153 : i32
        %add3A_158 = arith.addi %select_n3A_157, %mul3A_6 : i32
        %add3A_159 = arith.constant 1 : i32
        %add3A_160 = arith.addi %select_n3A_157, %add3A_159 : i32
        %select_n3A_161 = arith.constant true
        %select_n3A_162 = arith.select %select_n3A_161, %add3A_160, %select_n3A_157 : i32
        %eq3A_163 = arith.constant 2 : i32
        %eq3A_164 = arith.cmpi eq, %select_n3A_162, %eq3A_163 : i32
        %select_n3A_165 = arith.constant 0 : i32
        %select_n3A_166 = arith.select %eq3A_164, %select_n3A_165, %select_n3A_162 : i32
        %add3A_167 = arith.addi %select_n3A_166, %mul3A_6 : i32
        %rem3A_168 = arith.constant 32 : i32
        %rem3A_169 = arith.remsi %add3A_140, %rem3A_168 : i32
        %rem3A_170 = arith.constant 32 : i32
        %rem3A_171 = arith.remsi %add3A_158, %rem3A_170 : i32
        %ne3A = arith.cmpi ne, %rem3A_169, %rem3A_171 : i32
        %or3A = arith.constant false
        %or3A_172 = arith.ori %or3A, %ne3A : i1
        %or3A_173 = arith.constant false
        %or3A_174 = arith.ori %or3A_172, %or3A_173 : i1
        %ge3A = arith.constant 1 : i32
        %ge3A_175 = arith.cmpi sge, %scan3A_130, %ge3A : i32
        %not3A = arith.constant true
        %not3A_176 = arith.xori %ge3A_175, %not3A : i1
        %and3A = arith.andi %or3A_174, %not3A_176 : i1
        %convert_element_type3A = arith.extui %and3A : i1 to i32
        %cond3A = arith.constant 0 : i32
        %cond3A_177 = arith.cmpi ne, %convert_element_type3A, %cond3A : i32
        scf.if %cond3A_177 {
          "tpu.trace_start"() <{level = 10 : i32, message = "ep_copy_in"}> : () -> ()
          %rem3A_304 = arith.constant 2 : i32
          %rem3A_305 = arith.remui %scan3A_131, %rem3A_304 : i32
          %rem3A_306 = arith.constant 32 : i32
          %rem3A_307 = arith.remsi %add3A_158, %rem3A_306 : i32
          %mul3A_308 = arith.constant 128 : i32
          %mul3A_309 = arith.muli %mul3A_308, %rem3A_307 : i32
          %dma_start3A_310 = arith.constant 0 : i32
          %dma_start3A_311 = arith.constant 0 : i32
          %dma_start3A_312 = tpu.memref_slice %run_scoped3A[%rem3A_305, %dma_start3A_310, %dma_start3A_311] : memref<2x128x384xf32, #tpu.memory_space<vmem>> -> memref<1x128x384xf32, #tpu.memory_space<vmem>>
          %dma_start3A_313 = tpu.memref_squeeze %dma_start3A_312 : memref<1x128x384xf32, #tpu.memory_space<vmem>> -> memref<128x384xf32, #tpu.memory_space<vmem>>
          %dma_start3A_314 = arith.constant 0 : i32
          %dma_start3A_315 = tpu.memref_slice %arg2[%mul3A_309, %dma_start3A_314] : memref<4096x384xf32, #tpu.memory_space<hbm>> -> memref<128x384xf32, #tpu.memory_space<hbm>>
          %dma_start3A_316 = tpu.memref_slice %run_scoped3A_7[%rem3A_305] : memref<2x!tpu.dma_semaphore, #tpu.memory_space<semaphore_mem>> -> memref<1x!tpu.dma_semaphore, #tpu.memory_space<semaphore_mem>>
          %dma_start3A_317 = tpu.memref_squeeze %dma_start3A_316 : memref<1x!tpu.dma_semaphore, #tpu.memory_space<semaphore_mem>> -> memref<!tpu.dma_semaphore, #tpu.memory_space<semaphore_mem>>
          %dma_start3A_318 = arith.constant 0 : i32
          %dma_start3A_319 = arith.constant 0 : i32
          %dma_start3A_320 = tpu.memref_slice %run_scoped3A[%rem3A_305, %dma_start3A_318, %dma_start3A_319] : memref<2x128x384xf32, #tpu.memory_space<vmem>> -> memref<1x128x384xf32, #tpu.memory_space<vmem>>
          %dma_start3A_321 = tpu.memref_squeeze %dma_start3A_320 : memref<1x128x384xf32, #tpu.memory_space<vmem>> -> memref<128x384xf32, #tpu.memory_space<vmem>>
          %dma_start3A_322 = arith.constant 0 : i32
          %dma_start3A_323 = tpu.memref_slice %arg2[%mul3A_309, %dma_start3A_322] : memref<4096x384xf32, #tpu.memory_space<hbm>> -> memref<128x384xf32, #tpu.memory_space<hbm>>
          tpu.enqueue_dma source(%dma_start3A_323 : memref<128x384xf32, #tpu.memory_space<hbm>>) target(%dma_start3A_321 : memref<128x384xf32, #tpu.memory_space<vmem>>) target_semaphore(%dma_start3A_317 : memref<!tpu.dma_semaphore, #tpu.memory_space<semaphore_mem>>)
          "tpu.trace_stop"() : () -> ()
        } else {
        }
        %and3A_178 = arith.constant true
        %and3A_179 = arith.andi %and3A, %and3A_178 : i1
        %add3A_180 = arith.constant 1 : i32
        %add3A_181 = arith.addi %scan3A_131, %add3A_180 : i32
        %select_n3A_182 = arith.select %and3A_179, %add3A_181, %scan3A_131 : i32
        %ne3A_183 = arith.cmpi ne, %add3A_140, %add3A_158 : i32
        %or3A_184 = arith.constant false
        %or3A_185 = arith.ori %or3A_184, %ne3A_183 : i1
        %ge3A_186 = arith.constant 1 : i32
        %ge3A_187 = arith.cmpi sge, %scan3A_130, %ge3A_186 : i32
        %not3A_188 = arith.constant true
        %not3A_189 = arith.xori %ge3A_187, %not3A_188 : i1
        %and3A_190 = arith.andi %or3A_185, %not3A_189 : i1
        %convert_element_type3A_191 = arith.extui %and3A_190 : i1 to i32
        %cond3A_192 = arith.constant 0 : i32
        %cond3A_193 = arith.cmpi ne, %convert_element_type3A_191, %cond3A_192 : i32
        scf.if %cond3A_193 {
          "tpu.trace_start"() <{level = 10 : i32, message = "ep_copy_in"}> : () -> ()
          %rem3A_304 = arith.constant 2 : i32
          %rem3A_305 = arith.remui %scan3A_133, %rem3A_304 : i32
          %mul3A_306 = arith.constant 128 : i32
          %mul3A_307 = arith.muli %mul3A_306, %add3A_158 : i32
          %dma_start3A_308 = arith.constant 0 : i32
          %dma_start3A_309 = arith.constant 0 : i32
          %dma_start3A_310 = tpu.memref_slice %run_scoped3A_8[%rem3A_305, %dma_start3A_308, %dma_start3A_309] : memref<2x1x128xi32, #tpu.memory_space<vmem>> -> memref<1x1x128xi32, #tpu.memory_space<vmem>>
          %dma_start3A_311 = tpu.memref_squeeze %dma_start3A_310 : memref<1x1x128xi32, #tpu.memory_space<vmem>> -> memref<1x128xi32, #tpu.memory_space<vmem>>
          %dma_start3A_312 = arith.constant 0 : i32
          %dma_start3A_313 = tpu.memref_slice %arg3[%dma_start3A_312, %mul3A_307] : memref<1x8192xi32, #tpu.memory_space<hbm>> -> memref<1x128xi32, #tpu.memory_space<hbm>>
          %dma_start3A_314 = tpu.memref_slice %run_scoped3A_9[%rem3A_305] : memref<2x!tpu.dma_semaphore, #tpu.memory_space<semaphore_mem>> -> memref<1x!tpu.dma_semaphore, #tpu.memory_space<semaphore_mem>>
          %dma_start3A_315 = tpu.memref_squeeze %dma_start3A_314 : memref<1x!tpu.dma_semaphore, #tpu.memory_space<semaphore_mem>> -> memref<!tpu.dma_semaphore, #tpu.memory_space<semaphore_mem>>
          %dma_start3A_316 = arith.constant 0 : i32
          %dma_start3A_317 = arith.constant 0 : i32
          %dma_start3A_318 = tpu.memref_slice %run_scoped3A_8[%rem3A_305, %dma_start3A_316, %dma_start3A_317] : memref<2x1x128xi32, #tpu.memory_space<vmem>> -> memref<1x1x128xi32, #tpu.memory_space<vmem>>
          %dma_start3A_319 = tpu.memref_squeeze %dma_start3A_318 : memref<1x1x128xi32, #tpu.memory_space<vmem>> -> memref<1x128xi32, #tpu.memory_space<vmem>>
          %dma_start3A_320 = arith.constant 0 : i32
          %dma_start3A_321 = tpu.memref_slice %arg3[%dma_start3A_320, %mul3A_307] : memref<1x8192xi32, #tpu.memory_space<hbm>> -> memref<1x128xi32, #tpu.memory_space<hbm>>
          tpu.enqueue_dma source(%dma_start3A_321 : memref<1x128xi32, #tpu.memory_space<hbm>>) target(%dma_start3A_319 : memref<1x128xi32, #tpu.memory_space<vmem>>) target_semaphore(%dma_start3A_315 : memref<!tpu.dma_semaphore, #tpu.memory_space<semaphore_mem>>)
          "tpu.trace_stop"() : () -> ()
        } else {
        }
        %and3A_194 = arith.constant true
        %and3A_195 = arith.andi %and3A_190, %and3A_194 : i1
        %add3A_196 = arith.constant 1 : i32
        %add3A_197 = arith.addi %scan3A_133, %add3A_196 : i32
        %select_n3A_198 = arith.select %and3A_195, %add3A_197, %scan3A_133 : i32
        %rem3A_199 = arith.constant 32 : i32
        %rem3A_200 = arith.remsi %add3A_140, %rem3A_199 : i32
        %rem3A_201 = arith.constant 32 : i32
        %rem3A_202 = arith.remsi %add3A_149, %rem3A_201 : i32
        %ne3A_203 = arith.cmpi ne, %rem3A_200, %rem3A_202 : i32
        %or3A_204 = arith.constant false
        %or3A_205 = arith.ori %or3A_204, %ne3A_203 : i1
        %or3A_206 = arith.constant false
        %or3A_207 = arith.ori %or3A_205, %or3A_206 : i1
        %or3A_208 = arith.ori %or3A_207, %eq3A_137 : i1
        %convert_element_type3A_209 = arith.extui %or3A_208 : i1 to i32
        %cond3A_210 = arith.constant 0 : i32
        %cond3A_211 = arith.cmpi ne, %convert_element_type3A_209, %cond3A_210 : i32
        scf.if %cond3A_211 {
          "tpu.trace_start"() <{level = 10 : i32, message = "ep_wait_in"}> : () -> ()
          %rem3A_304 = arith.constant 32 : i32
          %rem3A_305 = arith.remsi %add3A_140, %rem3A_304 : i32
          %mul3A_306 = arith.constant 128 : i32
          %mul3A_307 = arith.muli %mul3A_306, %rem3A_305 : i32
          %rem3A_308 = arith.constant 2 : i32
          %rem3A_309 = arith.remui %scan3A_132, %rem3A_308 : i32
          %dma_wait3A = arith.constant 0 : i32
          %dma_wait3A_310 = arith.constant 0 : i32
          %dma_wait3A_311 = tpu.memref_slice %run_scoped3A[%rem3A_309, %dma_wait3A, %dma_wait3A_310] : memref<2x128x384xf32, #tpu.memory_space<vmem>> -> memref<1x128x384xf32, #tpu.memory_space<vmem>>
          %dma_wait3A_312 = tpu.memref_squeeze %dma_wait3A_311 : memref<1x128x384xf32, #tpu.memory_space<vmem>> -> memref<128x384xf32, #tpu.memory_space<vmem>>
          %dma_wait3A_313 = arith.constant 0 : i32
          %dma_wait3A_314 = tpu.memref_slice %arg2[%mul3A_307, %dma_wait3A_313] : memref<4096x384xf32, #tpu.memory_space<hbm>> -> memref<128x384xf32, #tpu.memory_space<hbm>>
          %dma_wait3A_315 = tpu.memref_slice %run_scoped3A_7[%rem3A_309] : memref<2x!tpu.dma_semaphore, #tpu.memory_space<semaphore_mem>> -> memref<1x!tpu.dma_semaphore, #tpu.memory_space<semaphore_mem>>
          %dma_wait3A_316 = tpu.memref_squeeze %dma_wait3A_315 : memref<1x!tpu.dma_semaphore, #tpu.memory_space<semaphore_mem>> -> memref<!tpu.dma_semaphore, #tpu.memory_space<semaphore_mem>>
          %dma_wait3A_317 = arith.constant 0 : i32
          %dma_wait3A_318 = arith.constant 0 : i32
          %dma_wait3A_319 = tpu.memref_slice %run_scoped3A[%rem3A_309, %dma_wait3A_317, %dma_wait3A_318] : memref<2x128x384xf32, #tpu.memory_space<vmem>> -> memref<1x128x384xf32, #tpu.memory_space<vmem>>
          %dma_wait3A_320 = tpu.memref_squeeze %dma_wait3A_319 : memref<1x128x384xf32, #tpu.memory_space<vmem>> -> memref<128x384xf32, #tpu.memory_space<vmem>>
          %dma_wait3A_321 = arith.constant 0 : i32
          %dma_wait3A_322 = tpu.memref_slice %arg2[%mul3A_307, %dma_wait3A_321] : memref<4096x384xf32, #tpu.memory_space<hbm>> -> memref<128x384xf32, #tpu.memory_space<hbm>>
          tpu.wait_dma2 semaphore(%dma_wait3A_316 : memref<!tpu.dma_semaphore, #tpu.memory_space<semaphore_mem>>) src(%dma_wait3A_322 : memref<128x384xf32, #tpu.memory_space<hbm>>) dst(%dma_wait3A_320 : memref<128x384xf32, #tpu.memory_space<vmem>>)
          "tpu.trace_stop"() : () -> ()
        } else {
        }
        %ne3A_212 = arith.cmpi ne, %add3A_140, %add3A_149 : i32
        %or3A_213 = arith.constant false
        %or3A_214 = arith.ori %or3A_213, %ne3A_212 : i1
        %or3A_215 = arith.ori %or3A_214, %eq3A_137 : i1
        %convert_element_type3A_216 = arith.extui %or3A_215 : i1 to i32
        %cond3A_217 = arith.constant 0 : i32
        %cond3A_218 = arith.cmpi ne, %convert_element_type3A_216, %cond3A_217 : i32
        scf.if %cond3A_218 {
          "tpu.trace_start"() <{level = 10 : i32, message = "ep_wait_in"}> : () -> ()
          %mul3A_304 = arith.constant 128 : i32
          %mul3A_305 = arith.muli %mul3A_304, %add3A_140 : i32
          %rem3A_306 = arith.constant 2 : i32
          %rem3A_307 = arith.remui %scan3A_134, %rem3A_306 : i32
          %dma_wait3A = arith.constant 0 : i32
          %dma_wait3A_308 = arith.constant 0 : i32
          %dma_wait3A_309 = tpu.memref_slice %run_scoped3A_8[%rem3A_307, %dma_wait3A, %dma_wait3A_308] : memref<2x1x128xi32, #tpu.memory_space<vmem>> -> memref<1x1x128xi32, #tpu.memory_space<vmem>>
          %dma_wait3A_310 = tpu.memref_squeeze %dma_wait3A_309 : memref<1x1x128xi32, #tpu.memory_space<vmem>> -> memref<1x128xi32, #tpu.memory_space<vmem>>
          %dma_wait3A_311 = arith.constant 0 : i32
          %dma_wait3A_312 = tpu.memref_slice %arg3[%dma_wait3A_311, %mul3A_305] : memref<1x8192xi32, #tpu.memory_space<hbm>> -> memref<1x128xi32, #tpu.memory_space<hbm>>
          %dma_wait3A_313 = tpu.memref_slice %run_scoped3A_9[%rem3A_307] : memref<2x!tpu.dma_semaphore, #tpu.memory_space<semaphore_mem>> -> memref<1x!tpu.dma_semaphore, #tpu.memory_space<semaphore_mem>>
          %dma_wait3A_314 = tpu.memref_squeeze %dma_wait3A_313 : memref<1x!tpu.dma_semaphore, #tpu.memory_space<semaphore_mem>> -> memref<!tpu.dma_semaphore, #tpu.memory_space<semaphore_mem>>
          %dma_wait3A_315 = arith.constant 0 : i32
          %dma_wait3A_316 = arith.constant 0 : i32
          %dma_wait3A_317 = tpu.memref_slice %run_scoped3A_8[%rem3A_307, %dma_wait3A_315, %dma_wait3A_316] : memref<2x1x128xi32, #tpu.memory_space<vmem>> -> memref<1x1x128xi32, #tpu.memory_space<vmem>>
          %dma_wait3A_318 = tpu.memref_squeeze %dma_wait3A_317 : memref<1x1x128xi32, #tpu.memory_space<vmem>> -> memref<1x128xi32, #tpu.memory_space<vmem>>
          %dma_wait3A_319 = arith.constant 0 : i32
          %dma_wait3A_320 = tpu.memref_slice %arg3[%dma_wait3A_319, %mul3A_305] : memref<1x8192xi32, #tpu.memory_space<hbm>> -> memref<1x128xi32, #tpu.memory_space<hbm>>
          tpu.wait_dma2 semaphore(%dma_wait3A_314 : memref<!tpu.dma_semaphore, #tpu.memory_space<semaphore_mem>>) src(%dma_wait3A_320 : memref<1x128xi32, #tpu.memory_space<hbm>>) dst(%dma_wait3A_318 : memref<1x128xi32, #tpu.memory_space<vmem>>)
          "tpu.trace_stop"() : () -> ()
        } else {
        }
        %rem3A_219 = arith.constant 2 : i32
        %rem3A_220 = arith.remui %scan3A_132, %rem3A_219 : i32
        %rem3A_221 = arith.constant 2 : i32
        %rem3A_222 = arith.remui %scan3A_134, %rem3A_221 : i32
        %run_scoped3A_223 = arith.constant 0 : i32
        "tpu.trace_start"() <{level = 10 : i32, message = "ep_run_kernel"}> : () -> ()
        "tpu.region"() ({
          %run_scoped3A_304 = tpu.sem_alloc : memref<!tpu.dma_semaphore, #tpu.memory_space<semaphore_mem>>
          %dma_start3A_305 = arith.constant 0 : i32
          %dma_start3A_306 = arith.constant 0 : i32
          %dma_start3A_307 = tpu.memref_slice %run_scoped3A[%rem3A_220, %dma_start3A_305, %dma_start3A_306] : memref<2x128x384xf32, #tpu.memory_space<vmem>> -> memref<1x128x384xf32, #tpu.memory_space<vmem>>
          %dma_start3A_308 = tpu.memref_squeeze %dma_start3A_307 : memref<1x128x384xf32, #tpu.memory_space<vmem>> -> memref<128x384xf32, #tpu.memory_space<vmem>>
          %dma_start3A_309 = arith.constant 0 : i32
          %dma_start3A_310 = arith.constant 0 : i32
          %dma_start3A_311 = tpu.memref_slice %run_scoped3A_8[%rem3A_222, %dma_start3A_309, %dma_start3A_310] : memref<2x1x128xi32, #tpu.memory_space<vmem>> -> memref<1x1x128xi32, #tpu.memory_space<vmem>>
          %dma_start3A_312 = tpu.memref_squeeze %dma_start3A_311 : memref<1x1x128xi32, #tpu.memory_space<vmem>> -> memref<1x128xi32, #tpu.memory_space<vmem>>
          %dma_start3A_313 = arith.constant 0 : i32
          %dma_start3A_314 = tpu.memref_slice %dma_start3A_312[%run_scoped3A_223, %dma_start3A_313] : memref<1x128xi32, #tpu.memory_space<vmem>> -> memref<1x128xi32, #tpu.memory_space<vmem>>
          %dma_start3A_315 = tpu.memref_squeeze %dma_start3A_314 : memref<1x128xi32, #tpu.memory_space<vmem>> -> memref<128xi32, #tpu.memory_space<vmem>>
          %dma_start3A_316 = arith.constant 0 : i32
          %dma_start3A_317 = arith.constant 0 : i32
          %dma_start3A_318 = tpu.memref_slice %arg4[%dma_start3A_316, %dma_start3A_317] : memref<12288x384xf32, #tpu.memory_space<hbm>> -> memref<12288x384xf32, #tpu.memory_space<hbm>>
          tpu.enqueue_indirect_dma source(%dma_start3A_308 : memref<128x384xf32, #tpu.memory_space<vmem>>) target(%dma_start3A_318 : memref<12288x384xf32, #tpu.memory_space<hbm>>) offsets(%dma_start3A_315 : memref<128xi32, #tpu.memory_space<vmem>>) semaphore(%run_scoped3A_304 : memref<!tpu.dma_semaphore, #tpu.memory_space<semaphore_mem>>)
          %dma_wait3A = arith.constant 0 : i32
          %dma_wait3A_319 = arith.constant 0 : i32
          %dma_wait3A_320 = tpu.memref_slice %run_scoped3A[%rem3A_220, %dma_wait3A, %dma_wait3A_319] : memref<2x128x384xf32, #tpu.memory_space<vmem>> -> memref<1x128x384xf32, #tpu.memory_space<vmem>>
          %dma_wait3A_321 = tpu.memref_squeeze %dma_wait3A_320 : memref<1x128x384xf32, #tpu.memory_space<vmem>> -> memref<128x384xf32, #tpu.memory_space<vmem>>
          %dma_wait3A_322 = arith.constant 0 : i32
          %dma_wait3A_323 = arith.constant 0 : i32
          %dma_wait3A_324 = tpu.memref_slice %run_scoped3A_8[%rem3A_222, %dma_wait3A_322, %dma_wait3A_323] : memref<2x1x128xi32, #tpu.memory_space<vmem>> -> memref<1x1x128xi32, #tpu.memory_space<vmem>>
          %dma_wait3A_325 = tpu.memref_squeeze %dma_wait3A_324 : memref<1x1x128xi32, #tpu.memory_space<vmem>> -> memref<1x128xi32, #tpu.memory_space<vmem>>
          %dma_wait3A_326 = arith.constant 0 : i32
          %dma_wait3A_327 = tpu.memref_slice %dma_wait3A_325[%run_scoped3A_223, %dma_wait3A_326] : memref<1x128xi32, #tpu.memory_space<vmem>> -> memref<1x128xi32, #tpu.memory_space<vmem>>
          %dma_wait3A_328 = tpu.memref_squeeze %dma_wait3A_327 : memref<1x128xi32, #tpu.memory_space<vmem>> -> memref<128xi32, #tpu.memory_space<vmem>>
          %dma_wait3A_329 = arith.constant 0 : i32
          %dma_wait3A_330 = arith.constant 0 : i32
          %dma_wait3A_331 = tpu.memref_slice %arg4[%dma_wait3A_329, %dma_wait3A_330] : memref<12288x384xf32, #tpu.memory_space<hbm>> -> memref<12288x384xf32, #tpu.memory_space<hbm>>
          tpu.wait_indirect_dma semaphore(%run_scoped3A_304 : memref<!tpu.dma_semaphore, #tpu.memory_space<semaphore_mem>>) src(%dma_wait3A_321 : memref<128x384xf32, #tpu.memory_space<vmem>>) dst(%dma_wait3A_331 : memref<12288x384xf32, #tpu.memory_space<hbm>>)
          tpu.yield
        }) : () -> ()
        "tpu.trace_stop"() : () -> ()
        %rem3A_224 = arith.constant 32 : i32
        %rem3A_225 = arith.remsi %add3A_140, %rem3A_224 : i32
        %rem3A_226 = arith.constant 32 : i32
        %rem3A_227 = arith.remsi %add3A_158, %rem3A_226 : i32
        %ne3A_228 = arith.cmpi ne, %rem3A_225, %rem3A_227 : i32
        %or3A_229 = arith.constant false
        %or3A_230 = arith.ori %or3A_229, %ne3A_228 : i1
        %or3A_231 = arith.constant false
        %or3A_232 = arith.ori %or3A_230, %or3A_231 : i1
        %or3A_233 = arith.ori %or3A_232, %eq3A_139 : i1
        %convert_element_type3A_234 = arith.extui %or3A_233 : i1 to i32
        %cond3A_235 = arith.constant 0 : i32
        %cond3A_236 = arith.cmpi ne, %convert_element_type3A_234, %cond3A_235 : i32
        scf.if %cond3A_236 {
        } else {
        }
        %and3A_237 = arith.constant false
        %and3A_238 = arith.andi %or3A_233, %and3A_237 : i1
        %ne3A_239 = arith.cmpi ne, %add3A_140, %add3A_158 : i32
        %or3A_240 = arith.constant false
        %or3A_241 = arith.ori %or3A_240, %ne3A_239 : i1
        %or3A_242 = arith.ori %or3A_241, %eq3A_139 : i1
        %convert_element_type3A_243 = arith.extui %or3A_242 : i1 to i32
        %cond3A_244 = arith.constant 0 : i32
        %cond3A_245 = arith.cmpi ne, %convert_element_type3A_243, %cond3A_244 : i32
        scf.if %cond3A_245 {
        } else {
        }
        %and3A_246 = arith.constant false
        %and3A_247 = arith.andi %or3A_242, %and3A_246 : i1
        %rem3A_248 = arith.constant 32 : i32
        %rem3A_249 = arith.remsi %add3A_140, %rem3A_248 : i32
        %rem3A_250 = arith.constant 32 : i32
        %rem3A_251 = arith.remsi %add3A_149, %rem3A_250 : i32
        %ne3A_252 = arith.cmpi ne, %rem3A_249, %rem3A_251 : i32
        %or3A_253 = arith.constant false
        %or3A_254 = arith.ori %or3A_253, %ne3A_252 : i1
        %or3A_255 = arith.constant false
        %or3A_256 = arith.ori %or3A_254, %or3A_255 : i1
        %not3A_257 = arith.constant true
        %not3A_258 = arith.xori %eq3A_137, %not3A_257 : i1
        %and3A_259 = arith.andi %or3A_256, %not3A_258 : i1
        %convert_element_type3A_260 = arith.extui %and3A_259 : i1 to i32
        %cond3A_261 = arith.constant 0 : i32
        %cond3A_262 = arith.cmpi ne, %convert_element_type3A_260, %cond3A_261 : i32
        scf.if %cond3A_262 {
        } else {
        }
        %and3A_263 = arith.constant false
        %and3A_264 = arith.andi %and3A_259, %and3A_263 : i1
        %ne3A_265 = arith.cmpi ne, %add3A_140, %add3A_149 : i32
        %or3A_266 = arith.constant false
        %or3A_267 = arith.ori %or3A_266, %ne3A_265 : i1
        %not3A_268 = arith.constant true
        %not3A_269 = arith.xori %eq3A_137, %not3A_268 : i1
        %and3A_270 = arith.andi %or3A_267, %not3A_269 : i1
        %convert_element_type3A_271 = arith.extui %and3A_270 : i1 to i32
        %cond3A_272 = arith.constant 0 : i32
        %cond3A_273 = arith.cmpi ne, %convert_element_type3A_271, %cond3A_272 : i32
        scf.if %cond3A_273 {
        } else {
        }
        %and3A_274 = arith.constant false
        %and3A_275 = arith.andi %and3A_270, %and3A_274 : i1
        %rem3A_276 = arith.constant 32 : i32
        %rem3A_277 = arith.remsi %add3A_140, %rem3A_276 : i32
        %rem3A_278 = arith.constant 32 : i32
        %rem3A_279 = arith.remsi %add3A_158, %rem3A_278 : i32
        %ne3A_280 = arith.cmpi ne, %rem3A_277, %rem3A_279 : i32
        %or3A_281 = arith.constant false
        %or3A_282 = arith.ori %or3A_281, %ne3A_280 : i1
        %or3A_283 = arith.constant false
        %or3A_284 = arith.ori %or3A_282, %or3A_283 : i1
        %or3A_285 = arith.ori %or3A_284, %eq3A_139 : i1
        %add3A_286 = arith.constant 1 : i32
        %add3A_287 = arith.addi %scan3A_132, %add3A_286 : i32
        %select_n3A_288 = arith.select %or3A_285, %add3A_287, %scan3A_132 : i32
        %ne3A_289 = arith.cmpi ne, %add3A_140, %add3A_158 : i32
        %or3A_290 = arith.constant false
        %or3A_291 = arith.ori %or3A_290, %ne3A_289 : i1
        %or3A_292 = arith.ori %or3A_291, %eq3A_139 : i1
        %add3A_293 = arith.constant 1 : i32
        %add3A_294 = arith.addi %scan3A_134, %add3A_293 : i32
        %select_n3A_295 = arith.select %or3A_292, %add3A_294, %scan3A_134 : i32
        %add3A_296 = arith.constant 1 : i32
        %add3A_297 = arith.addi %scan3A_135, %add3A_296 : i32
        %select_n3A_298 = arith.constant true
        %select_n3A_299 = arith.select %select_n3A_298, %add3A_297, %scan3A_135 : i32
        %eq3A_300 = arith.constant 2 : i32
        %eq3A_301 = arith.cmpi eq, %select_n3A_299, %eq3A_300 : i32
        %select_n3A_302 = arith.constant 0 : i32
        %select_n3A_303 = arith.select %eq3A_301, %select_n3A_302, %select_n3A_299 : i32
        scf.yield %select_n3A_182, %select_n3A_288, %select_n3A_198, %select_n3A_295, %select_n3A_303 : i32, i32, i32, i32, i32
      }
      %scan3A_94 = arith.constant 2 : i32
      %sub3A = arith.constant 1 : i32
      %sub3A_95 = arith.subi %scan3A_93#4, %sub3A : i32
      %select_n3A_96 = arith.constant true
      %select_n3A_97 = arith.select %select_n3A_96, %sub3A_95, %scan3A_93#4 : i32
      %eq3A_98 = arith.constant -1 : i32
      %eq3A_99 = arith.cmpi eq, %select_n3A_97, %eq3A_98 : i32
      %select_n3A_100 = arith.constant 1 : i32
      %select_n3A_101 = arith.select %eq3A_99, %select_n3A_100, %select_n3A_97 : i32
      %add3A_102 = arith.addi %select_n3A_101, %mul3A_6 : i32
      %sub3A_103 = arith.constant 1 : i32
      %sub3A_104 = arith.subi %select_n3A_101, %sub3A_103 : i32
      %select_n3A_105 = arith.constant true
      %select_n3A_106 = arith.select %select_n3A_105, %sub3A_104, %select_n3A_101 : i32
      %eq3A_107 = arith.constant -1 : i32
      %eq3A_108 = arith.cmpi eq, %select_n3A_106, %eq3A_107 : i32
      %select_n3A_109 = arith.constant 1 : i32
      %select_n3A_110 = arith.select %eq3A_108, %select_n3A_109, %select_n3A_106 : i32
      %add3A_111 = arith.addi %select_n3A_110, %mul3A_6 : i32
      %add3A_112 = arith.constant 1 : i32
      %add3A_113 = arith.addi %select_n3A_101, %add3A_112 : i32
      %select_n3A_114 = arith.constant true
      %select_n3A_115 = arith.select %select_n3A_114, %add3A_113, %select_n3A_101 : i32
      %eq3A_116 = arith.constant 2 : i32
      %eq3A_117 = arith.cmpi eq, %select_n3A_115, %eq3A_116 : i32
      %select_n3A_118 = arith.constant 0 : i32
      %select_n3A_119 = arith.select %eq3A_117, %select_n3A_118, %select_n3A_115 : i32
      %add3A_120 = arith.addi %select_n3A_119, %mul3A_6 : i32
      %add3A_121 = arith.constant 1 : i32
      %add3A_122 = arith.addi %select_n3A_119, %add3A_121 : i32
      %select_n3A_123 = arith.constant true
      %select_n3A_124 = arith.select %select_n3A_123, %add3A_122, %select_n3A_119 : i32
      %eq3A_125 = arith.constant 2 : i32
      %eq3A_126 = arith.cmpi eq, %select_n3A_124, %eq3A_125 : i32
      %select_n3A_127 = arith.constant 0 : i32
      %select_n3A_128 = arith.select %eq3A_126, %select_n3A_127, %select_n3A_124 : i32
      %add3A_129 = arith.addi %select_n3A_128, %mul3A_6 : i32
      tpu.yield
    }) : () -> ()
    return
  }
}

module attributes {stable_mosaic.version = 14 : i64} {
  func.func @_combine_kernel(%arg0: memref<8192x384xf32, #tpu.memory_space<vmem>>, %arg1: memref<2048x1xf32, #tpu.memory_space<vmem>>, %arg2: memref<2048x1xf32, #tpu.memory_space<vmem>>, %arg3: memref<2048x768xf32, #tpu.memory_space<vmem>>) attributes {dimension_semantics = [], scalar_prefetch = 0 : i64, scratch_operands = 0 : i64, tpu.core_type = #tpu.core_type<tc>} {
    %get3A = arith.constant 0 : index
    %get3A_0 = arith.constant 0 : index
    %get3A_1 = vector.load %arg1[%get3A, %get3A_0] : memref<2048x1xf32, #tpu.memory_space<vmem>>, vector<2048x1xf32>
    %get3A_2 = arith.constant 0 : index
    %get3A_3 = arith.constant 0 : index
    %get3A_4 = vector.load %arg2[%get3A_2, %get3A_3] : memref<2048x1xf32, #tpu.memory_space<vmem>>, vector<2048x1xf32>
    %get3A_5 = arith.constant 0 : index
    %get3A_6 = arith.constant 0 : index
    %get3A_7 = vector.load %arg0[%get3A_5, %get3A_6] : memref<8192x384xf32, #tpu.memory_space<vmem>>, vector<2048x384xf32>
    %mul3A = vector.broadcast %get3A_1 : vector<2048x1xf32> to vector<2048x384xf32>
    %mul3A_8 = arith.mulf %mul3A, %get3A_7 : vector<2048x384xf32>
    %get3A_9 = arith.constant 4096 : index
    %get3A_10 = arith.constant 0 : index
    %get3A_11 = vector.load %arg0[%get3A_9, %get3A_10] : memref<8192x384xf32, #tpu.memory_space<vmem>>, vector<2048x384xf32>
    %mul3A_12 = vector.broadcast %get3A_4 : vector<2048x1xf32> to vector<2048x384xf32>
    %mul3A_13 = arith.mulf %mul3A_12, %get3A_11 : vector<2048x384xf32>
    %add3A = arith.addf %mul3A_8, %mul3A_13 : vector<2048x384xf32>
    %swap3A = arith.constant 0 : index
    %swap3A_14 = arith.constant 0 : index
    %swap3A_15 = vector.load %arg3[%swap3A, %swap3A_14] : memref<2048x768xf32, #tpu.memory_space<vmem>>, vector<2048x384xf32>
    tpu.vector_store %arg3[%swap3A, %swap3A_14], %add3A {strides = array<i32>} : memref<2048x768xf32, #tpu.memory_space<vmem>>, vector<2048x384xf32>,
    %get3A_16 = arith.constant 2048 : index
    %get3A_17 = arith.constant 0 : index
    %get3A_18 = vector.load %arg0[%get3A_16, %get3A_17] : memref<8192x384xf32, #tpu.memory_space<vmem>>, vector<2048x384xf32>
    %mul3A_19 = vector.broadcast %get3A_1 : vector<2048x1xf32> to vector<2048x384xf32>
    %mul3A_20 = arith.mulf %mul3A_19, %get3A_18 : vector<2048x384xf32>
    %get3A_21 = arith.constant 6144 : index
    %get3A_22 = arith.constant 0 : index
    %get3A_23 = vector.load %arg0[%get3A_21, %get3A_22] : memref<8192x384xf32, #tpu.memory_space<vmem>>, vector<2048x384xf32>
    %mul3A_24 = vector.broadcast %get3A_4 : vector<2048x1xf32> to vector<2048x384xf32>
    %mul3A_25 = arith.mulf %mul3A_24, %get3A_23 : vector<2048x384xf32>
    %add3A_26 = arith.addf %mul3A_20, %mul3A_25 : vector<2048x384xf32>
    %swap3A_27 = arith.constant 0 : index
    %swap3A_28 = arith.constant 384 : index
    %swap3A_29 = vector.load %arg3[%swap3A_27, %swap3A_28] : memref<2048x768xf32, #tpu.memory_space<vmem>>, vector<2048x384xf32>
    tpu.vector_store %arg3[%swap3A_27, %swap3A_28], %add3A_26 {strides = array<i32>} : memref<2048x768xf32, #tpu.memory_space<vmem>>, vector<2048x384xf32>,
    return
  }
}

module attributes {stable_mosaic.version = 14 : i64} {
  func.func @_route_kernel(%arg0: memref<2048x768xf32, #tpu.memory_space<vmem>>, %arg1: memref<8x768xf32, #tpu.memory_space<vmem>>, %arg2: memref<4096x384xf32, #tpu.memory_space<vmem>>, %arg3: memref<2048x1xi32, #tpu.memory_space<vmem>>, %arg4: memref<2048x1xi32, #tpu.memory_space<vmem>>, %arg5: memref<2048x1xf32, #tpu.memory_space<vmem>>, %arg6: memref<2048x1xf32, #tpu.memory_space<vmem>>, %arg7: memref<8x1xi32, #tpu.memory_space<vmem>>, %arg8: memref<8x1xi32, #tpu.memory_space<vmem>>, %arg9: memref<1x1xf32, #tpu.memory_space<vmem>>) attributes {dimension_semantics = [], scalar_prefetch = 0 : i64, scratch_operands = 0 : i64, tpu.core_type = #tpu.core_type<tc>} {
    %get3A = arith.constant 0 : index
    %get3A_0 = arith.constant 0 : index
    %get3A_1 = vector.load %arg0[%get3A, %get3A_0] : memref<2048x768xf32, #tpu.memory_space<vmem>>, vector<2048x768xf32>
    %slice3A = vector.extract_strided_slice %get3A_1 {offsets = [0, 0], sizes = [2048, 384], strides = [1, 1]} : vector<2048x768xf32> to vector<2048x384xf32>
    %swap3A = arith.constant 0 : index
    %swap3A_2 = arith.constant 0 : index
    %swap3A_3 = vector.load %arg2[%swap3A, %swap3A_2] : memref<4096x384xf32, #tpu.memory_space<vmem>>, vector<2048x384xf32>
    tpu.vector_store %arg2[%swap3A, %swap3A_2], %slice3A {strides = array<i32>} : memref<4096x384xf32, #tpu.memory_space<vmem>>, vector<2048x384xf32>,
    %slice3A_4 = vector.extract_strided_slice %get3A_1 {offsets = [0, 384], sizes = [2048, 384], strides = [1, 1]} : vector<2048x768xf32> to vector<2048x384xf32>
    %swap3A_5 = arith.constant 2048 : index
    %swap3A_6 = arith.constant 0 : index
    %swap3A_7 = vector.load %arg2[%swap3A_5, %swap3A_6] : memref<4096x384xf32, #tpu.memory_space<vmem>>, vector<2048x384xf32>
    tpu.vector_store %arg2[%swap3A_5, %swap3A_6], %slice3A_4 {strides = array<i32>} : memref<4096x384xf32, #tpu.memory_space<vmem>>, vector<2048x384xf32>,
    %get3A_8 = arith.constant 0 : index
    %get3A_9 = arith.constant 0 : index
    %get3A_10 = vector.load %arg1[%get3A_8, %get3A_9] : memref<8x768xf32, #tpu.memory_space<vmem>>, vector<8x768xf32>
    %dot_general3A = arith.constant dense<0.000000e+00> : vector<2048x8xf32>
    %dot_general3A_11 = tpu.matmul %get3A_1, %get3A_10, %dot_general3A {dimension_numbers = #tpu.dot_dimension_numbers<[1], [1], [0], [0], [0, 0, 1, 0], [], []>, transpose_lhs_hint = false} : vector<2048x768xf32>, vector<8x768xf32>, vector<2048x8xf32> -> vector<2048x8xf32>
    %reduce_max3A = arith.constant dense<0xFF800000> : vector<2048xf32>
    %reduce_max3A_12 = vector.multi_reduction <maximumf>, %dot_general3A_11, %reduce_max3A [1] : vector<2048x8xf32> to vector<2048xf32>
    %max3A = arith.constant 0xFF800000 : f32
    %max3A_13 = vector.broadcast %max3A : f32 to vector<2048xf32>
    %max3A_14 = arith.maximumf %max3A_13, %reduce_max3A_12 : vector<2048xf32>
    %broadcast_in_dim3A = vector.shape_cast %max3A_14 : vector<2048xf32> to vector<2048x1xf32>
    %sub3A = vector.broadcast %broadcast_in_dim3A : vector<2048x1xf32> to vector<2048x8xf32>
    %sub3A_15 = arith.subf %dot_general3A_11, %sub3A : vector<2048x8xf32>
    %exp3A = math.exp %sub3A_15 : vector<2048x8xf32>
    %reduce_sum3A = arith.constant dense<0.000000e+00> : vector<2048xf32>
    %reduce_sum3A_16 = vector.multi_reduction <add>, %exp3A, %reduce_sum3A [1] : vector<2048x8xf32> to vector<2048xf32>
    %broadcast_in_dim3A_17 = vector.shape_cast %reduce_sum3A_16 : vector<2048xf32> to vector<2048x1xf32>
    %div3A = vector.broadcast %broadcast_in_dim3A_17 : vector<2048x1xf32> to vector<2048x8xf32>
    %div3A_18 = arith.divf %exp3A, %div3A : vector<2048x8xf32>
    %broadcast_in_dim3A_19 = arith.constant 0.000000e+00 : f32
    %broadcast_in_dim3A_20 = vector.broadcast %broadcast_in_dim3A_19 : f32 to vector<2048x8xf32>
    %iota3A = tpu.iota {dimensions = array<i32: 1>} : vector<1x8xi32>
    %slice3A_21 = vector.extract_strided_slice %div3A_18 {offsets = [0, 0], sizes = [2048, 1], strides = [1, 1]} : vector<2048x8xf32> to vector<2048x1xf32>
    %gt3A = vector.broadcast %slice3A_21 : vector<2048x1xf32> to vector<2048x8xf32>
    %gt3A_22 = arith.cmpf ogt, %gt3A, %div3A_18 : vector<2048x8xf32>
    %convert_element_type3A = arith.extui %gt3A_22 : vector<2048x8xi1> to vector<2048x8xi32>
    %convert_element_type3A_23 = arith.sitofp %convert_element_type3A : vector<2048x8xi32> to vector<2048x8xf32>
    %add3A = arith.addf %broadcast_in_dim3A_20, %convert_element_type3A_23 : vector<2048x8xf32>
    %eq3A = vector.broadcast %slice3A_21 : vector<2048x1xf32> to vector<2048x8xf32>
    %eq3A_24 = arith.cmpf oeq, %eq3A, %div3A_18 : vector<2048x8xf32>
    %gt3A_25 = arith.constant 0 : i32
    %gt3A_26 = vector.broadcast %gt3A_25 : i32 to vector<1x8xi32>
    %gt3A_27 = arith.cmpi sgt, %iota3A, %gt3A_26 : vector<1x8xi32>
    %and3A = vector.broadcast %gt3A_27 : vector<1x8xi1> to vector<2048x8xi1>
    %and3A_28 = arith.andi %eq3A_24, %and3A : vector<2048x8xi1>
    %convert_element_type3A_29 = arith.extui %and3A_28 : vector<2048x8xi1> to vector<2048x8xi32>
    %convert_element_type3A_30 = arith.sitofp %convert_element_type3A_29 : vector<2048x8xi32> to vector<2048x8xf32>
    %add3A_31 = arith.addf %add3A, %convert_element_type3A_30 : vector<2048x8xf32>
    %slice3A_32 = vector.extract_strided_slice %div3A_18 {offsets = [0, 1], sizes = [2048, 1], strides = [1, 1]} : vector<2048x8xf32> to vector<2048x1xf32>
    %gt3A_33 = vector.broadcast %slice3A_32 : vector<2048x1xf32> to vector<2048x8xf32>
    %gt3A_34 = arith.cmpf ogt, %gt3A_33, %div3A_18 : vector<2048x8xf32>
    %convert_element_type3A_35 = arith.extui %gt3A_34 : vector<2048x8xi1> to vector<2048x8xi32>
    %convert_element_type3A_36 = arith.sitofp %convert_element_type3A_35 : vector<2048x8xi32> to vector<2048x8xf32>
    %add3A_37 = arith.addf %add3A_31, %convert_element_type3A_36 : vector<2048x8xf32>
    %eq3A_38 = vector.broadcast %slice3A_32 : vector<2048x1xf32> to vector<2048x8xf32>
    %eq3A_39 = arith.cmpf oeq, %eq3A_38, %div3A_18 : vector<2048x8xf32>
    %gt3A_40 = arith.constant 1 : i32
    %gt3A_41 = vector.broadcast %gt3A_40 : i32 to vector<1x8xi32>
    %gt3A_42 = arith.cmpi sgt, %iota3A, %gt3A_41 : vector<1x8xi32>
    %and3A_43 = vector.broadcast %gt3A_42 : vector<1x8xi1> to vector<2048x8xi1>
    %and3A_44 = arith.andi %eq3A_39, %and3A_43 : vector<2048x8xi1>
    %convert_element_type3A_45 = arith.extui %and3A_44 : vector<2048x8xi1> to vector<2048x8xi32>
    %convert_element_type3A_46 = arith.sitofp %convert_element_type3A_45 : vector<2048x8xi32> to vector<2048x8xf32>
    %add3A_47 = arith.addf %add3A_37, %convert_element_type3A_46 : vector<2048x8xf32>
    %slice3A_48 = vector.extract_strided_slice %div3A_18 {offsets = [0, 2], sizes = [2048, 1], strides = [1, 1]} : vector<2048x8xf32> to vector<2048x1xf32>
    %gt3A_49 = vector.broadcast %slice3A_48 : vector<2048x1xf32> to vector<2048x8xf32>
    %gt3A_50 = arith.cmpf ogt, %gt3A_49, %div3A_18 : vector<2048x8xf32>
    %convert_element_type3A_51 = arith.extui %gt3A_50 : vector<2048x8xi1> to vector<2048x8xi32>
    %convert_element_type3A_52 = arith.sitofp %convert_element_type3A_51 : vector<2048x8xi32> to vector<2048x8xf32>
    %add3A_53 = arith.addf %add3A_47, %convert_element_type3A_52 : vector<2048x8xf32>
    %eq3A_54 = vector.broadcast %slice3A_48 : vector<2048x1xf32> to vector<2048x8xf32>
    %eq3A_55 = arith.cmpf oeq, %eq3A_54, %div3A_18 : vector<2048x8xf32>
    %gt3A_56 = arith.constant 2 : i32
    %gt3A_57 = vector.broadcast %gt3A_56 : i32 to vector<1x8xi32>
    %gt3A_58 = arith.cmpi sgt, %iota3A, %gt3A_57 : vector<1x8xi32>
    %and3A_59 = vector.broadcast %gt3A_58 : vector<1x8xi1> to vector<2048x8xi1>
    %and3A_60 = arith.andi %eq3A_55, %and3A_59 : vector<2048x8xi1>
    %convert_element_type3A_61 = arith.extui %and3A_60 : vector<2048x8xi1> to vector<2048x8xi32>
    %convert_element_type3A_62 = arith.sitofp %convert_element_type3A_61 : vector<2048x8xi32> to vector<2048x8xf32>
    %add3A_63 = arith.addf %add3A_53, %convert_element_type3A_62 : vector<2048x8xf32>
    %slice3A_64 = vector.extract_strided_slice %div3A_18 {offsets = [0, 3], sizes = [2048, 1], strides = [1, 1]} : vector<2048x8xf32> to vector<2048x1xf32>
    %gt3A_65 = vector.broadcast %slice3A_64 : vector<2048x1xf32> to vector<2048x8xf32>
    %gt3A_66 = arith.cmpf ogt, %gt3A_65, %div3A_18 : vector<2048x8xf32>
    %convert_element_type3A_67 = arith.extui %gt3A_66 : vector<2048x8xi1> to vector<2048x8xi32>
    %convert_element_type3A_68 = arith.sitofp %convert_element_type3A_67 : vector<2048x8xi32> to vector<2048x8xf32>
    %add3A_69 = arith.addf %add3A_63, %convert_element_type3A_68 : vector<2048x8xf32>
    %eq3A_70 = vector.broadcast %slice3A_64 : vector<2048x1xf32> to vector<2048x8xf32>
    %eq3A_71 = arith.cmpf oeq, %eq3A_70, %div3A_18 : vector<2048x8xf32>
    %gt3A_72 = arith.constant 3 : i32
    %gt3A_73 = vector.broadcast %gt3A_72 : i32 to vector<1x8xi32>
    %gt3A_74 = arith.cmpi sgt, %iota3A, %gt3A_73 : vector<1x8xi32>
    %and3A_75 = vector.broadcast %gt3A_74 : vector<1x8xi1> to vector<2048x8xi1>
    %and3A_76 = arith.andi %eq3A_71, %and3A_75 : vector<2048x8xi1>
    %convert_element_type3A_77 = arith.extui %and3A_76 : vector<2048x8xi1> to vector<2048x8xi32>
    %convert_element_type3A_78 = arith.sitofp %convert_element_type3A_77 : vector<2048x8xi32> to vector<2048x8xf32>
    %add3A_79 = arith.addf %add3A_69, %convert_element_type3A_78 : vector<2048x8xf32>
    %slice3A_80 = vector.extract_strided_slice %div3A_18 {offsets = [0, 4], sizes = [2048, 1], strides = [1, 1]} : vector<2048x8xf32> to vector<2048x1xf32>
    %gt3A_81 = vector.broadcast %slice3A_80 : vector<2048x1xf32> to vector<2048x8xf32>
    %gt3A_82 = arith.cmpf ogt, %gt3A_81, %div3A_18 : vector<2048x8xf32>
    %convert_element_type3A_83 = arith.extui %gt3A_82 : vector<2048x8xi1> to vector<2048x8xi32>
    %convert_element_type3A_84 = arith.sitofp %convert_element_type3A_83 : vector<2048x8xi32> to vector<2048x8xf32>
    %add3A_85 = arith.addf %add3A_79, %convert_element_type3A_84 : vector<2048x8xf32>
    %eq3A_86 = vector.broadcast %slice3A_80 : vector<2048x1xf32> to vector<2048x8xf32>
    %eq3A_87 = arith.cmpf oeq, %eq3A_86, %div3A_18 : vector<2048x8xf32>
    %gt3A_88 = arith.constant 4 : i32
    %gt3A_89 = vector.broadcast %gt3A_88 : i32 to vector<1x8xi32>
    %gt3A_90 = arith.cmpi sgt, %iota3A, %gt3A_89 : vector<1x8xi32>
    %and3A_91 = vector.broadcast %gt3A_90 : vector<1x8xi1> to vector<2048x8xi1>
    %and3A_92 = arith.andi %eq3A_87, %and3A_91 : vector<2048x8xi1>
    %convert_element_type3A_93 = arith.extui %and3A_92 : vector<2048x8xi1> to vector<2048x8xi32>
    %convert_element_type3A_94 = arith.sitofp %convert_element_type3A_93 : vector<2048x8xi32> to vector<2048x8xf32>
    %add3A_95 = arith.addf %add3A_85, %convert_element_type3A_94 : vector<2048x8xf32>
    %slice3A_96 = vector.extract_strided_slice %div3A_18 {offsets = [0, 5], sizes = [2048, 1], strides = [1, 1]} : vector<2048x8xf32> to vector<2048x1xf32>
    %gt3A_97 = vector.broadcast %slice3A_96 : vector<2048x1xf32> to vector<2048x8xf32>
    %gt3A_98 = arith.cmpf ogt, %gt3A_97, %div3A_18 : vector<2048x8xf32>
    %convert_element_type3A_99 = arith.extui %gt3A_98 : vector<2048x8xi1> to vector<2048x8xi32>
    %convert_element_type3A_100 = arith.sitofp %convert_element_type3A_99 : vector<2048x8xi32> to vector<2048x8xf32>
    %add3A_101 = arith.addf %add3A_95, %convert_element_type3A_100 : vector<2048x8xf32>
    %eq3A_102 = vector.broadcast %slice3A_96 : vector<2048x1xf32> to vector<2048x8xf32>
    %eq3A_103 = arith.cmpf oeq, %eq3A_102, %div3A_18 : vector<2048x8xf32>
    %gt3A_104 = arith.constant 5 : i32
    %gt3A_105 = vector.broadcast %gt3A_104 : i32 to vector<1x8xi32>
    %gt3A_106 = arith.cmpi sgt, %iota3A, %gt3A_105 : vector<1x8xi32>
    %and3A_107 = vector.broadcast %gt3A_106 : vector<1x8xi1> to vector<2048x8xi1>
    %and3A_108 = arith.andi %eq3A_103, %and3A_107 : vector<2048x8xi1>
    %convert_element_type3A_109 = arith.extui %and3A_108 : vector<2048x8xi1> to vector<2048x8xi32>
    %convert_element_type3A_110 = arith.sitofp %convert_element_type3A_109 : vector<2048x8xi32> to vector<2048x8xf32>
    %add3A_111 = arith.addf %add3A_101, %convert_element_type3A_110 : vector<2048x8xf32>
    %slice3A_112 = vector.extract_strided_slice %div3A_18 {offsets = [0, 6], sizes = [2048, 1], strides = [1, 1]} : vector<2048x8xf32> to vector<2048x1xf32>
    %gt3A_113 = vector.broadcast %slice3A_112 : vector<2048x1xf32> to vector<2048x8xf32>
    %gt3A_114 = arith.cmpf ogt, %gt3A_113, %div3A_18 : vector<2048x8xf32>
    %convert_element_type3A_115 = arith.extui %gt3A_114 : vector<2048x8xi1> to vector<2048x8xi32>
    %convert_element_type3A_116 = arith.sitofp %convert_element_type3A_115 : vector<2048x8xi32> to vector<2048x8xf32>
    %add3A_117 = arith.addf %add3A_111, %convert_element_type3A_116 : vector<2048x8xf32>
    %eq3A_118 = vector.broadcast %slice3A_112 : vector<2048x1xf32> to vector<2048x8xf32>
    %eq3A_119 = arith.cmpf oeq, %eq3A_118, %div3A_18 : vector<2048x8xf32>
    %gt3A_120 = arith.constant 6 : i32
    %gt3A_121 = vector.broadcast %gt3A_120 : i32 to vector<1x8xi32>
    %gt3A_122 = arith.cmpi sgt, %iota3A, %gt3A_121 : vector<1x8xi32>
    %and3A_123 = vector.broadcast %gt3A_122 : vector<1x8xi1> to vector<2048x8xi1>
    %and3A_124 = arith.andi %eq3A_119, %and3A_123 : vector<2048x8xi1>
    %convert_element_type3A_125 = arith.extui %and3A_124 : vector<2048x8xi1> to vector<2048x8xi32>
    %convert_element_type3A_126 = arith.sitofp %convert_element_type3A_125 : vector<2048x8xi32> to vector<2048x8xf32>
    %add3A_127 = arith.addf %add3A_117, %convert_element_type3A_126 : vector<2048x8xf32>
    %slice3A_128 = vector.extract_strided_slice %div3A_18 {offsets = [0, 7], sizes = [2048, 1], strides = [1, 1]} : vector<2048x8xf32> to vector<2048x1xf32>
    %gt3A_129 = vector.broadcast %slice3A_128 : vector<2048x1xf32> to vector<2048x8xf32>
    %gt3A_130 = arith.cmpf ogt, %gt3A_129, %div3A_18 : vector<2048x8xf32>
    %convert_element_type3A_131 = arith.extui %gt3A_130 : vector<2048x8xi1> to vector<2048x8xi32>
    %convert_element_type3A_132 = arith.sitofp %convert_element_type3A_131 : vector<2048x8xi32> to vector<2048x8xf32>
    %add3A_133 = arith.addf %add3A_127, %convert_element_type3A_132 : vector<2048x8xf32>
    %eq3A_134 = vector.broadcast %slice3A_128 : vector<2048x1xf32> to vector<2048x8xf32>
    %eq3A_135 = arith.cmpf oeq, %eq3A_134, %div3A_18 : vector<2048x8xf32>
    %gt3A_136 = arith.constant 7 : i32
    %gt3A_137 = vector.broadcast %gt3A_136 : i32 to vector<1x8xi32>
    %gt3A_138 = arith.cmpi sgt, %iota3A, %gt3A_137 : vector<1x8xi32>
    %and3A_139 = vector.broadcast %gt3A_138 : vector<1x8xi1> to vector<2048x8xi1>
    %and3A_140 = arith.andi %eq3A_135, %and3A_139 : vector<2048x8xi1>
    %convert_element_type3A_141 = arith.extui %and3A_140 : vector<2048x8xi1> to vector<2048x8xi32>
    %convert_element_type3A_142 = arith.sitofp %convert_element_type3A_141 : vector<2048x8xi32> to vector<2048x8xf32>
    %add3A_143 = arith.addf %add3A_133, %convert_element_type3A_142 : vector<2048x8xf32>
    %lt3A = arith.constant 2.000000e+00 : f32
    %lt3A_144 = vector.broadcast %lt3A : f32 to vector<2048x8xf32>
    %lt3A_145 = arith.cmpf olt, %add3A_143, %lt3A_144 : vector<2048x8xf32>
    %convert_element_type3A_146 = arith.extui %lt3A_145 : vector<2048x8xi1> to vector<2048x8xi32>
    %convert_element_type3A_147 = arith.sitofp %convert_element_type3A_146 : vector<2048x8xi32> to vector<2048x8xf32>
    %mul3A = arith.mulf %div3A_18, %convert_element_type3A_147 : vector<2048x8xf32>
    %reduce_sum3A_148 = arith.constant dense<0.000000e+00> : vector<2048xf32>
    %reduce_sum3A_149 = vector.multi_reduction <add>, %mul3A, %reduce_sum3A_148 [1] : vector<2048x8xf32> to vector<2048xf32>
    %broadcast_in_dim3A_150 = vector.shape_cast %reduce_sum3A_149 : vector<2048xf32> to vector<2048x1xf32>
    %div3A_151 = vector.broadcast %broadcast_in_dim3A_150 : vector<2048x1xf32> to vector<2048x8xf32>
    %div3A_152 = arith.divf %mul3A, %div3A_151 : vector<2048x8xf32>
    %iota3A_153 = tpu.iota {dimensions = array<i32: 0>} : vector<128x128xi32>
    %iota3A_154 = tpu.iota {dimensions = array<i32: 1>} : vector<128x128xi32>
    %ge3A = arith.cmpi sge, %iota3A_153, %iota3A_154 : vector<128x128xi32>
    %convert_element_type3A_155 = arith.extui %ge3A : vector<128x128xi1> to vector<128x128xi32>
    %convert_element_type3A_156 = arith.sitofp %convert_element_type3A_155 : vector<128x128xi32> to vector<128x128xf32>
    %broadcast_in_dim3A_157 = arith.constant 0.000000e+00 : f32
    %broadcast_in_dim3A_158 = vector.broadcast %broadcast_in_dim3A_157 : f32 to vector<1x8xf32>
    %slice3A_159 = vector.extract_strided_slice %convert_element_type3A_147 {offsets = [0, 0], sizes = [128, 8], strides = [1, 1]} : vector<2048x8xf32> to vector<128x8xf32>
    %dot_general3A_160 = arith.constant dense<0.000000e+00> : vector<128x8xf32>
    %dot_general3A_161 = tpu.matmul %convert_element_type3A_156, %slice3A_159, %dot_general3A_160 {dimension_numbers = #tpu.dot_dimension_numbers<[1], [0], [0], [1], [0, 0, 1, 1], [], []>, transpose_lhs_hint = false} : vector<128x128xf32>, vector<128x8xf32>, vector<128x8xf32> -> vector<128x8xf32>
    %add3A_162 = vector.broadcast %broadcast_in_dim3A_158 : vector<1x8xf32> to vector<128x8xf32>
    %add3A_163 = arith.addf %dot_general3A_161, %add3A_162 : vector<128x8xf32>
    %reduce_sum3A_164 = arith.constant dense<0.000000e+00> : vector<8xf32>
    %reduce_sum3A_165 = vector.multi_reduction <add>, %slice3A_159, %reduce_sum3A_164 [0] : vector<128x8xf32> to vector<8xf32>
    %broadcast_in_dim3A_166 = vector.shape_cast %reduce_sum3A_165 : vector<8xf32> to vector<1x8xf32>
    %add3A_167 = arith.addf %broadcast_in_dim3A_158, %broadcast_in_dim3A_166 : vector<1x8xf32>
    %slice3A_168 = vector.extract_strided_slice %convert_element_type3A_147 {offsets = [128, 0], sizes = [128, 8], strides = [1, 1]} : vector<2048x8xf32> to vector<128x8xf32>
    %dot_general3A_169 = arith.constant dense<0.000000e+00> : vector<128x8xf32>
    %dot_general3A_170 = tpu.matmul %convert_element_type3A_156, %slice3A_168, %dot_general3A_169 {dimension_numbers = #tpu.dot_dimension_numbers<[1], [0], [0], [1], [0, 0, 1, 1], [], []>, transpose_lhs_hint = false} : vector<128x128xf32>, vector<128x8xf32>, vector<128x8xf32> -> vector<128x8xf32>
    %add3A_171 = vector.broadcast %add3A_167 : vector<1x8xf32> to vector<128x8xf32>
    %add3A_172 = arith.addf %dot_general3A_170, %add3A_171 : vector<128x8xf32>
    %reduce_sum3A_173 = arith.constant dense<0.000000e+00> : vector<8xf32>
    %reduce_sum3A_174 = vector.multi_reduction <add>, %slice3A_168, %reduce_sum3A_173 [0] : vector<128x8xf32> to vector<8xf32>
    %broadcast_in_dim3A_175 = vector.shape_cast %reduce_sum3A_174 : vector<8xf32> to vector<1x8xf32>
    %add3A_176 = arith.addf %add3A_167, %broadcast_in_dim3A_175 : vector<1x8xf32>
    %slice3A_177 = vector.extract_strided_slice %convert_element_type3A_147 {offsets = [256, 0], sizes = [128, 8], strides = [1, 1]} : vector<2048x8xf32> to vector<128x8xf32>
    %dot_general3A_178 = arith.constant dense<0.000000e+00> : vector<128x8xf32>
    %dot_general3A_179 = tpu.matmul %convert_element_type3A_156, %slice3A_177, %dot_general3A_178 {dimension_numbers = #tpu.dot_dimension_numbers<[1], [0], [0], [1], [0, 0, 1, 1], [], []>, transpose_lhs_hint = false} : vector<128x128xf32>, vector<128x8xf32>, vector<128x8xf32> -> vector<128x8xf32>
    %add3A_180 = vector.broadcast %add3A_176 : vector<1x8xf32> to vector<128x8xf32>
    %add3A_181 = arith.addf %dot_general3A_179, %add3A_180 : vector<128x8xf32>
    %reduce_sum3A_182 = arith.constant dense<0.000000e+00> : vector<8xf32>
    %reduce_sum3A_183 = vector.multi_reduction <add>, %slice3A_177, %reduce_sum3A_182 [0] : vector<128x8xf32> to vector<8xf32>
    %broadcast_in_dim3A_184 = vector.shape_cast %reduce_sum3A_183 : vector<8xf32> to vector<1x8xf32>
    %add3A_185 = arith.addf %add3A_176, %broadcast_in_dim3A_184 : vector<1x8xf32>
    %slice3A_186 = vector.extract_strided_slice %convert_element_type3A_147 {offsets = [384, 0], sizes = [128, 8], strides = [1, 1]} : vector<2048x8xf32> to vector<128x8xf32>
    %dot_general3A_187 = arith.constant dense<0.000000e+00> : vector<128x8xf32>
    %dot_general3A_188 = tpu.matmul %convert_element_type3A_156, %slice3A_186, %dot_general3A_187 {dimension_numbers = #tpu.dot_dimension_numbers<[1], [0], [0], [1], [0, 0, 1, 1], [], []>, transpose_lhs_hint = false} : vector<128x128xf32>, vector<128x8xf32>, vector<128x8xf32> -> vector<128x8xf32>
    %add3A_189 = vector.broadcast %add3A_185 : vector<1x8xf32> to vector<128x8xf32>
    %add3A_190 = arith.addf %dot_general3A_188, %add3A_189 : vector<128x8xf32>
    %reduce_sum3A_191 = arith.constant dense<0.000000e+00> : vector<8xf32>
    %reduce_sum3A_192 = vector.multi_reduction <add>, %slice3A_186, %reduce_sum3A_191 [0] : vector<128x8xf32> to vector<8xf32>
    %broadcast_in_dim3A_193 = vector.shape_cast %reduce_sum3A_192 : vector<8xf32> to vector<1x8xf32>
    %add3A_194 = arith.addf %add3A_185, %broadcast_in_dim3A_193 : vector<1x8xf32>
    %slice3A_195 = vector.extract_strided_slice %convert_element_type3A_147 {offsets = [512, 0], sizes = [128, 8], strides = [1, 1]} : vector<2048x8xf32> to vector<128x8xf32>
    %dot_general3A_196 = arith.constant dense<0.000000e+00> : vector<128x8xf32>
    %dot_general3A_197 = tpu.matmul %convert_element_type3A_156, %slice3A_195, %dot_general3A_196 {dimension_numbers = #tpu.dot_dimension_numbers<[1], [0], [0], [1], [0, 0, 1, 1], [], []>, transpose_lhs_hint = false} : vector<128x128xf32>, vector<128x8xf32>, vector<128x8xf32> -> vector<128x8xf32>
    %add3A_198 = vector.broadcast %add3A_194 : vector<1x8xf32> to vector<128x8xf32>
    %add3A_199 = arith.addf %dot_general3A_197, %add3A_198 : vector<128x8xf32>
    %reduce_sum3A_200 = arith.constant dense<0.000000e+00> : vector<8xf32>
    %reduce_sum3A_201 = vector.multi_reduction <add>, %slice3A_195, %reduce_sum3A_200 [0] : vector<128x8xf32> to vector<8xf32>
    %broadcast_in_dim3A_202 = vector.shape_cast %reduce_sum3A_201 : vector<8xf32> to vector<1x8xf32>
    %add3A_203 = arith.addf %add3A_194, %broadcast_in_dim3A_202 : vector<1x8xf32>
    %slice3A_204 = vector.extract_strided_slice %convert_element_type3A_147 {offsets = [640, 0], sizes = [128, 8], strides = [1, 1]} : vector<2048x8xf32> to vector<128x8xf32>
    %dot_general3A_205 = arith.constant dense<0.000000e+00> : vector<128x8xf32>
    %dot_general3A_206 = tpu.matmul %convert_element_type3A_156, %slice3A_204, %dot_general3A_205 {dimension_numbers = #tpu.dot_dimension_numbers<[1], [0], [0], [1], [0, 0, 1, 1], [], []>, transpose_lhs_hint = false} : vector<128x128xf32>, vector<128x8xf32>, vector<128x8xf32> -> vector<128x8xf32>
    %add3A_207 = vector.broadcast %add3A_203 : vector<1x8xf32> to vector<128x8xf32>
    %add3A_208 = arith.addf %dot_general3A_206, %add3A_207 : vector<128x8xf32>
    %reduce_sum3A_209 = arith.constant dense<0.000000e+00> : vector<8xf32>
    %reduce_sum3A_210 = vector.multi_reduction <add>, %slice3A_204, %reduce_sum3A_209 [0] : vector<128x8xf32> to vector<8xf32>
    %broadcast_in_dim3A_211 = vector.shape_cast %reduce_sum3A_210 : vector<8xf32> to vector<1x8xf32>
    %add3A_212 = arith.addf %add3A_203, %broadcast_in_dim3A_211 : vector<1x8xf32>
    %slice3A_213 = vector.extract_strided_slice %convert_element_type3A_147 {offsets = [768, 0], sizes = [128, 8], strides = [1, 1]} : vector<2048x8xf32> to vector<128x8xf32>
    %dot_general3A_214 = arith.constant dense<0.000000e+00> : vector<128x8xf32>
    %dot_general3A_215 = tpu.matmul %convert_element_type3A_156, %slice3A_213, %dot_general3A_214 {dimension_numbers = #tpu.dot_dimension_numbers<[1], [0], [0], [1], [0, 0, 1, 1], [], []>, transpose_lhs_hint = false} : vector<128x128xf32>, vector<128x8xf32>, vector<128x8xf32> -> vector<128x8xf32>
    %add3A_216 = vector.broadcast %add3A_212 : vector<1x8xf32> to vector<128x8xf32>
    %add3A_217 = arith.addf %dot_general3A_215, %add3A_216 : vector<128x8xf32>
    %reduce_sum3A_218 = arith.constant dense<0.000000e+00> : vector<8xf32>
    %reduce_sum3A_219 = vector.multi_reduction <add>, %slice3A_213, %reduce_sum3A_218 [0] : vector<128x8xf32> to vector<8xf32>
    %broadcast_in_dim3A_220 = vector.shape_cast %reduce_sum3A_219 : vector<8xf32> to vector<1x8xf32>
    %add3A_221 = arith.addf %add3A_212, %broadcast_in_dim3A_220 : vector<1x8xf32>
    %slice3A_222 = vector.extract_strided_slice %convert_element_type3A_147 {offsets = [896, 0], sizes = [128, 8], strides = [1, 1]} : vector<2048x8xf32> to vector<128x8xf32>
    %dot_general3A_223 = arith.constant dense<0.000000e+00> : vector<128x8xf32>
    %dot_general3A_224 = tpu.matmul %convert_element_type3A_156, %slice3A_222, %dot_general3A_223 {dimension_numbers = #tpu.dot_dimension_numbers<[1], [0], [0], [1], [0, 0, 1, 1], [], []>, transpose_lhs_hint = false} : vector<128x128xf32>, vector<128x8xf32>, vector<128x8xf32> -> vector<128x8xf32>
    %add3A_225 = vector.broadcast %add3A_221 : vector<1x8xf32> to vector<128x8xf32>
    %add3A_226 = arith.addf %dot_general3A_224, %add3A_225 : vector<128x8xf32>
    %reduce_sum3A_227 = arith.constant dense<0.000000e+00> : vector<8xf32>
    %reduce_sum3A_228 = vector.multi_reduction <add>, %slice3A_222, %reduce_sum3A_227 [0] : vector<128x8xf32> to vector<8xf32>
    %broadcast_in_dim3A_229 = vector.shape_cast %reduce_sum3A_228 : vector<8xf32> to vector<1x8xf32>
    %add3A_230 = arith.addf %add3A_221, %broadcast_in_dim3A_229 : vector<1x8xf32>
    %slice3A_231 = vector.extract_strided_slice %convert_element_type3A_147 {offsets = [1024, 0], sizes = [128, 8], strides = [1, 1]} : vector<2048x8xf32> to vector<128x8xf32>
    %dot_general3A_232 = arith.constant dense<0.000000e+00> : vector<128x8xf32>
    %dot_general3A_233 = tpu.matmul %convert_element_type3A_156, %slice3A_231, %dot_general3A_232 {dimension_numbers = #tpu.dot_dimension_numbers<[1], [0], [0], [1], [0, 0, 1, 1], [], []>, transpose_lhs_hint = false} : vector<128x128xf32>, vector<128x8xf32>, vector<128x8xf32> -> vector<128x8xf32>
    %add3A_234 = vector.broadcast %add3A_230 : vector<1x8xf32> to vector<128x8xf32>
    %add3A_235 = arith.addf %dot_general3A_233, %add3A_234 : vector<128x8xf32>
    %reduce_sum3A_236 = arith.constant dense<0.000000e+00> : vector<8xf32>
    %reduce_sum3A_237 = vector.multi_reduction <add>, %slice3A_231, %reduce_sum3A_236 [0] : vector<128x8xf32> to vector<8xf32>
    %broadcast_in_dim3A_238 = vector.shape_cast %reduce_sum3A_237 : vector<8xf32> to vector<1x8xf32>
    %add3A_239 = arith.addf %add3A_230, %broadcast_in_dim3A_238 : vector<1x8xf32>
    %slice3A_240 = vector.extract_strided_slice %convert_element_type3A_147 {offsets = [1152, 0], sizes = [128, 8], strides = [1, 1]} : vector<2048x8xf32> to vector<128x8xf32>
    %dot_general3A_241 = arith.constant dense<0.000000e+00> : vector<128x8xf32>
    %dot_general3A_242 = tpu.matmul %convert_element_type3A_156, %slice3A_240, %dot_general3A_241 {dimension_numbers = #tpu.dot_dimension_numbers<[1], [0], [0], [1], [0, 0, 1, 1], [], []>, transpose_lhs_hint = false} : vector<128x128xf32>, vector<128x8xf32>, vector<128x8xf32> -> vector<128x8xf32>
    %add3A_243 = vector.broadcast %add3A_239 : vector<1x8xf32> to vector<128x8xf32>
    %add3A_244 = arith.addf %dot_general3A_242, %add3A_243 : vector<128x8xf32>
    %reduce_sum3A_245 = arith.constant dense<0.000000e+00> : vector<8xf32>
    %reduce_sum3A_246 = vector.multi_reduction <add>, %slice3A_240, %reduce_sum3A_245 [0] : vector<128x8xf32> to vector<8xf32>
    %broadcast_in_dim3A_247 = vector.shape_cast %reduce_sum3A_246 : vector<8xf32> to vector<1x8xf32>
    %add3A_248 = arith.addf %add3A_239, %broadcast_in_dim3A_247 : vector<1x8xf32>
    %slice3A_249 = vector.extract_strided_slice %convert_element_type3A_147 {offsets = [1280, 0], sizes = [128, 8], strides = [1, 1]} : vector<2048x8xf32> to vector<128x8xf32>
    %dot_general3A_250 = arith.constant dense<0.000000e+00> : vector<128x8xf32>
    %dot_general3A_251 = tpu.matmul %convert_element_type3A_156, %slice3A_249, %dot_general3A_250 {dimension_numbers = #tpu.dot_dimension_numbers<[1], [0], [0], [1], [0, 0, 1, 1], [], []>, transpose_lhs_hint = false} : vector<128x128xf32>, vector<128x8xf32>, vector<128x8xf32> -> vector<128x8xf32>
    %add3A_252 = vector.broadcast %add3A_248 : vector<1x8xf32> to vector<128x8xf32>
    %add3A_253 = arith.addf %dot_general3A_251, %add3A_252 : vector<128x8xf32>
    %reduce_sum3A_254 = arith.constant dense<0.000000e+00> : vector<8xf32>
    %reduce_sum3A_255 = vector.multi_reduction <add>, %slice3A_249, %reduce_sum3A_254 [0] : vector<128x8xf32> to vector<8xf32>
    %broadcast_in_dim3A_256 = vector.shape_cast %reduce_sum3A_255 : vector<8xf32> to vector<1x8xf32>
    %add3A_257 = arith.addf %add3A_248, %broadcast_in_dim3A_256 : vector<1x8xf32>
    %slice3A_258 = vector.extract_strided_slice %convert_element_type3A_147 {offsets = [1408, 0], sizes = [128, 8], strides = [1, 1]} : vector<2048x8xf32> to vector<128x8xf32>
    %dot_general3A_259 = arith.constant dense<0.000000e+00> : vector<128x8xf32>
    %dot_general3A_260 = tpu.matmul %convert_element_type3A_156, %slice3A_258, %dot_general3A_259 {dimension_numbers = #tpu.dot_dimension_numbers<[1], [0], [0], [1], [0, 0, 1, 1], [], []>, transpose_lhs_hint = false} : vector<128x128xf32>, vector<128x8xf32>, vector<128x8xf32> -> vector<128x8xf32>
    %add3A_261 = vector.broadcast %add3A_257 : vector<1x8xf32> to vector<128x8xf32>
    %add3A_262 = arith.addf %dot_general3A_260, %add3A_261 : vector<128x8xf32>
    %reduce_sum3A_263 = arith.constant dense<0.000000e+00> : vector<8xf32>
    %reduce_sum3A_264 = vector.multi_reduction <add>, %slice3A_258, %reduce_sum3A_263 [0] : vector<128x8xf32> to vector<8xf32>
    %broadcast_in_dim3A_265 = vector.shape_cast %reduce_sum3A_264 : vector<8xf32> to vector<1x8xf32>
    %add3A_266 = arith.addf %add3A_257, %broadcast_in_dim3A_265 : vector<1x8xf32>
    %slice3A_267 = vector.extract_strided_slice %convert_element_type3A_147 {offsets = [1536, 0], sizes = [128, 8], strides = [1, 1]} : vector<2048x8xf32> to vector<128x8xf32>
    %dot_general3A_268 = arith.constant dense<0.000000e+00> : vector<128x8xf32>
    %dot_general3A_269 = tpu.matmul %convert_element_type3A_156, %slice3A_267, %dot_general3A_268 {dimension_numbers = #tpu.dot_dimension_numbers<[1], [0], [0], [1], [0, 0, 1, 1], [], []>, transpose_lhs_hint = false} : vector<128x128xf32>, vector<128x8xf32>, vector<128x8xf32> -> vector<128x8xf32>
    %add3A_270 = vector.broadcast %add3A_266 : vector<1x8xf32> to vector<128x8xf32>
    %add3A_271 = arith.addf %dot_general3A_269, %add3A_270 : vector<128x8xf32>
    %reduce_sum3A_272 = arith.constant dense<0.000000e+00> : vector<8xf32>
    %reduce_sum3A_273 = vector.multi_reduction <add>, %slice3A_267, %reduce_sum3A_272 [0] : vector<128x8xf32> to vector<8xf32>
    %broadcast_in_dim3A_274 = vector.shape_cast %reduce_sum3A_273 : vector<8xf32> to vector<1x8xf32>
    %add3A_275 = arith.addf %add3A_266, %broadcast_in_dim3A_274 : vector<1x8xf32>
    %slice3A_276 = vector.extract_strided_slice %convert_element_type3A_147 {offsets = [1664, 0], sizes = [128, 8], strides = [1, 1]} : vector<2048x8xf32> to vector<128x8xf32>
    %dot_general3A_277 = arith.constant dense<0.000000e+00> : vector<128x8xf32>
    %dot_general3A_278 = tpu.matmul %convert_element_type3A_156, %slice3A_276, %dot_general3A_277 {dimension_numbers = #tpu.dot_dimension_numbers<[1], [0], [0], [1], [0, 0, 1, 1], [], []>, transpose_lhs_hint = false} : vector<128x128xf32>, vector<128x8xf32>, vector<128x8xf32> -> vector<128x8xf32>
    %add3A_279 = vector.broadcast %add3A_275 : vector<1x8xf32> to vector<128x8xf32>
    %add3A_280 = arith.addf %dot_general3A_278, %add3A_279 : vector<128x8xf32>
    %reduce_sum3A_281 = arith.constant dense<0.000000e+00> : vector<8xf32>
    %reduce_sum3A_282 = vector.multi_reduction <add>, %slice3A_276, %reduce_sum3A_281 [0] : vector<128x8xf32> to vector<8xf32>
    %broadcast_in_dim3A_283 = vector.shape_cast %reduce_sum3A_282 : vector<8xf32> to vector<1x8xf32>
    %add3A_284 = arith.addf %add3A_275, %broadcast_in_dim3A_283 : vector<1x8xf32>
    %slice3A_285 = vector.extract_strided_slice %convert_element_type3A_147 {offsets = [1792, 0], sizes = [128, 8], strides = [1, 1]} : vector<2048x8xf32> to vector<128x8xf32>
    %dot_general3A_286 = arith.constant dense<0.000000e+00> : vector<128x8xf32>
    %dot_general3A_287 = tpu.matmul %convert_element_type3A_156, %slice3A_285, %dot_general3A_286 {dimension_numbers = #tpu.dot_dimension_numbers<[1], [0], [0], [1], [0, 0, 1, 1], [], []>, transpose_lhs_hint = false} : vector<128x128xf32>, vector<128x8xf32>, vector<128x8xf32> -> vector<128x8xf32>
    %add3A_288 = vector.broadcast %add3A_284 : vector<1x8xf32> to vector<128x8xf32>
    %add3A_289 = arith.addf %dot_general3A_287, %add3A_288 : vector<128x8xf32>
    %reduce_sum3A_290 = arith.constant dense<0.000000e+00> : vector<8xf32>
    %reduce_sum3A_291 = vector.multi_reduction <add>, %slice3A_285, %reduce_sum3A_290 [0] : vector<128x8xf32> to vector<8xf32>
    %broadcast_in_dim3A_292 = vector.shape_cast %reduce_sum3A_291 : vector<8xf32> to vector<1x8xf32>
    %add3A_293 = arith.addf %add3A_284, %broadcast_in_dim3A_292 : vector<1x8xf32>
    %slice3A_294 = vector.extract_strided_slice %convert_element_type3A_147 {offsets = [1920, 0], sizes = [128, 8], strides = [1, 1]} : vector<2048x8xf32> to vector<128x8xf32>
    %dot_general3A_295 = arith.constant dense<0.000000e+00> : vector<128x8xf32>
    %dot_general3A_296 = tpu.matmul %convert_element_type3A_156, %slice3A_294, %dot_general3A_295 {dimension_numbers = #tpu.dot_dimension_numbers<[1], [0], [0], [1], [0, 0, 1, 1], [], []>, transpose_lhs_hint = false} : vector<128x128xf32>, vector<128x8xf32>, vector<128x8xf32> -> vector<128x8xf32>
    %add3A_297 = vector.broadcast %add3A_293 : vector<1x8xf32> to vector<128x8xf32>
    %add3A_298 = arith.addf %dot_general3A_296, %add3A_297 : vector<128x8xf32>
    %reduce_sum3A_299 = arith.constant dense<0.000000e+00> : vector<8xf32>
    %reduce_sum3A_300 = vector.multi_reduction <add>, %slice3A_294, %reduce_sum3A_299 [0] : vector<128x8xf32> to vector<8xf32>
    %broadcast_in_dim3A_301 = vector.shape_cast %reduce_sum3A_300 : vector<8xf32> to vector<1x8xf32>
    %add3A_302 = arith.addf %add3A_293, %broadcast_in_dim3A_301 : vector<1x8xf32>
    %concatenate3A = tpu.concatenate %add3A_163, %add3A_172, %add3A_181, %add3A_190, %add3A_199, %add3A_208, %add3A_217, %add3A_226, %add3A_235, %add3A_244, %add3A_253, %add3A_262, %add3A_271, %add3A_280, %add3A_289, %add3A_298 in 0 : vector<128x8xf32>, vector<128x8xf32>, vector<128x8xf32>, vector<128x8xf32>, vector<128x8xf32>, vector<128x8xf32>, vector<128x8xf32>, vector<128x8xf32>, vector<128x8xf32>, vector<128x8xf32>, vector<128x8xf32>, vector<128x8xf32>, vector<128x8xf32>, vector<128x8xf32>, vector<128x8xf32>, vector<128x8xf32> -> vector<2048x8xf32>
    %reduce_sum3A_303 = arith.constant dense<0.000000e+00> : vector<8xf32>
    %reduce_sum3A_304 = vector.multi_reduction <add>, %div3A_18, %reduce_sum3A_303 [0] : vector<2048x8xf32> to vector<8xf32>
    %broadcast_in_dim3A_305 = vector.shape_cast %reduce_sum3A_304 : vector<8xf32> to vector<1x8xf32>
    %div3A_306 = arith.constant 2.048000e+03 : f32
    %div3A_307 = vector.broadcast %div3A_306 : f32 to vector<1x8xf32>
    %div3A_308 = arith.divf %broadcast_in_dim3A_305, %div3A_307 : vector<1x8xf32>
    %mul3A_309 = arith.mulf %div3A_308, %add3A_302 : vector<1x8xf32>
    %reduce_sum3A_310 = vector.shape_cast %mul3A_309 : vector<1x8xf32> to vector<1x1x8xf32>
    %reduce_sum3A_311 = arith.constant dense<0.000000e+00> : vector<1xf32>
    %reduce_sum3A_312 = vector.multi_reduction <add>, %reduce_sum3A_310, %reduce_sum3A_311 [1, 2] : vector<1x1x8xf32> to vector<1xf32>
    %reduce_sum3A_313 = vector.shape_cast %reduce_sum3A_312 : vector<1xf32> to vector<1x1x1xf32>
    %reduce_sum3A_314 = vector.extract %reduce_sum3A_313[0, 0, 0] : f32 from vector<1x1x1xf32>
    %mul3A_315 = arith.constant 3.906250e-03 : f32
    %mul3A_316 = arith.mulf %reduce_sum3A_314, %mul3A_315 : f32
    %reshape3A = vector.broadcast %mul3A_316 : f32 to vector<1x1xf32>
    %swap3A_317 = arith.constant 0 : index
    %swap3A_318 = arith.constant 0 : index
    %swap3A_319 = vector.load %arg9[%swap3A_317, %swap3A_318] : memref<1x1xf32, #tpu.memory_space<vmem>>, vector<1x1xf32>
    tpu.vector_store %arg9[%swap3A_317, %swap3A_318], %reshape3A {strides = array<i32>} : memref<1x1xf32, #tpu.memory_space<vmem>>, vector<1x1xf32>,
    %add3A_320 = arith.constant 2.550000e+02 : f32
    %add3A_321 = vector.broadcast %add3A_320 : f32 to vector<1x8xf32>
    %add3A_322 = arith.addf %add3A_302, %add3A_321 : vector<1x8xf32>
    %mul3A_323 = arith.constant 3.906250e-03 : f32
    %mul3A_324 = vector.broadcast %mul3A_323 : f32 to vector<1x8xf32>
    %mul3A_325 = arith.mulf %add3A_322, %mul3A_324 : vector<1x8xf32>
    %floor3A = math.floor %mul3A_325 : vector<1x8xf32>
    %iota3A_326 = tpu.iota {dimensions = array<i32: 0>} : vector<8x8xi32>
    %iota3A_327 = tpu.iota {dimensions = array<i32: 1>} : vector<8x8xi32>
    %lt3A_328 = arith.cmpi slt, %iota3A_326, %iota3A_327 : vector<8x8xi32>
    %convert_element_type3A_329 = arith.extui %lt3A_328 : vector<8x8xi1> to vector<8x8xi32>
    %convert_element_type3A_330 = arith.sitofp %convert_element_type3A_329 : vector<8x8xi32> to vector<8x8xf32>
    %dot_general3A_331 = arith.constant dense<0.000000e+00> : vector<1x8xf32>
    %dot_general3A_332 = tpu.matmul %floor3A, %convert_element_type3A_330, %dot_general3A_331 {dimension_numbers = #tpu.dot_dimension_numbers<[1], [0], [0], [1], [0, 0, 1, 1], [], []>, transpose_lhs_hint = false} : vector<1x8xf32>, vector<8x8xf32>, vector<1x8xf32> -> vector<1x8xf32>
    %mul3A_333 = arith.constant 2.560000e+02 : f32
    %mul3A_334 = vector.broadcast %mul3A_333 : f32 to vector<1x8xf32>
    %mul3A_335 = arith.mulf %mul3A_334, %dot_general3A_332 : vector<1x8xf32>
    %dot_general3A_336 = arith.constant dense<0.000000e+00> : vector<2048x8xf32>
    %dot_general3A_337 = tpu.matmul %convert_element_type3A_147, %convert_element_type3A_330, %dot_general3A_336 {dimension_numbers = #tpu.dot_dimension_numbers<[1], [0], [0], [1], [0, 0, 1, 1], [], []>, transpose_lhs_hint = false} : vector<2048x8xf32>, vector<8x8xf32>, vector<2048x8xf32> -> vector<2048x8xf32>
    %add3A_338 = vector.broadcast %mul3A_335 : vector<1x8xf32> to vector<2048x8xf32>
    %add3A_339 = arith.addf %add3A_338, %concatenate3A : vector<2048x8xf32>
    %sub3A_340 = arith.constant 1.000000e+00 : f32
    %sub3A_341 = vector.broadcast %sub3A_340 : f32 to vector<2048x8xf32>
    %sub3A_342 = arith.subf %add3A_339, %sub3A_341 : vector<2048x8xf32>
    %eq3A_343 = arith.constant 0.000000e+00 : f32
    %eq3A_344 = vector.broadcast %eq3A_343 : f32 to vector<2048x8xf32>
    %eq3A_345 = arith.cmpf oeq, %dot_general3A_337, %eq3A_344 : vector<2048x8xf32>
    %convert_element_type3A_346 = arith.extui %eq3A_345 : vector<2048x8xi1> to vector<2048x8xi32>
    %convert_element_type3A_347 = arith.sitofp %convert_element_type3A_346 : vector<2048x8xi32> to vector<2048x8xf32>
    %mul3A_348 = arith.mulf %convert_element_type3A_147, %convert_element_type3A_347 : vector<2048x8xf32>
    %eq3A_349 = arith.constant 1.000000e+00 : f32
    %eq3A_350 = vector.broadcast %eq3A_349 : f32 to vector<2048x8xf32>
    %eq3A_351 = arith.cmpf oeq, %dot_general3A_337, %eq3A_350 : vector<2048x8xf32>
    %convert_element_type3A_352 = arith.extui %eq3A_351 : vector<2048x8xi1> to vector<2048x8xi32>
    %convert_element_type3A_353 = arith.sitofp %convert_element_type3A_352 : vector<2048x8xi32> to vector<2048x8xf32>
    %mul3A_354 = arith.mulf %convert_element_type3A_147, %convert_element_type3A_353 : vector<2048x8xf32>
    %mul3A_355 = arith.mulf %sub3A_342, %mul3A_348 : vector<2048x8xf32>
    %reduce_sum3A_356 = arith.constant dense<0.000000e+00> : vector<2048xf32>
    %reduce_sum3A_357 = vector.multi_reduction <add>, %mul3A_355, %reduce_sum3A_356 [1] : vector<2048x8xf32> to vector<2048xf32>
    %broadcast_in_dim3A_358 = vector.shape_cast %reduce_sum3A_357 : vector<2048xf32> to vector<2048x1xf32>
    %convert_element_type3A_359 = arith.fptosi %broadcast_in_dim3A_358 : vector<2048x1xf32> to vector<2048x1xi32>
    %swap3A_360 = arith.constant 0 : index
    %swap3A_361 = arith.constant 0 : index
    %swap3A_362 = vector.load %arg3[%swap3A_360, %swap3A_361] : memref<2048x1xi32, #tpu.memory_space<vmem>>, vector<2048x1xi32>
    tpu.vector_store %arg3[%swap3A_360, %swap3A_361], %convert_element_type3A_359 {strides = array<i32>} : memref<2048x1xi32, #tpu.memory_space<vmem>>, vector<2048x1xi32>,
    %mul3A_363 = arith.mulf %sub3A_342, %mul3A_354 : vector<2048x8xf32>
    %reduce_sum3A_364 = arith.constant dense<0.000000e+00> : vector<2048xf32>
    %reduce_sum3A_365 = vector.multi_reduction <add>, %mul3A_363, %reduce_sum3A_364 [1] : vector<2048x8xf32> to vector<2048xf32>
    %broadcast_in_dim3A_366 = vector.shape_cast %reduce_sum3A_365 : vector<2048xf32> to vector<2048x1xf32>
    %convert_element_type3A_367 = arith.fptosi %broadcast_in_dim3A_366 : vector<2048x1xf32> to vector<2048x1xi32>
    %swap3A_368 = arith.constant 0 : index
    %swap3A_369 = arith.constant 0 : index
    %swap3A_370 = vector.load %arg4[%swap3A_368, %swap3A_369] : memref<2048x1xi32, #tpu.memory_space<vmem>>, vector<2048x1xi32>
    tpu.vector_store %arg4[%swap3A_368, %swap3A_369], %convert_element_type3A_367 {strides = array<i32>} : memref<2048x1xi32, #tpu.memory_space<vmem>>, vector<2048x1xi32>,
    %mul3A_371 = arith.mulf %div3A_152, %mul3A_348 : vector<2048x8xf32>
    %reduce_sum3A_372 = arith.constant dense<0.000000e+00> : vector<2048xf32>
    %reduce_sum3A_373 = vector.multi_reduction <add>, %mul3A_371, %reduce_sum3A_372 [1] : vector<2048x8xf32> to vector<2048xf32>
    %broadcast_in_dim3A_374 = vector.shape_cast %reduce_sum3A_373 : vector<2048xf32> to vector<2048x1xf32>
    %swap3A_375 = arith.constant 0 : index
    %swap3A_376 = arith.constant 0 : index
    %swap3A_377 = vector.load %arg5[%swap3A_375, %swap3A_376] : memref<2048x1xf32, #tpu.memory_space<vmem>>, vector<2048x1xf32>
    tpu.vector_store %arg5[%swap3A_375, %swap3A_376], %broadcast_in_dim3A_374 {strides = array<i32>} : memref<2048x1xf32, #tpu.memory_space<vmem>>, vector<2048x1xf32>,
    %mul3A_378 = arith.mulf %div3A_152, %mul3A_354 : vector<2048x8xf32>
    %reduce_sum3A_379 = arith.constant dense<0.000000e+00> : vector<2048xf32>
    %reduce_sum3A_380 = vector.multi_reduction <add>, %mul3A_378, %reduce_sum3A_379 [1] : vector<2048x8xf32> to vector<2048xf32>
    %broadcast_in_dim3A_381 = vector.shape_cast %reduce_sum3A_380 : vector<2048xf32> to vector<2048x1xf32>
    %swap3A_382 = arith.constant 0 : index
    %swap3A_383 = arith.constant 0 : index
    %swap3A_384 = vector.load %arg6[%swap3A_382, %swap3A_383] : memref<2048x1xf32, #tpu.memory_space<vmem>>, vector<2048x1xf32>
    tpu.vector_store %arg6[%swap3A_382, %swap3A_383], %broadcast_in_dim3A_381 {strides = array<i32>} : memref<2048x1xf32, #tpu.memory_space<vmem>>, vector<2048x1xf32>,
    %transpose3A = tpu.transpose %dot_general3A_332, [1, 0] : vector<1x8xf32> -> vector<8x1xf32>
    %convert_element_type3A_385 = arith.fptosi %transpose3A : vector<8x1xf32> to vector<8x1xi32>
    %swap3A_386 = arith.constant 0 : index
    %swap3A_387 = arith.constant 0 : index
    %swap3A_388 = vector.load %arg7[%swap3A_386, %swap3A_387] : memref<8x1xi32, #tpu.memory_space<vmem>>, vector<8x1xi32>
    tpu.vector_store %arg7[%swap3A_386, %swap3A_387], %convert_element_type3A_385 {strides = array<i32>} : memref<8x1xi32, #tpu.memory_space<vmem>>, vector<8x1xi32>,
    %transpose3A_389 = tpu.transpose %floor3A, [1, 0] : vector<1x8xf32> -> vector<8x1xf32>
    %convert_element_type3A_390 = arith.fptosi %transpose3A_389 : vector<8x1xf32> to vector<8x1xi32>
    %swap3A_391 = arith.constant 0 : index
    %swap3A_392 = arith.constant 0 : index
    %swap3A_393 = vector.load %arg8[%swap3A_391, %swap3A_392] : memref<8x1xi32, #tpu.memory_space<vmem>>, vector<8x1xi32>
    tpu.vector_store %arg8[%swap3A_391, %swap3A_392], %convert_element_type3A_390 {strides = array<i32>} : memref<8x1xi32, #tpu.memory_space<vmem>>, vector<8x1xi32>,
    return
  }
}

module attributes {stable_mosaic.version = 14 : i64} {
  func.func @_expert_kernel(%arg0: i32, %arg1: memref<8x1xi32, #tpu.memory_space<smem>>, %arg2: memref<8x1xi32, #tpu.memory_space<smem>>, %arg3: memref<12288x384xf32, #tpu.memory_space<hbm>>, %arg4: memref<1x1536x768xf32, #tpu.memory_space<vmem>>, %arg5: memref<1x768x1536xf32, #tpu.memory_space<vmem>>, %arg6: memref<12288x384xf32, #tpu.memory_space<hbm>>, %arg7: memref<2x256x768xf32, #tpu.memory_space<vmem>>, %arg8: memref<2x256x768xf32, #tpu.memory_space<vmem>>, %arg9: memref<2x256x1536xf32, #tpu.memory_space<vmem>>, %arg10: memref<2x2x!tpu.dma_semaphore, #tpu.memory_space<semaphore_mem>>, %arg11: memref<2x2x!tpu.dma_semaphore, #tpu.memory_space<semaphore_mem>>) attributes {dimension_semantics = [#tpu.dimension_semantics<arbitrary>], iteration_bounds = array<i64: 8>, scalar_prefetch = 2 : i64, scratch_operands = 5 : i64, tpu.core_type = #tpu.core_type<tc>, window_params = [{}, {transform_indices = @transform_1, window_bounds = array<i64: 1, 1536, 768>}, {transform_indices = @transform_2, window_bounds = array<i64: 1, 768, 1536>}, {}]} {
    %get3A = arith.index_cast %arg0 : i32 to index
    %get3A_0 = arith.constant 0 : index
    %get3A_1 = memref.load %arg1[%get3A, %get3A_0] : memref<8x1xi32, #tpu.memory_space<smem>>
    %get3A_2 = arith.index_cast %arg0 : i32 to index
    %get3A_3 = arith.constant 0 : index
    %get3A_4 = memref.load %arg2[%get3A_2, %get3A_3] : memref<8x1xi32, #tpu.memory_space<smem>>
    %get3A_5 = arith.constant 0 : index
    %get3A_6 = arith.constant 0 : index
    %get3A_7 = arith.constant 0 : index
    %get3A_8 = vector.load %arg4[%get3A_5, %get3A_6, %get3A_7] : memref<1x1536x768xf32, #tpu.memory_space<vmem>>, vector<1x1536x768xf32>
    %get3A_9 = vector.shape_cast %get3A_8 : vector<1x1536x768xf32> to vector<1536x768xf32>
    %get3A_10 = arith.constant 0 : index
    %get3A_11 = arith.constant 0 : index
    %get3A_12 = arith.constant 0 : index
    %get3A_13 = vector.load %arg5[%get3A_10, %get3A_11, %get3A_12] : memref<1x768x1536xf32, #tpu.memory_space<vmem>>, vector<1x768x1536xf32>
    %get3A_14 = vector.shape_cast %get3A_13 : vector<1x768x1536xf32> to vector<768x1536xf32>
    %ge3A = arith.constant 1 : i32
    %ge3A_15 = arith.cmpi sge, %get3A_4, %ge3A : i32
    %convert_element_type3A = arith.extui %ge3A_15 : i1 to i32
    %cond3A = arith.constant 0 : i32
    %cond3A_16 = arith.cmpi ne, %convert_element_type3A, %cond3A : i32
    scf.if %cond3A_16 {
      %add3A = arith.constant 0 : i32
      %add3A_43 = arith.addi %get3A_1, %add3A : i32
      %mul3A = arith.constant 256 : i32
      %mul3A_44 = arith.muli %add3A_43, %mul3A : i32
      %add3A_45 = arith.constant 6144 : i32
      %add3A_46 = arith.addi %add3A_45, %mul3A_44 : i32
      %dma_start3A = arith.constant 0 : i32
      %dma_start3A_47 = arith.constant 0 : i32
      %dma_start3A_48 = arith.constant 0 : i32
      %dma_start3A_49 = tpu.memref_slice %arg10[%dma_start3A_47, %dma_start3A_48] : memref<2x2x!tpu.dma_semaphore, #tpu.memory_space<semaphore_mem>> -> memref<1x1x!tpu.dma_semaphore, #tpu.memory_space<semaphore_mem>>
      %dma_start3A_50 = tpu.memref_squeeze %dma_start3A_49 : memref<1x1x!tpu.dma_semaphore, #tpu.memory_space<semaphore_mem>> -> memref<!tpu.dma_semaphore, #tpu.memory_space<semaphore_mem>>
      %dma_start3A_51 = arith.constant 0 : i32
      %dma_start3A_52 = arith.constant 0 : i32
      %dma_start3A_53 = tpu.memref_slice %arg7[%dma_start3A, %dma_start3A_51, %dma_start3A_52] : memref<2x256x768xf32, #tpu.memory_space<vmem>> -> memref<1x256x384xf32, #tpu.memory_space<vmem>>
      %dma_start3A_54 = tpu.memref_squeeze %dma_start3A_53 : memref<1x256x384xf32, #tpu.memory_space<vmem>> -> memref<256x384xf32, #tpu.memory_space<vmem>>
      %dma_start3A_55 = arith.constant 0 : i32
      %dma_start3A_56 = tpu.memref_slice %arg3[%mul3A_44, %dma_start3A_55] : memref<12288x384xf32, #tpu.memory_space<hbm>> -> memref<256x384xf32, #tpu.memory_space<hbm>>
      tpu.enqueue_dma source(%dma_start3A_56 : memref<256x384xf32, #tpu.memory_space<hbm>>) target(%dma_start3A_54 : memref<256x384xf32, #tpu.memory_space<vmem>>) target_semaphore(%dma_start3A_50 : memref<!tpu.dma_semaphore, #tpu.memory_space<semaphore_mem>>)
      %dma_start3A_57 = arith.constant 0 : i32
      %dma_start3A_58 = arith.constant 0 : i32
      %dma_start3A_59 = arith.constant 1 : i32
      %dma_start3A_60 = tpu.memref_slice %arg10[%dma_start3A_58, %dma_start3A_59] : memref<2x2x!tpu.dma_semaphore, #tpu.memory_space<semaphore_mem>> -> memref<1x1x!tpu.dma_semaphore, #tpu.memory_space<semaphore_mem>>
      %dma_start3A_61 = tpu.memref_squeeze %dma_start3A_60 : memref<1x1x!tpu.dma_semaphore, #tpu.memory_space<semaphore_mem>> -> memref<!tpu.dma_semaphore, #tpu.memory_space<semaphore_mem>>
      %dma_start3A_62 = arith.constant 0 : i32
      %dma_start3A_63 = arith.constant 384 : i32
      %dma_start3A_64 = tpu.memref_slice %arg7[%dma_start3A_57, %dma_start3A_62, %dma_start3A_63] : memref<2x256x768xf32, #tpu.memory_space<vmem>> -> memref<1x256x384xf32, #tpu.memory_space<vmem>>
      %dma_start3A_65 = tpu.memref_squeeze %dma_start3A_64 : memref<1x256x384xf32, #tpu.memory_space<vmem>> -> memref<256x384xf32, #tpu.memory_space<vmem>>
      %dma_start3A_66 = arith.constant 0 : i32
      %dma_start3A_67 = tpu.memref_slice %arg3[%add3A_46, %dma_start3A_66] : memref<12288x384xf32, #tpu.memory_space<hbm>> -> memref<256x384xf32, #tpu.memory_space<hbm>>
      tpu.enqueue_dma source(%dma_start3A_67 : memref<256x384xf32, #tpu.memory_space<hbm>>) target(%dma_start3A_65 : memref<256x384xf32, #tpu.memory_space<vmem>>) target_semaphore(%dma_start3A_61 : memref<!tpu.dma_semaphore, #tpu.memory_space<semaphore_mem>>)
    } else {
    }
    %ge3A_17 = arith.constant 2 : i32
    %ge3A_18 = arith.cmpi sge, %get3A_4, %ge3A_17 : i32
    %convert_element_type3A_19 = arith.extui %ge3A_18 : i1 to i32
    %cond3A_20 = arith.constant 0 : i32
    %cond3A_21 = arith.cmpi ne, %convert_element_type3A_19, %cond3A_20 : i32
    scf.if %cond3A_21 {
      %add3A = arith.constant 1 : i32
      %add3A_43 = arith.addi %get3A_1, %add3A : i32
      %mul3A = arith.constant 256 : i32
      %mul3A_44 = arith.muli %add3A_43, %mul3A : i32
      %add3A_45 = arith.constant 6144 : i32
      %add3A_46 = arith.addi %add3A_45, %mul3A_44 : i32
      %dma_start3A = arith.constant 1 : i32
      %dma_start3A_47 = arith.constant 1 : i32
      %dma_start3A_48 = arith.constant 0 : i32
      %dma_start3A_49 = tpu.memref_slice %arg10[%dma_start3A_47, %dma_start3A_48] : memref<2x2x!tpu.dma_semaphore, #tpu.memory_space<semaphore_mem>> -> memref<1x1x!tpu.dma_semaphore, #tpu.memory_space<semaphore_mem>>
      %dma_start3A_50 = tpu.memref_squeeze %dma_start3A_49 : memref<1x1x!tpu.dma_semaphore, #tpu.memory_space<semaphore_mem>> -> memref<!tpu.dma_semaphore, #tpu.memory_space<semaphore_mem>>
      %dma_start3A_51 = arith.constant 0 : i32
      %dma_start3A_52 = arith.constant 0 : i32
      %dma_start3A_53 = tpu.memref_slice %arg7[%dma_start3A, %dma_start3A_51, %dma_start3A_52] : memref<2x256x768xf32, #tpu.memory_space<vmem>> -> memref<1x256x384xf32, #tpu.memory_space<vmem>>
      %dma_start3A_54 = tpu.memref_squeeze %dma_start3A_53 : memref<1x256x384xf32, #tpu.memory_space<vmem>> -> memref<256x384xf32, #tpu.memory_space<vmem>>
      %dma_start3A_55 = arith.constant 0 : i32
      %dma_start3A_56 = tpu.memref_slice %arg3[%mul3A_44, %dma_start3A_55] : memref<12288x384xf32, #tpu.memory_space<hbm>> -> memref<256x384xf32, #tpu.memory_space<hbm>>
      tpu.enqueue_dma source(%dma_start3A_56 : memref<256x384xf32, #tpu.memory_space<hbm>>) target(%dma_start3A_54 : memref<256x384xf32, #tpu.memory_space<vmem>>) target_semaphore(%dma_start3A_50 : memref<!tpu.dma_semaphore, #tpu.memory_space<semaphore_mem>>)
      %dma_start3A_57 = arith.constant 1 : i32
      %dma_start3A_58 = arith.constant 1 : i32
      %dma_start3A_59 = arith.constant 1 : i32
      %dma_start3A_60 = tpu.memref_slice %arg10[%dma_start3A_58, %dma_start3A_59] : memref<2x2x!tpu.dma_semaphore, #tpu.memory_space<semaphore_mem>> -> memref<1x1x!tpu.dma_semaphore, #tpu.memory_space<semaphore_mem>>
      %dma_start3A_61 = tpu.memref_squeeze %dma_start3A_60 : memref<1x1x!tpu.dma_semaphore, #tpu.memory_space<semaphore_mem>> -> memref<!tpu.dma_semaphore, #tpu.memory_space<semaphore_mem>>
      %dma_start3A_62 = arith.constant 0 : i32
      %dma_start3A_63 = arith.constant 384 : i32
      %dma_start3A_64 = tpu.memref_slice %arg7[%dma_start3A_57, %dma_start3A_62, %dma_start3A_63] : memref<2x256x768xf32, #tpu.memory_space<vmem>> -> memref<1x256x384xf32, #tpu.memory_space<vmem>>
      %dma_start3A_65 = tpu.memref_squeeze %dma_start3A_64 : memref<1x256x384xf32, #tpu.memory_space<vmem>> -> memref<256x384xf32, #tpu.memory_space<vmem>>
      %dma_start3A_66 = arith.constant 0 : i32
      %dma_start3A_67 = tpu.memref_slice %arg3[%add3A_46, %dma_start3A_66] : memref<12288x384xf32, #tpu.memory_space<hbm>> -> memref<256x384xf32, #tpu.memory_space<hbm>>
      tpu.enqueue_dma source(%dma_start3A_67 : memref<256x384xf32, #tpu.memory_space<hbm>>) target(%dma_start3A_65 : memref<256x384xf32, #tpu.memory_space<vmem>>) target_semaphore(%dma_start3A_61 : memref<!tpu.dma_semaphore, #tpu.memory_space<semaphore_mem>>)
    } else {
    }
    %while3A = arith.constant 0 : i32
    %while3A_22 = arith.constant 0 : i32
    %while3A_23 = arith.subi %get3A_4, %while3A : i32
    %while3A_24 = arith.addi %while3A, %while3A_23 : i32
    %while3A_25 = arith.constant 1 : i32
    %while3A_26 = arith.divsi %while3A_23, %while3A_25 : i32
    %while3A_27 = arith.muli %while3A_26, %while3A_25 : i32
    %while3A_28 = arith.addi %while3A, %while3A_27 : i32
    %while3A_29 = arith.constant 1 : i32
    %while3A_30 = scf.for %while3A_43 = %while3A to %while3A_28 step %while3A_29 iter_args(%while3A_44 = %while3A_22) -> (i32)  : i32 {
      %rem3A = arith.constant 2 : i32
      %rem3A_45 = arith.remsi %while3A_43, %rem3A : i32
      %add3A = arith.addi %get3A_1, %while3A_43 : i32
      %mul3A = arith.constant 256 : i32
      %mul3A_46 = arith.muli %add3A, %mul3A : i32
      %add3A_47 = arith.constant 6144 : i32
      %add3A_48 = arith.addi %add3A_47, %mul3A_46 : i32
      %dma_wait3A = arith.constant 0 : i32
      %dma_wait3A_49 = tpu.memref_slice %arg10[%rem3A_45, %dma_wait3A] : memref<2x2x!tpu.dma_semaphore, #tpu.memory_space<semaphore_mem>> -> memref<1x1x!tpu.dma_semaphore, #tpu.memory_space<semaphore_mem>>
      %dma_wait3A_50 = tpu.memref_squeeze %dma_wait3A_49 : memref<1x1x!tpu.dma_semaphore, #tpu.memory_space<semaphore_mem>> -> memref<!tpu.dma_semaphore, #tpu.memory_space<semaphore_mem>>
      %dma_wait3A_51 = arith.constant 0 : i32
      %dma_wait3A_52 = arith.constant 0 : i32
      %dma_wait3A_53 = tpu.memref_slice %arg7[%rem3A_45, %dma_wait3A_51, %dma_wait3A_52] : memref<2x256x768xf32, #tpu.memory_space<vmem>> -> memref<1x256x384xf32, #tpu.memory_space<vmem>>
      %dma_wait3A_54 = tpu.memref_squeeze %dma_wait3A_53 : memref<1x256x384xf32, #tpu.memory_space<vmem>> -> memref<256x384xf32, #tpu.memory_space<vmem>>
      %dma_wait3A_55 = arith.constant 0 : i32
      %dma_wait3A_56 = tpu.memref_slice %arg3[%mul3A_46, %dma_wait3A_55] : memref<12288x384xf32, #tpu.memory_space<hbm>> -> memref<256x384xf32, #tpu.memory_space<hbm>>
      tpu.wait_dma2 semaphore(%dma_wait3A_50 : memref<!tpu.dma_semaphore, #tpu.memory_space<semaphore_mem>>) src(%dma_wait3A_56 : memref<256x384xf32, #tpu.memory_space<hbm>>) dst(%dma_wait3A_54 : memref<256x384xf32, #tpu.memory_space<vmem>>)
      %dma_wait3A_57 = arith.constant 1 : i32
      %dma_wait3A_58 = tpu.memref_slice %arg10[%rem3A_45, %dma_wait3A_57] : memref<2x2x!tpu.dma_semaphore, #tpu.memory_space<semaphore_mem>> -> memref<1x1x!tpu.dma_semaphore, #tpu.memory_space<semaphore_mem>>
      %dma_wait3A_59 = tpu.memref_squeeze %dma_wait3A_58 : memref<1x1x!tpu.dma_semaphore, #tpu.memory_space<semaphore_mem>> -> memref<!tpu.dma_semaphore, #tpu.memory_space<semaphore_mem>>
      %dma_wait3A_60 = arith.constant 0 : i32
      %dma_wait3A_61 = arith.constant 384 : i32
      %dma_wait3A_62 = tpu.memref_slice %arg7[%rem3A_45, %dma_wait3A_60, %dma_wait3A_61] : memref<2x256x768xf32, #tpu.memory_space<vmem>> -> memref<1x256x384xf32, #tpu.memory_space<vmem>>
      %dma_wait3A_63 = tpu.memref_squeeze %dma_wait3A_62 : memref<1x256x384xf32, #tpu.memory_space<vmem>> -> memref<256x384xf32, #tpu.memory_space<vmem>>
      %dma_wait3A_64 = arith.constant 0 : i32
      %dma_wait3A_65 = tpu.memref_slice %arg3[%add3A_48, %dma_wait3A_64] : memref<12288x384xf32, #tpu.memory_space<hbm>> -> memref<256x384xf32, #tpu.memory_space<hbm>>
      tpu.wait_dma2 semaphore(%dma_wait3A_59 : memref<!tpu.dma_semaphore, #tpu.memory_space<semaphore_mem>>) src(%dma_wait3A_65 : memref<256x384xf32, #tpu.memory_space<hbm>>) dst(%dma_wait3A_63 : memref<256x384xf32, #tpu.memory_space<vmem>>)
      %get3A_66 = arith.index_cast %rem3A_45 : i32 to index
      %get3A_67 = arith.constant 0 : index
      %get3A_68 = arith.constant 0 : index
      %get3A_69 = vector.load %arg7[%get3A_66, %get3A_67, %get3A_68] : memref<2x256x768xf32, #tpu.memory_space<vmem>>, vector<1x256x768xf32>
      %get3A_70 = vector.shape_cast %get3A_69 : vector<1x256x768xf32> to vector<256x768xf32>
      %dot_general3A = arith.constant dense<0.000000e+00> : vector<256x1536xf32>
      %dot_general3A_71 = tpu.matmul %get3A_70, %get3A_9, %dot_general3A {dimension_numbers = #tpu.dot_dimension_numbers<[1], [1], [0], [0], [0, 0, 1, 0], [], []>, transpose_lhs_hint = false} : vector<256x768xf32>, vector<1536x768xf32>, vector<256x1536xf32> -> vector<256x1536xf32>
      %max3A = arith.constant 0.000000e+00 : f32
      %max3A_72 = vector.broadcast %max3A : f32 to vector<256x1536xf32>
      %max3A_73 = arith.maximumf %dot_general3A_71, %max3A_72 : vector<256x1536xf32>
      %square3A = arith.mulf %max3A_73, %max3A_73 : vector<256x1536xf32>
      %dot_general3A_74 = arith.constant dense<0.000000e+00> : vector<256x768xf32>
      %dot_general3A_75 = tpu.matmul %square3A, %get3A_14, %dot_general3A_74 {dimension_numbers = #tpu.dot_dimension_numbers<[1], [1], [0], [0], [0, 0, 1, 0], [], []>, transpose_lhs_hint = false} : vector<256x1536xf32>, vector<768x1536xf32>, vector<256x768xf32> -> vector<256x768xf32>
      %ge3A_76 = arith.constant 2 : i32
      %ge3A_77 = arith.cmpi sge, %while3A_43, %ge3A_76 : i32
      %convert_element_type3A_78 = arith.extui %ge3A_77 : i1 to i32
      %cond3A_79 = arith.constant 0 : i32
      %cond3A_80 = arith.cmpi ne, %convert_element_type3A_78, %cond3A_79 : i32
      scf.if %cond3A_80 {
        %sub3A = arith.constant 2 : i32
        %sub3A_114 = arith.subi %while3A_43, %sub3A : i32
        %add3A_115 = arith.addi %get3A_1, %sub3A_114 : i32
        %mul3A_116 = arith.constant 256 : i32
        %mul3A_117 = arith.muli %add3A_115, %mul3A_116 : i32
        %add3A_118 = arith.constant 6144 : i32
        %add3A_119 = arith.addi %add3A_118, %mul3A_117 : i32
        %dma_wait3A_120 = arith.constant 0 : i32
        %dma_wait3A_121 = tpu.memref_slice %arg11[%rem3A_45, %dma_wait3A_120] : memref<2x2x!tpu.dma_semaphore, #tpu.memory_space<semaphore_mem>> -> memref<1x1x!tpu.dma_semaphore, #tpu.memory_space<semaphore_mem>>
        %dma_wait3A_122 = tpu.memref_squeeze %dma_wait3A_121 : memref<1x1x!tpu.dma_semaphore, #tpu.memory_space<semaphore_mem>> -> memref<!tpu.dma_semaphore, #tpu.memory_space<semaphore_mem>>
        %dma_wait3A_123 = arith.constant 0 : i32
        %dma_wait3A_124 = tpu.memref_slice %arg6[%mul3A_117, %dma_wait3A_123] : memref<12288x384xf32, #tpu.memory_space<hbm>> -> memref<256x384xf32, #tpu.memory_space<hbm>>
        %dma_wait3A_125 = arith.constant 0 : i32
        %dma_wait3A_126 = arith.constant 0 : i32
        %dma_wait3A_127 = tpu.memref_slice %arg8[%rem3A_45, %dma_wait3A_125, %dma_wait3A_126] : memref<2x256x768xf32, #tpu.memory_space<vmem>> -> memref<1x256x384xf32, #tpu.memory_space<vmem>>
        %dma_wait3A_128 = tpu.memref_squeeze %dma_wait3A_127 : memref<1x256x384xf32, #tpu.memory_space<vmem>> -> memref<256x384xf32, #tpu.memory_space<vmem>>
        tpu.wait_dma2 semaphore(%dma_wait3A_122 : memref<!tpu.dma_semaphore, #tpu.memory_space<semaphore_mem>>) src(%dma_wait3A_128 : memref<256x384xf32, #tpu.memory_space<vmem>>) dst(%dma_wait3A_124 : memref<256x384xf32, #tpu.memory_space<hbm>>)
        %dma_wait3A_129 = arith.constant 1 : i32
        %dma_wait3A_130 = tpu.memref_slice %arg11[%rem3A_45, %dma_wait3A_129] : memref<2x2x!tpu.dma_semaphore, #tpu.memory_space<semaphore_mem>> -> memref<1x1x!tpu.dma_semaphore, #tpu.memory_space<semaphore_mem>>
        %dma_wait3A_131 = tpu.memref_squeeze %dma_wait3A_130 : memref<1x1x!tpu.dma_semaphore, #tpu.memory_space<semaphore_mem>> -> memref<!tpu.dma_semaphore, #tpu.memory_space<semaphore_mem>>
        %dma_wait3A_132 = arith.constant 0 : i32
        %dma_wait3A_133 = tpu.memref_slice %arg6[%add3A_119, %dma_wait3A_132] : memref<12288x384xf32, #tpu.memory_space<hbm>> -> memref<256x384xf32, #tpu.memory_space<hbm>>
        %dma_wait3A_134 = arith.constant 0 : i32
        %dma_wait3A_135 = arith.constant 384 : i32
        %dma_wait3A_136 = tpu.memref_slice %arg8[%rem3A_45, %dma_wait3A_134, %dma_wait3A_135] : memref<2x256x768xf32, #tpu.memory_space<vmem>> -> memref<1x256x384xf32, #tpu.memory_space<vmem>>
        %dma_wait3A_137 = tpu.memref_squeeze %dma_wait3A_136 : memref<1x256x384xf32, #tpu.memory_space<vmem>> -> memref<256x384xf32, #tpu.memory_space<vmem>>
        tpu.wait_dma2 semaphore(%dma_wait3A_131 : memref<!tpu.dma_semaphore, #tpu.memory_space<semaphore_mem>>) src(%dma_wait3A_137 : memref<256x384xf32, #tpu.memory_space<vmem>>) dst(%dma_wait3A_133 : memref<256x384xf32, #tpu.memory_space<hbm>>)
      } else {
      }
      %swap3A = arith.index_cast %rem3A_45 : i32 to index
      %swap3A_81 = arith.constant 0 : index
      %swap3A_82 = arith.constant 0 : index
      %swap3A_83 = vector.load %arg8[%swap3A, %swap3A_81, %swap3A_82] : memref<2x256x768xf32, #tpu.memory_space<vmem>>, vector<1x256x768xf32>
      %swap3A_84 = vector.shape_cast %swap3A_83 : vector<1x256x768xf32> to vector<256x768xf32>
      %swap3A_85 = vector.shape_cast %dot_general3A_75 : vector<256x768xf32> to vector<1x256x768xf32>
      tpu.vector_store %arg8[%swap3A, %swap3A_81, %swap3A_82], %swap3A_85 {strides = array<i32>} : memref<2x256x768xf32, #tpu.memory_space<vmem>>, vector<1x256x768xf32>,
      %add3A_86 = arith.addi %get3A_1, %while3A_43 : i32
      %mul3A_87 = arith.constant 256 : i32
      %mul3A_88 = arith.muli %add3A_86, %mul3A_87 : i32
      %add3A_89 = arith.constant 6144 : i32
      %add3A_90 = arith.addi %add3A_89, %mul3A_88 : i32
      %dma_start3A = arith.constant 0 : i32
      %dma_start3A_91 = tpu.memref_slice %arg11[%rem3A_45, %dma_start3A] : memref<2x2x!tpu.dma_semaphore, #tpu.memory_space<semaphore_mem>> -> memref<1x1x!tpu.dma_semaphore, #tpu.memory_space<semaphore_mem>>
      %dma_start3A_92 = tpu.memref_squeeze %dma_start3A_91 : memref<1x1x!tpu.dma_semaphore, #tpu.memory_space<semaphore_mem>> -> memref<!tpu.dma_semaphore, #tpu.memory_space<semaphore_mem>>
      %dma_start3A_93 = arith.constant 0 : i32
      %dma_start3A_94 = tpu.memref_slice %arg6[%mul3A_88, %dma_start3A_93] : memref<12288x384xf32, #tpu.memory_space<hbm>> -> memref<256x384xf32, #tpu.memory_space<hbm>>
      %dma_start3A_95 = arith.constant 0 : i32
      %dma_start3A_96 = arith.constant 0 : i32
      %dma_start3A_97 = tpu.memref_slice %arg8[%rem3A_45, %dma_start3A_95, %dma_start3A_96] : memref<2x256x768xf32, #tpu.memory_space<vmem>> -> memref<1x256x384xf32, #tpu.memory_space<vmem>>
      %dma_start3A_98 = tpu.memref_squeeze %dma_start3A_97 : memref<1x256x384xf32, #tpu.memory_space<vmem>> -> memref<256x384xf32, #tpu.memory_space<vmem>>
      tpu.enqueue_dma source(%dma_start3A_98 : memref<256x384xf32, #tpu.memory_space<vmem>>) target(%dma_start3A_94 : memref<256x384xf32, #tpu.memory_space<hbm>>) target_semaphore(%dma_start3A_92 : memref<!tpu.dma_semaphore, #tpu.memory_space<semaphore_mem>>)
      %dma_start3A_99 = arith.constant 1 : i32
      %dma_start3A_100 = tpu.memref_slice %arg11[%rem3A_45, %dma_start3A_99] : memref<2x2x!tpu.dma_semaphore, #tpu.memory_space<semaphore_mem>> -> memref<1x1x!tpu.dma_semaphore, #tpu.memory_space<semaphore_mem>>
      %dma_start3A_101 = tpu.memref_squeeze %dma_start3A_100 : memref<1x1x!tpu.dma_semaphore, #tpu.memory_space<semaphore_mem>> -> memref<!tpu.dma_semaphore, #tpu.memory_space<semaphore_mem>>
      %dma_start3A_102 = arith.constant 0 : i32
      %dma_start3A_103 = tpu.memref_slice %arg6[%add3A_90, %dma_start3A_102] : memref<12288x384xf32, #tpu.memory_space<hbm>> -> memref<256x384xf32, #tpu.memory_space<hbm>>
      %dma_start3A_104 = arith.constant 0 : i32
      %dma_start3A_105 = arith.constant 384 : i32
      %dma_start3A_106 = tpu.memref_slice %arg8[%rem3A_45, %dma_start3A_104, %dma_start3A_105] : memref<2x256x768xf32, #tpu.memory_space<vmem>> -> memref<1x256x384xf32, #tpu.memory_space<vmem>>
      %dma_start3A_107 = tpu.memref_squeeze %dma_start3A_106 : memref<1x256x384xf32, #tpu.memory_space<vmem>> -> memref<256x384xf32, #tpu.memory_space<vmem>>
      tpu.enqueue_dma source(%dma_start3A_107 : memref<256x384xf32, #tpu.memory_space<vmem>>) target(%dma_start3A_103 : memref<256x384xf32, #tpu.memory_space<hbm>>) target_semaphore(%dma_start3A_101 : memref<!tpu.dma_semaphore, #tpu.memory_space<semaphore_mem>>)
      %add3A_108 = arith.constant 2 : i32
      %add3A_109 = arith.addi %while3A_43, %add3A_108 : i32
      %lt3A = arith.cmpi slt, %add3A_109, %get3A_4 : i32
      %convert_element_type3A_110 = arith.extui %lt3A : i1 to i32
      %cond3A_111 = arith.constant 0 : i32
      %cond3A_112 = arith.cmpi ne, %convert_element_type3A_110, %cond3A_111 : i32
      scf.if %cond3A_112 {
        %add3A_114 = arith.constant 2 : i32
        %add3A_115 = arith.addi %while3A_43, %add3A_114 : i32
        %add3A_116 = arith.addi %get3A_1, %add3A_115 : i32
        %mul3A_117 = arith.constant 256 : i32
        %mul3A_118 = arith.muli %add3A_116, %mul3A_117 : i32
        %add3A_119 = arith.constant 6144 : i32
        %add3A_120 = arith.addi %add3A_119, %mul3A_118 : i32
        %dma_start3A_121 = arith.constant 0 : i32
        %dma_start3A_122 = tpu.memref_slice %arg10[%rem3A_45, %dma_start3A_121] : memref<2x2x!tpu.dma_semaphore, #tpu.memory_space<semaphore_mem>> -> memref<1x1x!tpu.dma_semaphore, #tpu.memory_space<semaphore_mem>>
        %dma_start3A_123 = tpu.memref_squeeze %dma_start3A_122 : memref<1x1x!tpu.dma_semaphore, #tpu.memory_space<semaphore_mem>> -> memref<!tpu.dma_semaphore, #tpu.memory_space<semaphore_mem>>
        %dma_start3A_124 = arith.constant 0 : i32
        %dma_start3A_125 = arith.constant 0 : i32
        %dma_start3A_126 = tpu.memref_slice %arg7[%rem3A_45, %dma_start3A_124, %dma_start3A_125] : memref<2x256x768xf32, #tpu.memory_space<vmem>> -> memref<1x256x384xf32, #tpu.memory_space<vmem>>
        %dma_start3A_127 = tpu.memref_squeeze %dma_start3A_126 : memref<1x256x384xf32, #tpu.memory_space<vmem>> -> memref<256x384xf32, #tpu.memory_space<vmem>>
        %dma_start3A_128 = arith.constant 0 : i32
        %dma_start3A_129 = tpu.memref_slice %arg3[%mul3A_118, %dma_start3A_128] : memref<12288x384xf32, #tpu.memory_space<hbm>> -> memref<256x384xf32, #tpu.memory_space<hbm>>
        tpu.enqueue_dma source(%dma_start3A_129 : memref<256x384xf32, #tpu.memory_space<hbm>>) target(%dma_start3A_127 : memref<256x384xf32, #tpu.memory_space<vmem>>) target_semaphore(%dma_start3A_123 : memref<!tpu.dma_semaphore, #tpu.memory_space<semaphore_mem>>)
        %dma_start3A_130 = arith.constant 1 : i32
        %dma_start3A_131 = tpu.memref_slice %arg10[%rem3A_45, %dma_start3A_130] : memref<2x2x!tpu.dma_semaphore, #tpu.memory_space<semaphore_mem>> -> memref<1x1x!tpu.dma_semaphore, #tpu.memory_space<semaphore_mem>>
        %dma_start3A_132 = tpu.memref_squeeze %dma_start3A_131 : memref<1x1x!tpu.dma_semaphore, #tpu.memory_space<semaphore_mem>> -> memref<!tpu.dma_semaphore, #tpu.memory_space<semaphore_mem>>
        %dma_start3A_133 = arith.constant 0 : i32
        %dma_start3A_134 = arith.constant 384 : i32
        %dma_start3A_135 = tpu.memref_slice %arg7[%rem3A_45, %dma_start3A_133, %dma_start3A_134] : memref<2x256x768xf32, #tpu.memory_space<vmem>> -> memref<1x256x384xf32, #tpu.memory_space<vmem>>
        %dma_start3A_136 = tpu.memref_squeeze %dma_start3A_135 : memref<1x256x384xf32, #tpu.memory_space<vmem>> -> memref<256x384xf32, #tpu.memory_space<vmem>>
        %dma_start3A_137 = arith.constant 0 : i32
        %dma_start3A_138 = tpu.memref_slice %arg3[%add3A_120, %dma_start3A_137] : memref<12288x384xf32, #tpu.memory_space<hbm>> -> memref<256x384xf32, #tpu.memory_space<hbm>>
        tpu.enqueue_dma source(%dma_start3A_138 : memref<256x384xf32, #tpu.memory_space<hbm>>) target(%dma_start3A_136 : memref<256x384xf32, #tpu.memory_space<vmem>>) target_semaphore(%dma_start3A_132 : memref<!tpu.dma_semaphore, #tpu.memory_space<semaphore_mem>>)
      } else {
      }
      %while3A_113 = arith.constant 0 : i32
      scf.yield %while3A_113 : i32
    }
    %while3A_31 = arith.constant 1 : i32
    %while3A_32 = scf.for %while3A_43 = %while3A_28 to %while3A_24 step %while3A_31 iter_args(%while3A_44 = %while3A_30) -> (i32)  : i32 {
      %rem3A = arith.constant 2 : i32
      %rem3A_45 = arith.remsi %while3A_43, %rem3A : i32
      %add3A = arith.addi %get3A_1, %while3A_43 : i32
      %mul3A = arith.constant 256 : i32
      %mul3A_46 = arith.muli %add3A, %mul3A : i32
      %add3A_47 = arith.constant 6144 : i32
      %add3A_48 = arith.addi %add3A_47, %mul3A_46 : i32
      %dma_wait3A = arith.constant 0 : i32
      %dma_wait3A_49 = tpu.memref_slice %arg10[%rem3A_45, %dma_wait3A] : memref<2x2x!tpu.dma_semaphore, #tpu.memory_space<semaphore_mem>> -> memref<1x1x!tpu.dma_semaphore, #tpu.memory_space<semaphore_mem>>
      %dma_wait3A_50 = tpu.memref_squeeze %dma_wait3A_49 : memref<1x1x!tpu.dma_semaphore, #tpu.memory_space<semaphore_mem>> -> memref<!tpu.dma_semaphore, #tpu.memory_space<semaphore_mem>>
      %dma_wait3A_51 = arith.constant 0 : i32
      %dma_wait3A_52 = arith.constant 0 : i32
      %dma_wait3A_53 = tpu.memref_slice %arg7[%rem3A_45, %dma_wait3A_51, %dma_wait3A_52] : memref<2x256x768xf32, #tpu.memory_space<vmem>> -> memref<1x256x384xf32, #tpu.memory_space<vmem>>
      %dma_wait3A_54 = tpu.memref_squeeze %dma_wait3A_53 : memref<1x256x384xf32, #tpu.memory_space<vmem>> -> memref<256x384xf32, #tpu.memory_space<vmem>>
      %dma_wait3A_55 = arith.constant 0 : i32
      %dma_wait3A_56 = tpu.memref_slice %arg3[%mul3A_46, %dma_wait3A_55] : memref<12288x384xf32, #tpu.memory_space<hbm>> -> memref<256x384xf32, #tpu.memory_space<hbm>>
      tpu.wait_dma2 semaphore(%dma_wait3A_50 : memref<!tpu.dma_semaphore, #tpu.memory_space<semaphore_mem>>) src(%dma_wait3A_56 : memref<256x384xf32, #tpu.memory_space<hbm>>) dst(%dma_wait3A_54 : memref<256x384xf32, #tpu.memory_space<vmem>>)
      %dma_wait3A_57 = arith.constant 1 : i32
      %dma_wait3A_58 = tpu.memref_slice %arg10[%rem3A_45, %dma_wait3A_57] : memref<2x2x!tpu.dma_semaphore, #tpu.memory_space<semaphore_mem>> -> memref<1x1x!tpu.dma_semaphore, #tpu.memory_space<semaphore_mem>>
      %dma_wait3A_59 = tpu.memref_squeeze %dma_wait3A_58 : memref<1x1x!tpu.dma_semaphore, #tpu.memory_space<semaphore_mem>> -> memref<!tpu.dma_semaphore, #tpu.memory_space<semaphore_mem>>
      %dma_wait3A_60 = arith.constant 0 : i32
      %dma_wait3A_61 = arith.constant 384 : i32
      %dma_wait3A_62 = tpu.memref_slice %arg7[%rem3A_45, %dma_wait3A_60, %dma_wait3A_61] : memref<2x256x768xf32, #tpu.memory_space<vmem>> -> memref<1x256x384xf32, #tpu.memory_space<vmem>>
      %dma_wait3A_63 = tpu.memref_squeeze %dma_wait3A_62 : memref<1x256x384xf32, #tpu.memory_space<vmem>> -> memref<256x384xf32, #tpu.memory_space<vmem>>
      %dma_wait3A_64 = arith.constant 0 : i32
      %dma_wait3A_65 = tpu.memref_slice %arg3[%add3A_48, %dma_wait3A_64] : memref<12288x384xf32, #tpu.memory_space<hbm>> -> memref<256x384xf32, #tpu.memory_space<hbm>>
      tpu.wait_dma2 semaphore(%dma_wait3A_59 : memref<!tpu.dma_semaphore, #tpu.memory_space<semaphore_mem>>) src(%dma_wait3A_65 : memref<256x384xf32, #tpu.memory_space<hbm>>) dst(%dma_wait3A_63 : memref<256x384xf32, #tpu.memory_space<vmem>>)
      %get3A_66 = arith.index_cast %rem3A_45 : i32 to index
      %get3A_67 = arith.constant 0 : index
      %get3A_68 = arith.constant 0 : index
      %get3A_69 = vector.load %arg7[%get3A_66, %get3A_67, %get3A_68] : memref<2x256x768xf32, #tpu.memory_space<vmem>>, vector<1x256x768xf32>
      %get3A_70 = vector.shape_cast %get3A_69 : vector<1x256x768xf32> to vector<256x768xf32>
      %dot_general3A = arith.constant dense<0.000000e+00> : vector<256x1536xf32>
      %dot_general3A_71 = tpu.matmul %get3A_70, %get3A_9, %dot_general3A {dimension_numbers = #tpu.dot_dimension_numbers<[1], [1], [0], [0], [0, 0, 1, 0], [], []>, transpose_lhs_hint = false} : vector<256x768xf32>, vector<1536x768xf32>, vector<256x1536xf32> -> vector<256x1536xf32>
      %max3A = arith.constant 0.000000e+00 : f32
      %max3A_72 = vector.broadcast %max3A : f32 to vector<256x1536xf32>
      %max3A_73 = arith.maximumf %dot_general3A_71, %max3A_72 : vector<256x1536xf32>
      %square3A = arith.mulf %max3A_73, %max3A_73 : vector<256x1536xf32>
      %dot_general3A_74 = arith.constant dense<0.000000e+00> : vector<256x768xf32>
      %dot_general3A_75 = tpu.matmul %square3A, %get3A_14, %dot_general3A_74 {dimension_numbers = #tpu.dot_dimension_numbers<[1], [1], [0], [0], [0, 0, 1, 0], [], []>, transpose_lhs_hint = false} : vector<256x1536xf32>, vector<768x1536xf32>, vector<256x768xf32> -> vector<256x768xf32>
      %ge3A_76 = arith.constant 2 : i32
      %ge3A_77 = arith.cmpi sge, %while3A_43, %ge3A_76 : i32
      %convert_element_type3A_78 = arith.extui %ge3A_77 : i1 to i32
      %cond3A_79 = arith.constant 0 : i32
      %cond3A_80 = arith.cmpi ne, %convert_element_type3A_78, %cond3A_79 : i32
      scf.if %cond3A_80 {
        %sub3A = arith.constant 2 : i32
        %sub3A_114 = arith.subi %while3A_43, %sub3A : i32
        %add3A_115 = arith.addi %get3A_1, %sub3A_114 : i32
        %mul3A_116 = arith.constant 256 : i32
        %mul3A_117 = arith.muli %add3A_115, %mul3A_116 : i32
        %add3A_118 = arith.constant 6144 : i32
        %add3A_119 = arith.addi %add3A_118, %mul3A_117 : i32
        %dma_wait3A_120 = arith.constant 0 : i32
        %dma_wait3A_121 = tpu.memref_slice %arg11[%rem3A_45, %dma_wait3A_120] : memref<2x2x!tpu.dma_semaphore, #tpu.memory_space<semaphore_mem>> -> memref<1x1x!tpu.dma_semaphore, #tpu.memory_space<semaphore_mem>>
        %dma_wait3A_122 = tpu.memref_squeeze %dma_wait3A_121 : memref<1x1x!tpu.dma_semaphore, #tpu.memory_space<semaphore_mem>> -> memref<!tpu.dma_semaphore, #tpu.memory_space<semaphore_mem>>
        %dma_wait3A_123 = arith.constant 0 : i32
        %dma_wait3A_124 = tpu.memref_slice %arg6[%mul3A_117, %dma_wait3A_123] : memref<12288x384xf32, #tpu.memory_space<hbm>> -> memref<256x384xf32, #tpu.memory_space<hbm>>
        %dma_wait3A_125 = arith.constant 0 : i32
        %dma_wait3A_126 = arith.constant 0 : i32
        %dma_wait3A_127 = tpu.memref_slice %arg8[%rem3A_45, %dma_wait3A_125, %dma_wait3A_126] : memref<2x256x768xf32, #tpu.memory_space<vmem>> -> memref<1x256x384xf32, #tpu.memory_space<vmem>>
        %dma_wait3A_128 = tpu.memref_squeeze %dma_wait3A_127 : memref<1x256x384xf32, #tpu.memory_space<vmem>> -> memref<256x384xf32, #tpu.memory_space<vmem>>
        tpu.wait_dma2 semaphore(%dma_wait3A_122 : memref<!tpu.dma_semaphore, #tpu.memory_space<semaphore_mem>>) src(%dma_wait3A_128 : memref<256x384xf32, #tpu.memory_space<vmem>>) dst(%dma_wait3A_124 : memref<256x384xf32, #tpu.memory_space<hbm>>)
        %dma_wait3A_129 = arith.constant 1 : i32
        %dma_wait3A_130 = tpu.memref_slice %arg11[%rem3A_45, %dma_wait3A_129] : memref<2x2x!tpu.dma_semaphore, #tpu.memory_space<semaphore_mem>> -> memref<1x1x!tpu.dma_semaphore, #tpu.memory_space<semaphore_mem>>
        %dma_wait3A_131 = tpu.memref_squeeze %dma_wait3A_130 : memref<1x1x!tpu.dma_semaphore, #tpu.memory_space<semaphore_mem>> -> memref<!tpu.dma_semaphore, #tpu.memory_space<semaphore_mem>>
        %dma_wait3A_132 = arith.constant 0 : i32
        %dma_wait3A_133 = tpu.memref_slice %arg6[%add3A_119, %dma_wait3A_132] : memref<12288x384xf32, #tpu.memory_space<hbm>> -> memref<256x384xf32, #tpu.memory_space<hbm>>
        %dma_wait3A_134 = arith.constant 0 : i32
        %dma_wait3A_135 = arith.constant 384 : i32
        %dma_wait3A_136 = tpu.memref_slice %arg8[%rem3A_45, %dma_wait3A_134, %dma_wait3A_135] : memref<2x256x768xf32, #tpu.memory_space<vmem>> -> memref<1x256x384xf32, #tpu.memory_space<vmem>>
        %dma_wait3A_137 = tpu.memref_squeeze %dma_wait3A_136 : memref<1x256x384xf32, #tpu.memory_space<vmem>> -> memref<256x384xf32, #tpu.memory_space<vmem>>
        tpu.wait_dma2 semaphore(%dma_wait3A_131 : memref<!tpu.dma_semaphore, #tpu.memory_space<semaphore_mem>>) src(%dma_wait3A_137 : memref<256x384xf32, #tpu.memory_space<vmem>>) dst(%dma_wait3A_133 : memref<256x384xf32, #tpu.memory_space<hbm>>)
      } else {
      }
      %swap3A = arith.index_cast %rem3A_45 : i32 to index
      %swap3A_81 = arith.constant 0 : index
      %swap3A_82 = arith.constant 0 : index
      %swap3A_83 = vector.load %arg8[%swap3A, %swap3A_81, %swap3A_82] : memref<2x256x768xf32, #tpu.memory_space<vmem>>, vector<1x256x768xf32>
      %swap3A_84 = vector.shape_cast %swap3A_83 : vector<1x256x768xf32> to vector<256x768xf32>
      %swap3A_85 = vector.shape_cast %dot_general3A_75 : vector<256x768xf32> to vector<1x256x768xf32>
      tpu.vector_store %arg8[%swap3A, %swap3A_81, %swap3A_82], %swap3A_85 {strides = array<i32>} : memref<2x256x768xf32, #tpu.memory_space<vmem>>, vector<1x256x768xf32>,
      %add3A_86 = arith.addi %get3A_1, %while3A_43 : i32
      %mul3A_87 = arith.constant 256 : i32
      %mul3A_88 = arith.muli %add3A_86, %mul3A_87 : i32
      %add3A_89 = arith.constant 6144 : i32
      %add3A_90 = arith.addi %add3A_89, %mul3A_88 : i32
      %dma_start3A = arith.constant 0 : i32
      %dma_start3A_91 = tpu.memref_slice %arg11[%rem3A_45, %dma_start3A] : memref<2x2x!tpu.dma_semaphore, #tpu.memory_space<semaphore_mem>> -> memref<1x1x!tpu.dma_semaphore, #tpu.memory_space<semaphore_mem>>
      %dma_start3A_92 = tpu.memref_squeeze %dma_start3A_91 : memref<1x1x!tpu.dma_semaphore, #tpu.memory_space<semaphore_mem>> -> memref<!tpu.dma_semaphore, #tpu.memory_space<semaphore_mem>>
      %dma_start3A_93 = arith.constant 0 : i32
      %dma_start3A_94 = tpu.memref_slice %arg6[%mul3A_88, %dma_start3A_93] : memref<12288x384xf32, #tpu.memory_space<hbm>> -> memref<256x384xf32, #tpu.memory_space<hbm>>
      %dma_start3A_95 = arith.constant 0 : i32
      %dma_start3A_96 = arith.constant 0 : i32
      %dma_start3A_97 = tpu.memref_slice %arg8[%rem3A_45, %dma_start3A_95, %dma_start3A_96] : memref<2x256x768xf32, #tpu.memory_space<vmem>> -> memref<1x256x384xf32, #tpu.memory_space<vmem>>
      %dma_start3A_98 = tpu.memref_squeeze %dma_start3A_97 : memref<1x256x384xf32, #tpu.memory_space<vmem>> -> memref<256x384xf32, #tpu.memory_space<vmem>>
      tpu.enqueue_dma source(%dma_start3A_98 : memref<256x384xf32, #tpu.memory_space<vmem>>) target(%dma_start3A_94 : memref<256x384xf32, #tpu.memory_space<hbm>>) target_semaphore(%dma_start3A_92 : memref<!tpu.dma_semaphore, #tpu.memory_space<semaphore_mem>>)
      %dma_start3A_99 = arith.constant 1 : i32
      %dma_start3A_100 = tpu.memref_slice %arg11[%rem3A_45, %dma_start3A_99] : memref<2x2x!tpu.dma_semaphore, #tpu.memory_space<semaphore_mem>> -> memref<1x1x!tpu.dma_semaphore, #tpu.memory_space<semaphore_mem>>
      %dma_start3A_101 = tpu.memref_squeeze %dma_start3A_100 : memref<1x1x!tpu.dma_semaphore, #tpu.memory_space<semaphore_mem>> -> memref<!tpu.dma_semaphore, #tpu.memory_space<semaphore_mem>>
      %dma_start3A_102 = arith.constant 0 : i32
      %dma_start3A_103 = tpu.memref_slice %arg6[%add3A_90, %dma_start3A_102] : memref<12288x384xf32, #tpu.memory_space<hbm>> -> memref<256x384xf32, #tpu.memory_space<hbm>>
      %dma_start3A_104 = arith.constant 0 : i32
      %dma_start3A_105 = arith.constant 384 : i32
      %dma_start3A_106 = tpu.memref_slice %arg8[%rem3A_45, %dma_start3A_104, %dma_start3A_105] : memref<2x256x768xf32, #tpu.memory_space<vmem>> -> memref<1x256x384xf32, #tpu.memory_space<vmem>>
      %dma_start3A_107 = tpu.memref_squeeze %dma_start3A_106 : memref<1x256x384xf32, #tpu.memory_space<vmem>> -> memref<256x384xf32, #tpu.memory_space<vmem>>
      tpu.enqueue_dma source(%dma_start3A_107 : memref<256x384xf32, #tpu.memory_space<vmem>>) target(%dma_start3A_103 : memref<256x384xf32, #tpu.memory_space<hbm>>) target_semaphore(%dma_start3A_101 : memref<!tpu.dma_semaphore, #tpu.memory_space<semaphore_mem>>)
      %add3A_108 = arith.constant 2 : i32
      %add3A_109 = arith.addi %while3A_43, %add3A_108 : i32
      %lt3A = arith.cmpi slt, %add3A_109, %get3A_4 : i32
      %convert_element_type3A_110 = arith.extui %lt3A : i1 to i32
      %cond3A_111 = arith.constant 0 : i32
      %cond3A_112 = arith.cmpi ne, %convert_element_type3A_110, %cond3A_111 : i32
      scf.if %cond3A_112 {
        %add3A_114 = arith.constant 2 : i32
        %add3A_115 = arith.addi %while3A_43, %add3A_114 : i32
        %add3A_116 = arith.addi %get3A_1, %add3A_115 : i32
        %mul3A_117 = arith.constant 256 : i32
        %mul3A_118 = arith.muli %add3A_116, %mul3A_117 : i32
        %add3A_119 = arith.constant 6144 : i32
        %add3A_120 = arith.addi %add3A_119, %mul3A_118 : i32
        %dma_start3A_121 = arith.constant 0 : i32
        %dma_start3A_122 = tpu.memref_slice %arg10[%rem3A_45, %dma_start3A_121] : memref<2x2x!tpu.dma_semaphore, #tpu.memory_space<semaphore_mem>> -> memref<1x1x!tpu.dma_semaphore, #tpu.memory_space<semaphore_mem>>
        %dma_start3A_123 = tpu.memref_squeeze %dma_start3A_122 : memref<1x1x!tpu.dma_semaphore, #tpu.memory_space<semaphore_mem>> -> memref<!tpu.dma_semaphore, #tpu.memory_space<semaphore_mem>>
        %dma_start3A_124 = arith.constant 0 : i32
        %dma_start3A_125 = arith.constant 0 : i32
        %dma_start3A_126 = tpu.memref_slice %arg7[%rem3A_45, %dma_start3A_124, %dma_start3A_125] : memref<2x256x768xf32, #tpu.memory_space<vmem>> -> memref<1x256x384xf32, #tpu.memory_space<vmem>>
        %dma_start3A_127 = tpu.memref_squeeze %dma_start3A_126 : memref<1x256x384xf32, #tpu.memory_space<vmem>> -> memref<256x384xf32, #tpu.memory_space<vmem>>
        %dma_start3A_128 = arith.constant 0 : i32
        %dma_start3A_129 = tpu.memref_slice %arg3[%mul3A_118, %dma_start3A_128] : memref<12288x384xf32, #tpu.memory_space<hbm>> -> memref<256x384xf32, #tpu.memory_space<hbm>>
        tpu.enqueue_dma source(%dma_start3A_129 : memref<256x384xf32, #tpu.memory_space<hbm>>) target(%dma_start3A_127 : memref<256x384xf32, #tpu.memory_space<vmem>>) target_semaphore(%dma_start3A_123 : memref<!tpu.dma_semaphore, #tpu.memory_space<semaphore_mem>>)
        %dma_start3A_130 = arith.constant 1 : i32
        %dma_start3A_131 = tpu.memref_slice %arg10[%rem3A_45, %dma_start3A_130] : memref<2x2x!tpu.dma_semaphore, #tpu.memory_space<semaphore_mem>> -> memref<1x1x!tpu.dma_semaphore, #tpu.memory_space<semaphore_mem>>
        %dma_start3A_132 = tpu.memref_squeeze %dma_start3A_131 : memref<1x1x!tpu.dma_semaphore, #tpu.memory_space<semaphore_mem>> -> memref<!tpu.dma_semaphore, #tpu.memory_space<semaphore_mem>>
        %dma_start3A_133 = arith.constant 0 : i32
        %dma_start3A_134 = arith.constant 384 : i32
        %dma_start3A_135 = tpu.memref_slice %arg7[%rem3A_45, %dma_start3A_133, %dma_start3A_134] : memref<2x256x768xf32, #tpu.memory_space<vmem>> -> memref<1x256x384xf32, #tpu.memory_space<vmem>>
        %dma_start3A_136 = tpu.memref_squeeze %dma_start3A_135 : memref<1x256x384xf32, #tpu.memory_space<vmem>> -> memref<256x384xf32, #tpu.memory_space<vmem>>
        %dma_start3A_137 = arith.constant 0 : i32
        %dma_start3A_138 = tpu.memref_slice %arg3[%add3A_120, %dma_start3A_137] : memref<12288x384xf32, #tpu.memory_space<hbm>> -> memref<256x384xf32, #tpu.memory_space<hbm>>
        tpu.enqueue_dma source(%dma_start3A_138 : memref<256x384xf32, #tpu.memory_space<hbm>>) target(%dma_start3A_136 : memref<256x384xf32, #tpu.memory_space<vmem>>) target_semaphore(%dma_start3A_132 : memref<!tpu.dma_semaphore, #tpu.memory_space<semaphore_mem>>)
      } else {
      }
      %while3A_113 = arith.constant 0 : i32
      scf.yield %while3A_113 : i32
    }
    %ge3A_33 = arith.constant 1 : i32
    %ge3A_34 = arith.cmpi sge, %get3A_4, %ge3A_33 : i32
    %convert_element_type3A_35 = arith.extui %ge3A_34 : i1 to i32
    %cond3A_36 = arith.constant 0 : i32
    %cond3A_37 = arith.cmpi ne, %convert_element_type3A_35, %cond3A_36 : i32
    scf.if %cond3A_37 {
      %sub3A = arith.constant 1 : i32
      %sub3A_43 = arith.subi %get3A_4, %sub3A : i32
      %sub3A_44 = arith.constant 1 : i32
      %sub3A_45 = arith.subi %get3A_4, %sub3A_44 : i32
      %rem3A = arith.constant 2 : i32
      %rem3A_46 = arith.remsi %sub3A_45, %rem3A : i32
      %add3A = arith.addi %get3A_1, %sub3A_43 : i32
      %mul3A = arith.constant 256 : i32
      %mul3A_47 = arith.muli %add3A, %mul3A : i32
      %add3A_48 = arith.constant 6144 : i32
      %add3A_49 = arith.addi %add3A_48, %mul3A_47 : i32
      %dma_wait3A = arith.constant 0 : i32
      %dma_wait3A_50 = tpu.memref_slice %arg11[%rem3A_46, %dma_wait3A] : memref<2x2x!tpu.dma_semaphore, #tpu.memory_space<semaphore_mem>> -> memref<1x1x!tpu.dma_semaphore, #tpu.memory_space<semaphore_mem>>
      %dma_wait3A_51 = tpu.memref_squeeze %dma_wait3A_50 : memref<1x1x!tpu.dma_semaphore, #tpu.memory_space<semaphore_mem>> -> memref<!tpu.dma_semaphore, #tpu.memory_space<semaphore_mem>>
      %dma_wait3A_52 = arith.constant 0 : i32
      %dma_wait3A_53 = tpu.memref_slice %arg6[%mul3A_47, %dma_wait3A_52] : memref<12288x384xf32, #tpu.memory_space<hbm>> -> memref<256x384xf32, #tpu.memory_space<hbm>>
      %dma_wait3A_54 = arith.constant 0 : i32
      %dma_wait3A_55 = arith.constant 0 : i32
      %dma_wait3A_56 = tpu.memref_slice %arg8[%rem3A_46, %dma_wait3A_54, %dma_wait3A_55] : memref<2x256x768xf32, #tpu.memory_space<vmem>> -> memref<1x256x384xf32, #tpu.memory_space<vmem>>
      %dma_wait3A_57 = tpu.memref_squeeze %dma_wait3A_56 : memref<1x256x384xf32, #tpu.memory_space<vmem>> -> memref<256x384xf32, #tpu.memory_space<vmem>>
      tpu.wait_dma2 semaphore(%dma_wait3A_51 : memref<!tpu.dma_semaphore, #tpu.memory_space<semaphore_mem>>) src(%dma_wait3A_57 : memref<256x384xf32, #tpu.memory_space<vmem>>) dst(%dma_wait3A_53 : memref<256x384xf32, #tpu.memory_space<hbm>>)
      %dma_wait3A_58 = arith.constant 1 : i32
      %dma_wait3A_59 = tpu.memref_slice %arg11[%rem3A_46, %dma_wait3A_58] : memref<2x2x!tpu.dma_semaphore, #tpu.memory_space<semaphore_mem>> -> memref<1x1x!tpu.dma_semaphore, #tpu.memory_space<semaphore_mem>>
      %dma_wait3A_60 = tpu.memref_squeeze %dma_wait3A_59 : memref<1x1x!tpu.dma_semaphore, #tpu.memory_space<semaphore_mem>> -> memref<!tpu.dma_semaphore, #tpu.memory_space<semaphore_mem>>
      %dma_wait3A_61 = arith.constant 0 : i32
      %dma_wait3A_62 = tpu.memref_slice %arg6[%add3A_49, %dma_wait3A_61] : memref<12288x384xf32, #tpu.memory_space<hbm>> -> memref<256x384xf32, #tpu.memory_space<hbm>>
      %dma_wait3A_63 = arith.constant 0 : i32
      %dma_wait3A_64 = arith.constant 384 : i32
      %dma_wait3A_65 = tpu.memref_slice %arg8[%rem3A_46, %dma_wait3A_63, %dma_wait3A_64] : memref<2x256x768xf32, #tpu.memory_space<vmem>> -> memref<1x256x384xf32, #tpu.memory_space<vmem>>
      %dma_wait3A_66 = tpu.memref_squeeze %dma_wait3A_65 : memref<1x256x384xf32, #tpu.memory_space<vmem>> -> memref<256x384xf32, #tpu.memory_space<vmem>>
      tpu.wait_dma2 semaphore(%dma_wait3A_60 : memref<!tpu.dma_semaphore, #tpu.memory_space<semaphore_mem>>) src(%dma_wait3A_66 : memref<256x384xf32, #tpu.memory_space<vmem>>) dst(%dma_wait3A_62 : memref<256x384xf32, #tpu.memory_space<hbm>>)
    } else {
    }
    %ge3A_38 = arith.constant 2 : i32
    %ge3A_39 = arith.cmpi sge, %get3A_4, %ge3A_38 : i32
    %convert_element_type3A_40 = arith.extui %ge3A_39 : i1 to i32
    %cond3A_41 = arith.constant 0 : i32
    %cond3A_42 = arith.cmpi ne, %convert_element_type3A_40, %cond3A_41 : i32
    scf.if %cond3A_42 {
      %sub3A = arith.constant 2 : i32
      %sub3A_43 = arith.subi %get3A_4, %sub3A : i32
      %sub3A_44 = arith.constant 2 : i32
      %sub3A_45 = arith.subi %get3A_4, %sub3A_44 : i32
      %rem3A = arith.constant 2 : i32
      %rem3A_46 = arith.remsi %sub3A_45, %rem3A : i32
      %add3A = arith.addi %get3A_1, %sub3A_43 : i32
      %mul3A = arith.constant 256 : i32
      %mul3A_47 = arith.muli %add3A, %mul3A : i32
      %add3A_48 = arith.constant 6144 : i32
      %add3A_49 = arith.addi %add3A_48, %mul3A_47 : i32
      %dma_wait3A = arith.constant 0 : i32
      %dma_wait3A_50 = tpu.memref_slice %arg11[%rem3A_46, %dma_wait3A] : memref<2x2x!tpu.dma_semaphore, #tpu.memory_space<semaphore_mem>> -> memref<1x1x!tpu.dma_semaphore, #tpu.memory_space<semaphore_mem>>
      %dma_wait3A_51 = tpu.memref_squeeze %dma_wait3A_50 : memref<1x1x!tpu.dma_semaphore, #tpu.memory_space<semaphore_mem>> -> memref<!tpu.dma_semaphore, #tpu.memory_space<semaphore_mem>>
      %dma_wait3A_52 = arith.constant 0 : i32
      %dma_wait3A_53 = tpu.memref_slice %arg6[%mul3A_47, %dma_wait3A_52] : memref<12288x384xf32, #tpu.memory_space<hbm>> -> memref<256x384xf32, #tpu.memory_space<hbm>>
      %dma_wait3A_54 = arith.constant 0 : i32
      %dma_wait3A_55 = arith.constant 0 : i32
      %dma_wait3A_56 = tpu.memref_slice %arg8[%rem3A_46, %dma_wait3A_54, %dma_wait3A_55] : memref<2x256x768xf32, #tpu.memory_space<vmem>> -> memref<1x256x384xf32, #tpu.memory_space<vmem>>
      %dma_wait3A_57 = tpu.memref_squeeze %dma_wait3A_56 : memref<1x256x384xf32, #tpu.memory_space<vmem>> -> memref<256x384xf32, #tpu.memory_space<vmem>>
      tpu.wait_dma2 semaphore(%dma_wait3A_51 : memref<!tpu.dma_semaphore, #tpu.memory_space<semaphore_mem>>) src(%dma_wait3A_57 : memref<256x384xf32, #tpu.memory_space<vmem>>) dst(%dma_wait3A_53 : memref<256x384xf32, #tpu.memory_space<hbm>>)
      %dma_wait3A_58 = arith.constant 1 : i32
      %dma_wait3A_59 = tpu.memref_slice %arg11[%rem3A_46, %dma_wait3A_58] : memref<2x2x!tpu.dma_semaphore, #tpu.memory_space<semaphore_mem>> -> memref<1x1x!tpu.dma_semaphore, #tpu.memory_space<semaphore_mem>>
      %dma_wait3A_60 = tpu.memref_squeeze %dma_wait3A_59 : memref<1x1x!tpu.dma_semaphore, #tpu.memory_space<semaphore_mem>> -> memref<!tpu.dma_semaphore, #tpu.memory_space<semaphore_mem>>
      %dma_wait3A_61 = arith.constant 0 : i32
      %dma_wait3A_62 = tpu.memref_slice %arg6[%add3A_49, %dma_wait3A_61] : memref<12288x384xf32, #tpu.memory_space<hbm>> -> memref<256x384xf32, #tpu.memory_space<hbm>>
      %dma_wait3A_63 = arith.constant 0 : i32
      %dma_wait3A_64 = arith.constant 384 : i32
      %dma_wait3A_65 = tpu.memref_slice %arg8[%rem3A_46, %dma_wait3A_63, %dma_wait3A_64] : memref<2x256x768xf32, #tpu.memory_space<vmem>> -> memref<1x256x384xf32, #tpu.memory_space<vmem>>
      %dma_wait3A_66 = tpu.memref_squeeze %dma_wait3A_65 : memref<1x256x384xf32, #tpu.memory_space<vmem>> -> memref<256x384xf32, #tpu.memory_space<vmem>>
      tpu.wait_dma2 semaphore(%dma_wait3A_60 : memref<!tpu.dma_semaphore, #tpu.memory_space<semaphore_mem>>) src(%dma_wait3A_66 : memref<256x384xf32, #tpu.memory_space<vmem>>) dst(%dma_wait3A_62 : memref<256x384xf32, #tpu.memory_space<hbm>>)
    } else {
    }
    return
  }
  func.func @transform_1(%arg0: i32, %arg1: memref<8x1xi32, #tpu.memory_space<smem>>, %arg2: memref<8x1xi32, #tpu.memory_space<smem>>) -> (i32, i32, i32) {
    %c0_i32 = arith.constant 0 : i32
    %c0_i32_0 = arith.constant 0 : i32
    %c0_i32_1 = arith.constant 0 : i32
    return %arg0, %c0_i32, %c0_i32_0 : i32, i32, i32
  }
  func.func @transform_2(%arg0: i32, %arg1: memref<8x1xi32, #tpu.memory_space<smem>>, %arg2: memref<8x1xi32, #tpu.memory_space<smem>>) -> (i32, i32, i32) {
    %c0_i32 = arith.constant 0 : i32
    %c0_i32_0 = arith.constant 0 : i32
    %c0_i32_1 = arith.constant 0 : i32
    return %arg0, %c0_i32, %c0_i32_0 : i32, i32, i32
  }
}

</mosaic_0001>

<sc_bundles>
// kernel: kernel.10.cloned.1.call-start
scs
__scs_entry_jumppad:
0x0: {  	(pc) =	sbr.rel $0x88, $3  }
0x1: {  	(tag) =	ssettag $0x0;
	lr =	simm.s32 $0x1  }
0x2: {  	[smem:$0x3F9D] =	sst lr;
	_ =	strace $0xD0000000  }
0x3: {  	_ = 	snop  }
0x4: {  	_ = 	snop  }
0x5: {  	_ = 	snop  }
0x6: {  	_ = 	snop  }
0x7: {  	_ = 	snop  }
__scs_overlays_trampoline_lowered:
0x8: {  	[smem:$0x3FAC] =	sst s0  }
0x9: {  	[smem:$0x3FAD] =	sst s1  }
0xa: {  	[smem:$0x3FAE] =	sst s2  }
0xb: {  	[smem:$0x3FAF] =	sst s3  }
0xc: {  	[smem:$0x3FB0] =	sst s4  }
0xd: {  	[smem:$0x3FB1] =	sst s5  }
0xe: {  	[smem:$0x3FB2] =	sst s6  }
0xf: {  	[smem:$0x3FB3] =	sst s7  }
0x10: {  	[smem:$0x3FB4] =	sst s8  }
0x11: {  	[smem:$0x3FB5] =	sst s9;
	s0 =	simm.s32 @!p0 $0x0  }
0x12: {  	s1 =	sld [smem:$0x3F9B];
	s0 =	simm.s32 @p0 $0x1  }
0x13: {  	[smem:$0x3FB6] =	sst s0;
	s0 =	simm.s32 @!p1 $0x0  }
0x14: {  	s2 =	sld [smem:$0x3F9A];
	s0 =	simm.s32 @p1 $0x1  }
0x15: {  	[smem:$0x3FB7] =	sst s0;
	s0 =	simm.s32 @!p2 $0x0  }
0x16: {  	s3 =	sld [smem:$0x3FDB];
	s0 =	simm.s32 @p2 $0x1  }
0x17: {  	s4 =	simm.s32 $0x1BF5;
	[smem:$0x3FB9] =	sst s0  }
0x18: {  	s0 =	sld [smem:$0x3F9C];
	_ =	swait.ge [sflag:s4], $0x0  }
0x19: {  	s7 =	sld [smem:$0x3F9D]  }
0x1a: {  	s8 =	sadd.s32 $0xFFFFE003, lr  }
0x1b: {  	s9 =	sadd.s32 $0xFFFFFEF7, lr;
	s5 =	simm.s32 $0xFFFFFFFF;
	p2 =	slt.u32 s8, $0xFFFFF086  }
0x1c: {  	p1 =	slt.u32 s9, $0xF7A;
	s5 =	simm.s32 @!p2 $0x0  }
0x1d: {  	s5 =	simm.s32 @p1 $0x1;
	p0 =	seq.s32 s7, s2  }
0x1e: {  	s7 =	smul.u32 @!p0 $0xF7A, s2;
	p2 =	seq.s32 @!p0 s5, $0x0  }
0x1f: {  	s9 =	smul.u32 $0xF7A, s1;
	s8 =	simm.s32 @!p0 $0x1BF5;
	p2 =	por !p2, p0  }
0x20: {  	[sflag:s8] =	ssyncset.s32 @!p0 $0xFFFFF086;
	s6 =	sadd.s32 @!p0 s3, s7;
	s7 =	simm.s32 @!p0 $0x108  }
0x21: {  	s3 =	sadd.s32 s3, s9;
	s6 =	sadd.s32 @!p0 $0x88, s6;
	s7 =	simm.s32 @p2 $0x1082  }
0x22: {  	[simem:s7], [sflag:s8] =	dma.local @!p0 [hbm:s6], $0xF7A  }
0x23: {  	s9 =	sor.u32 $0xD0000000, s2;
	s6 =	simm.s32 $0x108;
	_ =	swait.ge @!p0 [sflag:s8], $0x0  }
0x24: {  	s3 =	sadd.s32 $0x88, s3;
	s6 =	simm.s32 @!p1 $0x1082;
	[sflag:s4] =	ssyncset.s32 $0xFFFFF086  }
0x25: {  	[simem:s6], [sflag:s4] =	dma.local [hbm:s3], $0xF7A  }
0x26: {  	[smem:$0x3F9D] =	sst s1;
	(tag) =	ssettag s2;
	_ =	strace s9  }
0x27: {  	s1 =	sld [smem:$0x3FAD]  }
0x28: {  	s2 =	sld [smem:$0x3FAE]  }
0x29: {  	s4 =	sld [smem:$0x3FB0]  }
0x2a: {  	p0 =	seq.s32 s5, $0x0;
	s5 =	sld [smem:$0x3FB1]  }
0x2b: {  	s6 =	sld [smem:$0x3FB2]  }
0x2c: {  	s7 =	sld [smem:$0x3FB3]  }
0x2d: {  	s3 =	simm.s32 $0x108;
	s8 =	sld [smem:$0x3FB4]  }
0x2e: {  	s3 =	simm.s32 @!p0 $0x1082;
	s9 =	sld [smem:$0x3FB5]  }
0x2f: {  	lr =	sadd.s32 s0, s3;
	s0 =	sld [smem:$0x3FAC]  }
0x30: {  	s3 =	sld [smem:$0x3FAF]  }
0x31: {  	[smem:$0x3FB8] =	sst s10  }
0x32: {  	s10 =	sld [smem:$0x3FB6];
	_ =	sdelay $0x3  }
0x33: {  	p0 =	seq.s32 s10, $0x1;
	s10 =	sld [smem:$0x3FB8];
	_ =	sdelay $0x3  }
0x34: {  	[smem:$0x3FB8] =	sst s10  }
0x35: {  	s10 =	sld [smem:$0x3FB7];
	_ =	sdelay $0x3  }
0x36: {  	p1 =	seq.s32 s10, $0x1;
	s10 =	sld [smem:$0x3FB8];
	_ =	sdelay $0x3  }
0x37: {  	[smem:$0x3FB8] =	sst s10  }
0x38: {  	s10 =	sld [smem:$0x3FB9]  }
0x39: {  	_ = 	snop;
	(pc) =	sbr.ind lr, $3  }
0x3a: {  	_ = 	snop  }
0x3b: {  	_ = 	snop  }
0x3c: {  	p2 =	seq.s32 s10, $0x1;
	s10 =	sld [smem:$0x3FB8]  }
0x3d: {  	_ =	shalt  }
0x3e: {  	_ =	shalt  }
0x3f: {  	_ =	shalt  }
0x40: {  	_ =	shalt  }
0x41: {  	_ =	shalt  }
0x42: {  	_ =	shalt  }
0x43: {  	_ =	shalt  }
0x44: {  	_ =	shalt  }
0x45: {  	_ =	shalt  }
0x46: {  	_ =	shalt  }
0x47: {  	_ =	shalt  }
0x48: {  	_ =	shalt  }
0x49: {  	_ =	shalt  }
0x4a: {  	_ =	shalt  }
0x4b: {  	_ =	shalt  }
0x4c: {  	_ =	shalt  }
0x4d: {  	_ =	shalt  }
0x4e: {  	_ =	shalt  }
0x4f: {  	_ =	shalt  }
0x50: {  	_ =	shalt  }
0x51: {  	_ =	shalt  }
0x52: {  	_ =	shalt  }
0x53: {  	_ =	shalt  }
0x54: {  	_ =	shalt  }
0x55: {  	_ =	shalt  }
0x56: {  	_ =	shalt  }
0x57: {  	_ =	shalt  }
0x58: {  	_ =	shalt  }
0x59: {  	_ =	shalt  }
0x5a: {  	_ =	shalt  }
0x5b: {  	_ =	shalt  }
0x5c: {  	_ =	shalt  }
0x5d: {  	_ =	shalt  }
0x5e: {  	_ =	shalt  }
0x5f: {  	_ =	shalt  }
0x60: {  	_ =	shalt  }
0x61: {  	_ =	shalt  }
0x62: {  	_ =	shalt  }
0x63: {  	_ =	shalt  }
0x64: {  	_ =	shalt  }
0x65: {  	_ =	shalt  }
0x66: {  	_ =	shalt  }
0x67: {  	_ =	shalt  }
0x68: {  	_ =	shalt  }
0x69: {  	_ =	shalt  }
0x6a: {  	_ =	shalt  }
0x6b: {  	_ =	shalt  }
0x6c: {  	_ =	shalt  }
0x6d: {  	_ =	shalt  }
0x6e: {  	_ =	shalt  }
0x6f: {  	_ =	shalt  }
0x70: {  	_ =	shalt  }
0x71: {  	_ =	shalt  }
0x72: {  	_ =	shalt  }
0x73: {  	_ =	shalt  }
0x74: {  	_ =	shalt  }
0x75: {  	_ =	shalt  }
0x76: {  	_ =	shalt  }
0x77: {  	_ =	shalt  }
0x78: {  	_ =	shalt  }
0x79: {  	_ =	shalt  }
0x7a: {  	_ =	shalt  }
0x7b: {  	_ =	shalt  }
0x7c: {  	_ =	shalt  }
0x7d: {  	_ =	shalt  }
0x7e: {  	_ =	shalt  }
0x7f: {  	_ =	shalt  }
0x80: {  	_ =	shalt  }
0x81: {  	_ =	shalt  }
0x82: {  	_ =	shalt  }
0x83: {  	_ =	shalt  }
0x84: {  	_ =	shalt  }
0x85: {  	_ =	shalt  }
0x86: {  	_ =	shalt  }
0x87: {  	_ =	shalt  }
.Lfunc_end0:
.L_simem_size_0:
called_computation.1_lowered:
.L_overlay_start_0:
0x88: {  	s2 =	sld [smem:$0x3FD9]  }
0x89: {  	s3 =	sld [smem:$0x3FFE];
	_ =	sdelay $0x1  }
0x8a: {  	s1 =	srdreg.scid  }
0x8b: {  	s0 =	sand.u32 $0x1, s1  }
0x8c: {  	s16 =	sshll.u32 s0, $0xA;
	s2 =	sadd.s32 s3, s2  }
0x8d: {  	s2 =	sadd.s32 s2, s16  }
0x8e: {  	[smem:$0x3FC4] =	sst s2  }
0x8f: {  	_ = 	snop  }
0x90: {  	(tm) =	ssettm $0x1  }
0x91: {  	s17 =	sld [smem:$0x3FFB];
	_ =	sdelay $0x3  }
0x92: {  	_ =	strace s17  }
0x93: {  	s2 =	sld [smem:$0x3FFC];
	_ =	sdelay $0x3  }
0x94: {  	_ =	strace s2  }
0x95: {  	s2 =	sld [smem:$0x3FFD];
	_ =	sdelay $0x3  }
0x96: {  	_ =	strace s2  }
0x97: {  	_ =	strace $0x8FFFFFFF  }
0x98: {  	s18 =	sld [smem:$0x3FDB];
	_ =	sdelay $0x1  }
0x99: {  	s19 =	simm.s32 $_scs_section_size  }
0x9a: {  	s4 =	simm.s32 $_size__tile_overlayer_lowered;
	s5 =	simm.s32 $_tile_overlayer_lowered  }
0x9b: {  	s22 =	simm.s32 $0x1BFF;
	s21 =	sshll.u32 s5, $0x1;
	s2 =	sadd.s32 s19, s18  }
0x9c: {  	s6 =	simm.s32 $0x0;
	s20 =	sshll.u32 s4, $0x1;
	s4 =	sadd.s32 s21, s2  }
0x9d: {  	[timem:s6], [sflag:s22] =	dma.local [hbm:s4], s20  }
0x9e: {  	_ =	swait.ge [sflag:s22], s20  }
0x9f: {  	s3 =	ssub.s32 $0x0, s20;
	[sflag:s22] =	ssyncset.done $0x0  }
0xa0: {  	[sflag:s22] =	ssyncadd.s32 s3;
	_ =	sdelay $0x1  }
0xa1: {  	s23 =	simm.s32 $0x1B8B  }
0xa2: {  	_ =	swait.ge [sflag:s23], $0x1  }
0xa3: {  	[sflag:s23] =	ssyncset.done $0x0  }
0xa4: {  	s25 =	simm.s32 $0x1B8E;
	s24 =	sld [smem:$0x3FFE];
	[sflag:s23] =	ssyncadd.s32 $0xFFFFFFFF  }
0xa5: {  	s26 =	simm.s32 $execute0_lowered;
	[smem:$0x3FD2] =	sst s25  }
0xa6: {  	s4 =	sshll.u32 s26, $0x1;
	_ =	strace $0x8000004F;
	[dreg:$0x1] =	wrdreg $0xFFFFFFFF  }
0xa7: {  	s28 =	simm.s32 $_size_execute0_lowered;
	s2 =	sadd.s32 s2, s4;
	[dreg:$0x0] =	wrdreg $0x0  }
0xa8: {  	s4 =	sshll.u32 s28, $0x1;
	[dreg:$0x2] =	wrdreg s2  }
0xa9: {  	[dreg:$0x3] =	wrdreg s4  }
0xaa: {  	[dreg:$0x4] =	wrdreg $0xC0  }
0xab: {  	_ =	task [dreg:s6], $0x5FFFF  }
0xac: {  	[dreg:$0x1] =	wrdreg $0xFFFFFFFF  }
0xad: {  	[dreg:$0x0] =	wrdreg $0x60  }
0xae: {  	[dreg:$0x2] =	wrdreg s24  }
0xaf: {  	[dreg:$0x3] =	wrdreg $0x9  }
0xb0: {  	_ =	task.clear_ibuf [dreg:s6], $0x4FFFF;
	_ =	strace $0x9000004F  }
0xb1: {  	s29 =	simm.s32 $0x9;
	_ =	strace $0x80000058  }
0xb2: {  	_ =	swait.ge [sflag:s29], $0x1  }
0xb3: {  	[sflag:s29] =	ssyncadd.s32 $0xFFFFFFFF  }
0xb4: {  	_ =	strace $0x90000058  }
0xb5: {  	_ =	sfence  }
0xb6: {  	s30 =	sld [smem:$0x0];
	_ =	sdelay $0x2  }
0xb7: {  	s31 =	sshll.u32 s1, $0xD;
	s1 =	sshrl.u32 s1, $0x2  }
0xb8: {  	s3 =	sand.u32 $0x4000, s31;
	s1 =	sadd.s32 s1, s30  }
0xb9: {  	s0 =	sor.u32 s3, s0;
	s1 =	sshll.u32 s1, $0x11  }
0xba: {  	s0 =	sor.u32 s1, s0  }
0xbb: {  	s0 =	sadd.s32 $0x8F2B, s0  }
0xbc: {  	[sflag:s0] =	ssyncadd.remote.s32 $0x1  }
0xbd: {  	_ =	sfence.sel $0xFFFF  }
0xbe: {  	[dreg:$0x0] =	wrdreg $0xFFFFFFFF;
	(pc) =	sbr.abs _section_cstart, $3  }
0xbf: {  	[dreg:$0x1] =	wrdreg $0xFFFFFFFF  }
0xc0: {  	_ =	task.clear_ibuf [dreg:s6], $0x2FFFF;
	_ =	strace $0x9FFFFFFF  }
0xc1: {  	(tm) =	ssettm $0x7FFFFFFF  }
tec
execute0_lowered:
.L_overlay_start_1:
0x0: {  	(tag) =	ssettag $0x1  }
0x1: {  	s8 =	rddreg [dreg:$0x0]  }
0x2: {  	s0 =	rddreg [dreg:$0x1];
	s1 =	simm.s32 $0x0;
	s2 =	srdreg.scid  }
0x3: {  	s10 =	simm.s32 $0x5;
	s11 =	simm.s32 $0x4;
	s12 =	simm.s32 $0x0  }
0x4: {  	[smem:$0x7FF] =	sst s1;
	s3 =	sadd.s32 $0x1000, s8;
	s4 =	sadd.s32 $0xC00, s8  }
.Ltmp0:
0x5: {  	s5 =	sand.u32 $0x1, s2;
	s2 =	stileid.u32;
	(pc) =	sbr.rel .LBB2_1-.Ltmp0, $4  }
0x6: {  	_ =	strace $0x80000050;
	s6 =	ssub.s32 $0x2, s5;
	s7 =	sshll.u32 s5, $0x4  }
0x7: {  	v2 =	vlaneseq.u32;
	s5 =	sadd.s32 $0x91000, s8;
	s9 =	sshrl.u32 s6, $0x1;
	s7 =	sor.u32 s2, s7  }
0x8: {  	vm0 =	vmmov $0xffff;
	vm1 =	vmmov $0xff;
	v1 =	vshrl.u32 v2, $0x3;
	s9 =	ssub.s32 s6, s9;
	s6 =	sshll.u32 s7, $0x1;
	s7 =	sshll.u32 s7, $0x5  }
0x9: {  	v0 =	vand.u32 $0x7, v2;
	v2 =	vor.u32 $0x8, v2;
	s8 =	sadd.s32 $0x1100, s8;
	v1 =	vmul.u32 $0x8, v1;
	s7 =	sadd.s32 s4, s7;
	s9 =	smax.u32 s9, $0x1  }
.LBB2_4:
0xa: {  	s13 =	sand.u32 $0x1, s13  }
0xb: {  	_ =	strace $0x80000056;
	s13 =	sadd.s32 $0x3, s13  }
0xc: {  	_ =	swait.ge [sflag:s13], $0xC000  }
0xd: {  	[sflag:s13] =	ssyncset.done $0x0  }
0xe: {  	s12 =	sadd.s32 $0x1, s12;
	[sflag:s13] =	ssyncadd.s32 $0xFFFF4000  }
0xf: {  	p0 =	sne.s32 s12, s9;
	_ =	strace $0x90000056  }
.Ltmp1:
0x10: {  	_ =	strace $0x80000057;
	(pc) =	sbr.rel @!p0 .LBB2_5-.Ltmp1, $4  }
0x11: {  	_ =	swait.ge [sflag:s11], $0xC000  }
0x12: {  	[sflag:s11] =	ssyncset.done $0x0  }
0x13: {  	[sflag:s11] =	ssyncadd.s32 $0xFFFF4000  }
0x14: {  	_ =	strace $0x90000057  }
.LBB2_1:
0x15: {  	_ =	strace $0x80000051  }
0x16: {  	p0 =	por $0x1, $0x1;
	p2 =	por $0x0, $0x0;
	s14 =	simm.s32 $0x0  }
0x17: {  	s13 =	simm.s32 $0x0;
	s18 =	simm.s32 $0x0;
	s15 =	simm.s32 $0x0  }
0x18: {  	[tilespmem:s1], [sflag:$0x1] =	stream.linear.gather [hbm4b:s7+s1], $0x80, $0x200038;
	[tilespmem:$0x18100] =	vst v63  }
0x19: {  	s16 =	simm.s32 $0x1;
	s17 =	simm.s32 $0x0;
	_ =	strace $0x90000051  }
.LBB2_2:
0x1a: {  	s19 =	smov.u32 s14;
	s14 =	sadd.s32 $0x1, s14  }
0x1b: {  	p1 =	seq.s32 s14, $0x2  }
0x1c: {  	s14 =	simm.s32 @p1 $0x0  }
0x1d: {  	p1 =	sne.s32 s19, s14  }
0x1e: {  	p1 =	por !p0, !p1  }
0x1f: {  	p1 =	por !p1, !p1  }
0x20: {  	s20 =	sadd.s32 @p1 s6, s14  }
0x21: {  	s21 =	sand.u32 @p1 $0x1, s16;
	s20 =	sshll.u32 @p1 s20, $0x4  }
0x22: {  	_ =	strace @p1 $0x80000052;
	s23 =	simm.s32 @p1 $0x0;
	s20 =	sand.u32 @p1 $0x1FFFFFF0, s20  }
0x23: {  	s22 =	sshll.u32 @p1 s21, $0x7;
	s21 =	sadd.s32 @p1 $0x1, s21;
	s20 =	sadd.s32 @p1 s4, s20  }
0x24: {  	[tilespmem:s22], [sflag:s21] =	stream.linear.gather @p1 [hbm4b:s20+s23], $0x80, $0x200038;
	[tilespmem:$0x18100] =	vst v63  }
0x25: {  	s23 =	sand.u32 $0x1, s15;
	_ =	strace @p1 $0x90000052  }
0x26: {  	s20 =	sadd.s32 $0x1, s23;
	_ =	strace $0x80000053  }
0x27: {  	_ =	swait.ge [sflag:s20], $0x80  }
0x28: {  	[sflag:s20] =	ssyncset.done $0x0  }
0x29: {  	[sflag:s20] =	ssyncadd.s32 $0xFFFFFF80  }
0x2a: {  	s24 =	sshll.u32 s15, $0x7;
	_ =	strace $0x90000053  }
0x2b: {  	s23 =	sand.u32 $0x80, s24;
	_ =	strace $0x80000054  }
0x2c: {  	v3 =	vld [tilespmem:s23+$0x0];
	_ =	sdelay $0x4  }
0x2d: {  	v4 =	vshrl.u32 v3, $0x3  }
0x2e: {  	v4 =	vmul.u32 $0x18, v4  }
0x2f: {  	v3 =	vand.u32 $0x7, v3  }
0x30: {  	v3 =	vor.u32 v3, v4  }
0x31: {  	v4 =	vperm.xlane v3, v0;
	_ =	sdelay $0x1  }
0x32: {  	s20 =	sand.u32 $0x1, s18;
	v4 =	vadd.s32 v1, v4  }
0x33: {  	s25 =	smul.u32 $0x30000, s20  }
0x34: {  	v3 =	vperm.xlane v3, v2  }
0x35: {  	s22 =	sshrl.u32 s25, $0x2  }
0x36: {  	s21 =	sor.u32 $0x100, s22;
	v3 =	vadd.s32 v1, v3  }
0x37: {  	[tilespmem:s21], [sflag:$0x5] =	stream.indirect_vreg.gather [hbm4b:s3+s1], $0x80, v4, vm0, $0x2000b8;
	[tilespmem:$0x18100] =	vst v63  }
0x38: {  	s24 =	sor.u32 $0x900, s22  }
0x39: {  	[tilespmem:s24], [sflag:$0x5] =	stream.indirect_vreg.gather [hbm4b:s8+s1], $0x80, v4, vm1, $0x2000b8;
	[tilespmem:$0x18100] =	vst v63  }
0x3a: {  	s26 =	sor.u32 $0xD00, s22  }
0x3b: {  	[tilespmem:s26], [sflag:$0x5] =	stream.indirect_vreg.gather [hbm4b:s3+s1], $0x80, v3, vm0, $0x2000b8;
	[tilespmem:$0x18100] =	vst v63  }
0x3c: {  	s28 =	sor.u32 $0x1500, s22  }
0x3d: {  	[tilespmem:s28], [sflag:$0x5] =	stream.indirect_vreg.gather [hbm4b:s8+s1], $0x80, v3, vm1, $0x2000b8;
	[tilespmem:$0x18100] =	vst v63  }
0x3e: {  	v3 =	vld [tilespmem:s23+$0x10];
	_ =	sdelay $0x4  }
0x3f: {  	v57 =	vshrl.u32 v3, $0x3  }
0x40: {  	v4 =	vmul.u32 $0x18, v57  }
0x41: {  	v3 =	vand.u32 $0x7, v3  }
0x42: {  	v3 =	vor.u32 v3, v4  }
0x43: {  	v4 =	vperm.xlane v3, v0;
	_ =	sdelay $0x1  }
0x44: {  	v4 =	vadd.s32 v1, v4;
	_ =	sdelay $0x1  }
0x45: {  	v3 =	vperm.xlane v3, v2;
	_ =	sdelay $0x1  }
0x46: {  	s29 =	sor.u32 $0x1900, s22;
	v3 =	vadd.s32 v1, v3  }
0x47: {  	[tilespmem:s29], [sflag:$0x5] =	stream.indirect_vreg.gather [hbm4b:s3+s1], $0x80, v4, vm0, $0x2000b8;
	[tilespmem:$0x18100] =	vst v63  }
0x48: {  	s30 =	sor.u32 $0x2100, s22  }
0x49: {  	[tilespmem:s30], [sflag:$0x5] =	stream.indirect_vreg.gather [hbm4b:s8+s1], $0x80, v4, vm1, $0x2000b8;
	[tilespmem:$0x18100] =	vst v63  }
0x4a: {  	s31 =	sor.u32 $0x2500, s22  }
0x4b: {  	[tilespmem:s31], [sflag:$0x5] =	stream.indirect_vreg.gather [hbm4b:s3+s1], $0x80, v3, vm0, $0x2000b8;
	[tilespmem:$0x18100] =	vst v63  }
0x4c: {  	s25 =	sor.u32 $0x2D00, s22  }
0x4d: {  	[tilespmem:s25], [sflag:$0x5] =	stream.indirect_vreg.gather [hbm4b:s8+s1], $0x80, v3, vm1, $0x2000b8;
	[tilespmem:$0x18100] =	vst v63  }
0x4e: {  	v3 =	vld [tilespmem:s23+$0x20];
	_ =	sdelay $0x4  }
0x4f: {  	v58 =	vshrl.u32 v3, $0x3  }
0x50: {  	v4 =	vmul.u32 $0x18, v58  }
0x51: {  	v3 =	vand.u32 $0x7, v3  }
0x52: {  	v3 =	vor.u32 v3, v4  }
0x53: {  	v4 =	vperm.xlane v3, v0;
	_ =	sdelay $0x1  }
0x54: {  	v4 =	vadd.s32 v1, v4;
	_ =	sdelay $0x1  }
0x55: {  	v3 =	vperm.xlane v3, v2;
	_ =	sdelay $0x1  }
0x56: {  	s26 =	sor.u32 $0x3100, s22;
	v3 =	vadd.s32 v1, v3  }
0x57: {  	[tilespmem:s26], [sflag:$0x5] =	stream.indirect_vreg.gather [hbm4b:s3+s1], $0x80, v4, vm0, $0x2000b8;
	[tilespmem:$0x18100] =	vst v63  }
0x58: {  	s28 =	sor.u32 $0x3900, s22  }
0x59: {  	[tilespmem:s28], [sflag:$0x5] =	stream.indirect_vreg.gather [hbm4b:s8+s1], $0x80, v4, vm1, $0x2000b8;
	[tilespmem:$0x18100] =	vst v63  }
0x5a: {  	s29 =	sor.u32 $0x3D00, s22  }
0x5b: {  	[tilespmem:s29], [sflag:$0x5] =	stream.indirect_vreg.gather [hbm4b:s3+s1], $0x80, v3, vm0, $0x2000b8;
	[tilespmem:$0x18100] =	vst v63  }
0x5c: {  	s30 =	sadd.s32 $0x4500, s22  }
0x5d: {  	[tilespmem:s30], [sflag:$0x5] =	stream.indirect_vreg.gather [hbm4b:s8+s1], $0x80, v3, vm1, $0x2000b8;
	[tilespmem:$0x18100] =	vst v63  }
0x5e: {  	v3 =	vld [tilespmem:s23+$0x30];
	_ =	sdelay $0x4  }
0x5f: {  	v59 =	vshrl.u32 v3, $0x3  }
0x60: {  	v4 =	vmul.u32 $0x18, v59  }
0x61: {  	v3 =	vand.u32 $0x7, v3  }
0x62: {  	v3 =	vor.u32 v3, v4  }
0x63: {  	v4 =	vperm.xlane v3, v0;
	_ =	sdelay $0x1  }
0x64: {  	v4 =	vadd.s32 v1, v4;
	_ =	sdelay $0x1  }
0x65: {  	v3 =	vperm.xlane v3, v2;
	_ =	sdelay $0x1  }
0x66: {  	s31 =	sadd.s32 $0x4900, s22;
	v3 =	vadd.s32 v1, v3  }
0x67: {  	[tilespmem:s31], [sflag:$0x5] =	stream.indirect_vreg.gather [hbm4b:s3+s1], $0x80, v4, vm0, $0x2000b8;
	[tilespmem:$0x18100] =	vst v63  }
0x68: {  	s25 =	sadd.s32 $0x5100, s22  }
0x69: {  	[tilespmem:s25], [sflag:$0x5] =	stream.indirect_vreg.gather [hbm4b:s8+s1], $0x80, v4, vm1, $0x2000b8;
	[tilespmem:$0x18100] =	vst v63  }
0x6a: {  	s26 =	sadd.s32 $0x5500, s22  }
0x6b: {  	[tilespmem:s26], [sflag:$0x5] =	stream.indirect_vreg.gather [hbm4b:s3+s1], $0x80, v3, vm0, $0x2000b8;
	[tilespmem:$0x18100] =	vst v63  }
0x6c: {  	s28 =	sadd.s32 $0x5D00, s22  }
0x6d: {  	[tilespmem:s28], [sflag:$0x5] =	stream.indirect_vreg.gather [hbm4b:s8+s1], $0x80, v3, vm1, $0x2000b8;
	[tilespmem:$0x18100] =	vst v63  }
0x6e: {  	v3 =	vld [tilespmem:s23+$0x40];
	_ =	sdelay $0x4  }
0x6f: {  	v60 =	vshrl.u32 v3, $0x3  }
0x70: {  	v4 =	vmul.u32 $0x18, v60  }
0x71: {  	v3 =	vand.u32 $0x7, v3  }
0x72: {  	v3 =	vor.u32 v3, v4  }
0x73: {  	v4 =	vperm.xlane v3, v0;
	_ =	sdelay $0x1  }
0x74: {  	v4 =	vadd.s32 v1, v4;
	_ =	sdelay $0x1  }
0x75: {  	v3 =	vperm.xlane v3, v2;
	_ =	sdelay $0x1  }
0x76: {  	s29 =	sadd.s32 $0x6100, s22;
	v3 =	vadd.s32 v1, v3  }
0x77: {  	[tilespmem:s29], [sflag:$0x5] =	stream.indirect_vreg.gather [hbm4b:s3+s1], $0x80, v4, vm0, $0x2000b8;
	[tilespmem:$0x18100] =	vst v63  }
0x78: {  	s30 =	sadd.s32 $0x6900, s22  }
0x79: {  	[tilespmem:s30], [sflag:$0x5] =	stream.indirect_vreg.gather [hbm4b:s8+s1], $0x80, v4, vm1, $0x2000b8;
	[tilespmem:$0x18100] =	vst v63  }
0x7a: {  	s31 =	sadd.s32 $0x6D00, s22  }
0x7b: {  	[tilespmem:s31], [sflag:$0x5] =	stream.indirect_vreg.gather [hbm4b:s3+s1], $0x80, v3, vm0, $0x2000b8;
	[tilespmem:$0x18100] =	vst v63  }
0x7c: {  	s25 =	sadd.s32 $0x7500, s22  }
0x7d: {  	[tilespmem:s25], [sflag:$0x5] =	stream.indirect_vreg.gather [hbm4b:s8+s1], $0x80, v3, vm1, $0x2000b8;
	[tilespmem:$0x18100] =	vst v63  }
0x7e: {  	v3 =	vld [tilespmem:s23+$0x50];
	_ =	sdelay $0x4  }
0x7f: {  	v61 =	vshrl.u32 v3, $0x3  }
0x80: {  	v4 =	vmul.u32 $0x18, v61  }
0x81: {  	v3 =	vand.u32 $0x7, v3  }
0x82: {  	v3 =	vor.u32 v3, v4  }
0x83: {  	v4 =	vperm.xlane v3, v0;
	_ =	sdelay $0x1  }
0x84: {  	v4 =	vadd.s32 v1, v4;
	_ =	sdelay $0x1  }
0x85: {  	v3 =	vperm.xlane v3, v2;
	_ =	sdelay $0x1  }
0x86: {  	s26 =	sadd.s32 $0x7900, s22;
	v3 =	vadd.s32 v1, v3  }
0x87: {  	[tilespmem:s26], [sflag:$0x5] =	stream.indirect_vreg.gather [hbm4b:s3+s1], $0x80, v4, vm0, $0x2000b8;
	[tilespmem:$0x18100] =	vst v63  }
0x88: {  	s28 =	sadd.s32 $0x8100, s22  }
0x89: {  	[tilespmem:s28], [sflag:$0x5] =	stream.indirect_vreg.gather [hbm4b:s8+s1], $0x80, v4, vm1, $0x2000b8;
	[tilespmem:$0x18100] =	vst v63  }
0x8a: {  	s29 =	sadd.s32 $0x8500, s22  }
0x8b: {  	[tilespmem:s29], [sflag:$0x5] =	stream.indirect_vreg.gather [hbm4b:s3+s1], $0x80, v3, vm0, $0x2000b8;
	[tilespmem:$0x18100] =	vst v63  }
0x8c: {  	s30 =	sadd.s32 $0x8D00, s22  }
0x8d: {  	[tilespmem:s30], [sflag:$0x5] =	stream.indirect_vreg.gather [hbm4b:s8+s1], $0x80, v3, vm1, $0x2000b8;
	[tilespmem:$0x18100] =	vst v63  }
0x8e: {  	v3 =	vld [tilespmem:s23+$0x60];
	_ =	sdelay $0x4  }
0x8f: {  	v62 =	vshrl.u32 v3, $0x3  }
0x90: {  	v4 =	vmul.u32 $0x18, v62  }
0x91: {  	v3 =	vand.u32 $0x7, v3  }
0x92: {  	v3 =	vor.u32 v3, v4  }
0x93: {  	v4 =	vperm.xlane v3, v0;
	_ =	sdelay $0x1  }
0x94: {  	v4 =	vadd.s32 v1, v4;
	_ =	sdelay $0x1  }
0x95: {  	v3 =	vperm.xlane v3, v2;
	_ =	sdelay $0x1  }
0x96: {  	s31 =	sadd.s32 $0x9100, s22;
	v3 =	vadd.s32 v1, v3  }
0x97: {  	[tilespmem:s31], [sflag:$0x5] =	stream.indirect_vreg.gather [hbm4b:s3+s1], $0x80, v4, vm0, $0x2000b8;
	[tilespmem:$0x18100] =	vst v63  }
0x98: {  	s25 =	sadd.s32 $0x9900, s22  }
0x99: {  	[tilespmem:s25], [sflag:$0x5] =	stream.indirect_vreg.gather [hbm4b:s8+s1], $0x80, v4, vm1, $0x2000b8;
	[tilespmem:$0x18100] =	vst v63  }
0x9a: {  	s26 =	sadd.s32 $0x9D00, s22  }
0x9b: {  	[tilespmem:s26], [sflag:$0x5] =	stream.indirect_vreg.gather [hbm4b:s3+s1], $0x80, v3, vm0, $0x2000b8;
	[tilespmem:$0x18100] =	vst v63  }
0x9c: {  	s28 =	sadd.s32 $0xA500, s22  }
0x9d: {  	[tilespmem:s28], [sflag:$0x5] =	stream.indirect_vreg.gather [hbm4b:s8+s1], $0x80, v3, vm1, $0x2000b8;
	[tilespmem:$0x18100] =	vst v63  }
0x9e: {  	v3 =	vld [tilespmem:s23+$0x70];
	_ =	sdelay $0x4  }
0x9f: {  	v63 =	vshrl.u32 v3, $0x3  }
0xa0: {  	v4 =	vmul.u32 $0x18, v63  }
0xa1: {  	v3 =	vand.u32 $0x7, v3  }
0xa2: {  	v3 =	vor.u32 v3, v4  }
0xa3: {  	v4 =	vperm.xlane v3, v0;
	_ =	sdelay $0x1  }
0xa4: {  	v4 =	vadd.s32 v1, v4;
	_ =	sdelay $0x1  }
0xa5: {  	v3 =	vperm.xlane v3, v2;
	_ =	sdelay $0x1  }
0xa6: {  	s29 =	sadd.s32 $0xA900, s22;
	v3 =	vadd.s32 v1, v3  }
0xa7: {  	[tilespmem:s29], [sflag:$0x5] =	stream.indirect_vreg.gather [hbm4b:s3+s1], $0x80, v4, vm0, $0x2000b8;
	[tilespmem:$0x18100] =	vst v63  }
0xa8: {  	s30 =	sadd.s32 $0xB100, s22  }
0xa9: {  	[tilespmem:s30], [sflag:$0x5] =	stream.indirect_vreg.gather [hbm4b:s8+s1], $0x80, v4, vm1, $0x2000b8;
	[tilespmem:$0x18100] =	vst v63  }
0xaa: {  	p2 =	por !p2, !p2;
	p3 =	seq.s32 s19, s14;
	s31 =	sadd.s32 $0xB500, s22  }
0xab: {  	[tilespmem:s31], [sflag:$0x5] =	stream.indirect_vreg.gather [hbm4b:s3+s1], $0x80, v3, vm0, $0x2000b8;
	[tilespmem:$0x18100] =	vst v63  }
0xac: {  	p2 =	por !p2, !p3;
	s22 =	sadd.s32 $0xBD00, s22  }
0xad: {  	[tilespmem:s22], [sflag:$0x5] =	stream.indirect_vreg.gather [hbm4b:s8+s1], $0x80, v3, vm1, $0x2000b8;
	[tilespmem:$0x18100] =	vst v63  }
0xae: {  	s19 =	sadd.s32 s6, s19;
	p2 =	por !p2, !p2;
	_ =	swait.ge [sflag:s10], $0xC000  }
0xaf: {  	s19 =	smul.u32 @!p2 $0x1800, s19;
	p0 =	por p2, p0;
	[sflag:s10] =	ssyncset.done $0x0  }
.Ltmp2:
0xb0: {  	[sflag:s10] =	ssyncadd.s32 $0xFFFF4000;
	(pc) =	sbr.rel @!p0 .LBB2_4-.Ltmp2, $4  }
0xb1: {  	s19 =	sadd.s32 @!p2 s5, s19;
	_ =	strace $0x90000054  }
0xb2: {  	s20 =	sadd.s32 @!p2 $0x3, s20;
	s22 =	simm.s32 @!p2 $0x0;
	_ =	strace @!p2 $0x80000055  }
0xb3: {  	[hbm4b:s19+s22] =	stream.linear.scatter @!p2 [tilespmem:s21], [sflag:s20], $0xC000, $0x200038;
	[tilespmem:$0x18100] =	vst v63  }
0xb4: {  	_ =	strace @!p2 $0x90000055  }
.Ltmp3:
0xb5: {  	s19 =	simm.s32 $0x1;
	(pc) =	sbr.rel .LBB2_2-.Ltmp3, $4  }
0xb6: {  	s20 =	simm.s32 @!p2 $0x1;
	s13 =	sadd.s32 s17, s13;
	s19 =	simm.s32 @!p1 $0x0  }
0xb7: {  	s17 =	simm.s32 $0x1;
	s16 =	sadd.s32 s19, s16;
	s19 =	sadd.s32 @!p2 $0x1, s18  }
0xb8: {  	p0 =	por $0x0, $0x0;
	s20 =	simm.s32 @p2 $0x0;
	s19 =	smov.u32 @p2 s18  }
0xb9: {  	s15 =	sadd.s32 s15, s20;
	p2 =	por $0x1, $0x1;
	s18 =	smov.u32 s19  }
.LBB2_5:
0xba: {  	_ =	sfence.sel $0x180000  }
0xbb: {  	[bflag:$0x0] =	sbarrier.arrive $0xFFFF  }
0xbc: {  	p0 =	sne.s32 s2, $0x0;
	_ =	strace $0x90000050  }
0xbd: {  	s0 =	sadd.s32 @!p0 $0x100000, s0;
	[bflag:$0x2] =	sbarrier.arrive $0xFFFF  }
0xbe: {  	[sflag:s0] =	ssyncadd.tile.s32 @!p0 $0x1;
	_ =	shalt  }
.Lfunc_end2:
_tile_overlayer_lowered:
.L_overlay_start_2:
0xbf: {  	(tag) =	ssettag $0x2  }
0xc0: {  	s0 =	rddreg [dreg:$0x0];
	s2 =	stileid.u32  }
0xc1: {  	s1 =	rddreg [dreg:$0x1];
	p0 =	sne.s32 s2, $0x0  }
0xc2: {  	s3 =	rddreg [dreg:$0x2];
	[bflag:$0x3] =	sbarrier.arrive $0xFFFF;
	s2 =	simm.s32 @!p0 $0x1C01  }
0xc3: {  	[timem:s3], [sflag:s2] =	dma.local @!p0 [hbm:s0], s1  }
0xc4: {  	s0 =	simm.s32 @!p0 $0x1  }
0xc5: {  	_ =	swait.ge @!p0 [sflag:s0], s1  }
0xc6: {  	s1 =	ssub.s32 @!p0 $0x0, s1;
	[sflag:s0] =	ssyncset.done @!p0 $0x0  }
0xc7: {  	[sflag:s0] =	ssyncadd.s32 @!p0 s1  }
0xc8: {  	[bflag:$0x3] =	sbarrier.arrive $0xFFFF  }
0xc9: {  	_ =	shalt  }

// kernel: kernel.7.cloned.1.call-start
scs
__scs_entry_jumppad:
0x0: {  	(pc) =	sbr.rel $0x88, $3  }
0x1: {  	(tag) =	ssettag $0x0;
	lr =	simm.s32 $0x1  }
0x2: {  	[smem:$0x3F9D] =	sst lr;
	_ =	strace $0xD0000000  }
0x3: {  	_ = 	snop  }
0x4: {  	_ = 	snop  }
0x5: {  	_ = 	snop  }
0x6: {  	_ = 	snop  }
0x7: {  	_ = 	snop  }
__scs_overlays_trampoline_lowered:
0x8: {  	[smem:$0x3FAC] =	sst s0  }
0x9: {  	[smem:$0x3FAD] =	sst s1  }
0xa: {  	[smem:$0x3FAE] =	sst s2  }
0xb: {  	[smem:$0x3FAF] =	sst s3  }
0xc: {  	[smem:$0x3FB0] =	sst s4  }
0xd: {  	[smem:$0x3FB1] =	sst s5  }
0xe: {  	[smem:$0x3FB2] =	sst s6  }
0xf: {  	[smem:$0x3FB3] =	sst s7  }
0x10: {  	[smem:$0x3FB4] =	sst s8  }
0x11: {  	[smem:$0x3FB5] =	sst s9;
	s0 =	simm.s32 @!p0 $0x0  }
0x12: {  	s1 =	sld [smem:$0x3F9B];
	s0 =	simm.s32 @p0 $0x1  }
0x13: {  	[smem:$0x3FB6] =	sst s0;
	s0 =	simm.s32 @!p1 $0x0  }
0x14: {  	s2 =	sld [smem:$0x3F9A];
	s0 =	simm.s32 @p1 $0x1  }
0x15: {  	[smem:$0x3FB7] =	sst s0;
	s0 =	simm.s32 @!p2 $0x0  }
0x16: {  	s3 =	sld [smem:$0x3FDB];
	s0 =	simm.s32 @p2 $0x1  }
0x17: {  	s4 =	simm.s32 $0x1BF5;
	[smem:$0x3FB9] =	sst s0  }
0x18: {  	s0 =	sld [smem:$0x3F9C];
	_ =	swait.ge [sflag:s4], $0x0  }
0x19: {  	s7 =	sld [smem:$0x3F9D]  }
0x1a: {  	s8 =	sadd.s32 $0xFFFFE003, lr  }
0x1b: {  	s9 =	sadd.s32 $0xFFFFFEF7, lr;
	s5 =	simm.s32 $0xFFFFFFFF;
	p2 =	slt.u32 s8, $0xFFFFF086  }
0x1c: {  	p1 =	slt.u32 s9, $0xF7A;
	s5 =	simm.s32 @!p2 $0x0  }
0x1d: {  	s5 =	simm.s32 @p1 $0x1;
	p0 =	seq.s32 s7, s2  }
0x1e: {  	s7 =	smul.u32 @!p0 $0xF7A, s2;
	p2 =	seq.s32 @!p0 s5, $0x0  }
0x1f: {  	s9 =	smul.u32 $0xF7A, s1;
	s8 =	simm.s32 @!p0 $0x1BF5;
	p2 =	por !p2, p0  }
0x20: {  	[sflag:s8] =	ssyncset.s32 @!p0 $0xFFFFF086;
	s6 =	sadd.s32 @!p0 s3, s7;
	s7 =	simm.s32 @!p0 $0x108  }
0x21: {  	s3 =	sadd.s32 s3, s9;
	s6 =	sadd.s32 @!p0 $0x88, s6;
	s7 =	simm.s32 @p2 $0x1082  }
0x22: {  	[simem:s7], [sflag:s8] =	dma.local @!p0 [hbm:s6], $0xF7A  }
0x23: {  	s9 =	sor.u32 $0xD0000000, s2;
	s6 =	simm.s32 $0x108;
	_ =	swait.ge @!p0 [sflag:s8], $0x0  }
0x24: {  	s3 =	sadd.s32 $0x88, s3;
	s6 =	simm.s32 @!p1 $0x1082;
	[sflag:s4] =	ssyncset.s32 $0xFFFFF086  }
0x25: {  	[simem:s6], [sflag:s4] =	dma.local [hbm:s3], $0xF7A  }
0x26: {  	[smem:$0x3F9D] =	sst s1;
	(tag) =	ssettag s2;
	_ =	strace s9  }
0x27: {  	s1 =	sld [smem:$0x3FAD]  }
0x28: {  	s2 =	sld [smem:$0x3FAE]  }
0x29: {  	s4 =	sld [smem:$0x3FB0]  }
0x2a: {  	p0 =	seq.s32 s5, $0x0;
	s5 =	sld [smem:$0x3FB1]  }
0x2b: {  	s6 =	sld [smem:$0x3FB2]  }
0x2c: {  	s7 =	sld [smem:$0x3FB3]  }
0x2d: {  	s3 =	simm.s32 $0x108;
	s8 =	sld [smem:$0x3FB4]  }
0x2e: {  	s3 =	simm.s32 @!p0 $0x1082;
	s9 =	sld [smem:$0x3FB5]  }
0x2f: {  	lr =	sadd.s32 s0, s3;
	s0 =	sld [smem:$0x3FAC]  }
0x30: {  	s3 =	sld [smem:$0x3FAF]  }
0x31: {  	[smem:$0x3FB8] =	sst s10  }
0x32: {  	s10 =	sld [smem:$0x3FB6];
	_ =	sdelay $0x3  }
0x33: {  	p0 =	seq.s32 s10, $0x1;
	s10 =	sld [smem:$0x3FB8];
	_ =	sdelay $0x3  }
0x34: {  	[smem:$0x3FB8] =	sst s10  }
0x35: {  	s10 =	sld [smem:$0x3FB7];
	_ =	sdelay $0x3  }
0x36: {  	p1 =	seq.s32 s10, $0x1;
	s10 =	sld [smem:$0x3FB8];
	_ =	sdelay $0x3  }
0x37: {  	[smem:$0x3FB8] =	sst s10  }
0x38: {  	s10 =	sld [smem:$0x3FB9]  }
0x39: {  	_ = 	snop;
	(pc) =	sbr.ind lr, $3  }
0x3a: {  	_ = 	snop  }
0x3b: {  	_ = 	snop  }
0x3c: {  	p2 =	seq.s32 s10, $0x1;
	s10 =	sld [smem:$0x3FB8]  }
0x3d: {  	_ =	shalt  }
0x3e: {  	_ =	shalt  }
0x3f: {  	_ =	shalt  }
0x40: {  	_ =	shalt  }
0x41: {  	_ =	shalt  }
0x42: {  	_ =	shalt  }
0x43: {  	_ =	shalt  }
0x44: {  	_ =	shalt  }
0x45: {  	_ =	shalt  }
0x46: {  	_ =	shalt  }
0x47: {  	_ =	shalt  }
0x48: {  	_ =	shalt  }
0x49: {  	_ =	shalt  }
0x4a: {  	_ =	shalt  }
0x4b: {  	_ =	shalt  }
0x4c: {  	_ =	shalt  }
0x4d: {  	_ =	shalt  }
0x4e: {  	_ =	shalt  }
0x4f: {  	_ =	shalt  }
0x50: {  	_ =	shalt  }
0x51: {  	_ =	shalt  }
0x52: {  	_ =	shalt  }
0x53: {  	_ =	shalt  }
0x54: {  	_ =	shalt  }
0x55: {  	_ =	shalt  }
0x56: {  	_ =	shalt  }
0x57: {  	_ =	shalt  }
0x58: {  	_ =	shalt  }
0x59: {  	_ =	shalt  }
0x5a: {  	_ =	shalt  }
0x5b: {  	_ =	shalt  }
0x5c: {  	_ =	shalt  }
0x5d: {  	_ =	shalt  }
0x5e: {  	_ =	shalt  }
0x5f: {  	_ =	shalt  }
0x60: {  	_ =	shalt  }
0x61: {  	_ =	shalt  }
0x62: {  	_ =	shalt  }
0x63: {  	_ =	shalt  }
0x64: {  	_ =	shalt  }
0x65: {  	_ =	shalt  }
0x66: {  	_ =	shalt  }
0x67: {  	_ =	shalt  }
0x68: {  	_ =	shalt  }
0x69: {  	_ =	shalt  }
0x6a: {  	_ =	shalt  }
0x6b: {  	_ =	shalt  }
0x6c: {  	_ =	shalt  }
0x6d: {  	_ =	shalt  }
0x6e: {  	_ =	shalt  }
0x6f: {  	_ =	shalt  }
0x70: {  	_ =	shalt  }
0x71: {  	_ =	shalt  }
0x72: {  	_ =	shalt  }
0x73: {  	_ =	shalt  }
0x74: {  	_ =	shalt  }
0x75: {  	_ =	shalt  }
0x76: {  	_ =	shalt  }
0x77: {  	_ =	shalt  }
0x78: {  	_ =	shalt  }
0x79: {  	_ =	shalt  }
0x7a: {  	_ =	shalt  }
0x7b: {  	_ =	shalt  }
0x7c: {  	_ =	shalt  }
0x7d: {  	_ =	shalt  }
0x7e: {  	_ =	shalt  }
0x7f: {  	_ =	shalt  }
0x80: {  	_ =	shalt  }
0x81: {  	_ =	shalt  }
0x82: {  	_ =	shalt  }
0x83: {  	_ =	shalt  }
0x84: {  	_ =	shalt  }
0x85: {  	_ =	shalt  }
0x86: {  	_ =	shalt  }
0x87: {  	_ =	shalt  }
.Lfunc_end0:
.L_simem_size_0:
called_computation_lowered:
.L_overlay_start_0:
0x88: {  	s2 =	sld [smem:$0x3FD9]  }
0x89: {  	s3 =	sld [smem:$0x3FFE];
	_ =	sdelay $0x1  }
0x8a: {  	s1 =	srdreg.scid  }
0x8b: {  	s0 =	sand.u32 $0x1, s1  }
0x8c: {  	s14 =	sshll.u32 s0, $0xA;
	s2 =	sadd.s32 s3, s2  }
0x8d: {  	s2 =	sadd.s32 s2, s14  }
0x8e: {  	[smem:$0x3FC4] =	sst s2  }
0x8f: {  	_ = 	snop  }
0x90: {  	s2 =	sld [smem:$0x3FD0];
	_ =	sdelay $0x2  }
0x91: {  	s15 =	simm.s32 $0xA;
	s4 =	simm.s32 $0x10  }
0x92: {  	[smem:s4], [sflag:s15] =	dma.local [hbm:s2], $0x1  }
0x93: {  	_ =	swait.eq [sflag:s15], $0x1  }
0x94: {  	[sflag:s15] =	ssyncset.done $0x0  }
0x95: {  	[sflag:s15] =	ssyncadd.s32 $0xFFFFFFFF  }
0x96: {  	s16 =	sld [smem:$0x10];
	(tm) =	ssettm $0x1  }
0x97: {  	s17 =	sld [smem:$0x3FFB];
	_ =	sdelay $0x3  }
0x98: {  	_ =	strace s17  }
0x99: {  	s3 =	sld [smem:$0x3FFC];
	_ =	sdelay $0x3  }
0x9a: {  	_ =	strace s3  }
0x9b: {  	s3 =	sld [smem:$0x3FFD];
	_ =	sdelay $0x3  }
0x9c: {  	_ =	strace s3  }
0x9d: {  	_ =	strace $0x8FFFFFFF  }
0x9e: {  	s18 =	sld [smem:$0x3FDB];
	_ =	sdelay $0x1  }
0x9f: {  	s19 =	simm.s32 $_scs_section_size  }
0xa0: {  	s5 =	simm.s32 $_size__tile_overlayer_lowered;
	s6 =	simm.s32 $_tile_overlayer_lowered  }
0xa1: {  	s22 =	simm.s32 $0x1BFF;
	s21 =	sshll.u32 s6, $0x1;
	s3 =	sadd.s32 s19, s18  }
0xa2: {  	s7 =	simm.s32 $0x0;
	s20 =	sshll.u32 s5, $0x1;
	s5 =	sadd.s32 s21, s3  }
0xa3: {  	[timem:s7], [sflag:s22] =	dma.local [hbm:s5], s20  }
0xa4: {  	_ =	swait.ge [sflag:s22], s20  }
0xa5: {  	s4 =	ssub.s32 $0x0, s20;
	[sflag:s22] =	ssyncset.done $0x0  }
0xa6: {  	[sflag:s22] =	ssyncadd.s32 s4;
	_ =	sdelay $0x1  }
0xa7: {  	s23 =	simm.s32 $0x1B8B  }
0xa8: {  	_ =	swait.ge [sflag:s23], $0x1  }
0xa9: {  	[sflag:s23] =	ssyncset.done $0x0  }
0xaa: {  	s25 =	simm.s32 $0x1B8E;
	s24 =	sld [smem:$0x3FFE];
	[sflag:s23] =	ssyncadd.s32 $0xFFFFFFFF  }
0xab: {  	s26 =	simm.s32 $execute0_lowered;
	[smem:$0x3FD2] =	sst s25  }
0xac: {  	s5 =	sshll.u32 s26, $0x1;
	_ =	strace $0x80000046;
	[dreg:$0x1] =	wrdreg $0xFFFFFFFF  }
0xad: {  	s28 =	simm.s32 $_size_execute0_lowered;
	s3 =	sadd.s32 s3, s5;
	[dreg:$0x0] =	wrdreg $0x0  }
0xae: {  	s5 =	sshll.u32 s28, $0x1;
	[dreg:$0x2] =	wrdreg s3  }
0xaf: {  	[dreg:$0x3] =	wrdreg s5  }
0xb0: {  	[dreg:$0x4] =	wrdreg $0xC0  }
0xb1: {  	_ =	task [dreg:s7], $0x5FFFF  }
0xb2: {  	[dreg:$0x1] =	wrdreg $0xFFFFFFFF  }
0xb3: {  	[dreg:$0x0] =	wrdreg $0x60  }
0xb4: {  	[dreg:$0x2] =	wrdreg s16  }
0xb5: {  	[dreg:$0x3] =	wrdreg s24  }
0xb6: {  	[dreg:$0x4] =	wrdreg $0x9  }
0xb7: {  	_ =	task.clear_ibuf [dreg:s7], $0x5FFFF;
	_ =	strace $0x90000046  }
0xb8: {  	s29 =	simm.s32 $0x9;
	_ =	strace $0x8000004E  }
0xb9: {  	_ =	swait.ge [sflag:s29], $0x1  }
0xba: {  	[sflag:s29] =	ssyncadd.s32 $0xFFFFFFFF  }
0xbb: {  	_ =	strace $0x9000004E  }
0xbc: {  	_ =	sfence  }
0xbd: {  	s30 =	sld [smem:$0x0];
	_ =	sdelay $0x2  }
0xbe: {  	s31 =	sshll.u32 s1, $0xD;
	s1 =	sshrl.u32 s1, $0x2  }
0xbf: {  	s3 =	sand.u32 $0x4000, s31;
	s1 =	sadd.s32 s1, s30  }
0xc0: {  	s0 =	sor.u32 s3, s0;
	s1 =	sshll.u32 s1, $0x11  }
0xc1: {  	s0 =	sor.u32 s1, s0  }
0xc2: {  	s0 =	sadd.s32 $0x8F2B, s0  }
0xc3: {  	[sflag:s0] =	ssyncadd.remote.s32 $0x1  }
0xc4: {  	_ =	sfence.sel $0xFFFF  }
0xc5: {  	[dreg:$0x0] =	wrdreg $0xFFFFFFFF;
	(pc) =	sbr.abs _section_cstart, $3  }
0xc6: {  	[dreg:$0x1] =	wrdreg $0xFFFFFFFF  }
0xc7: {  	_ =	task.clear_ibuf [dreg:s7], $0x2FFFF;
	_ =	strace $0x9FFFFFFF  }
0xc8: {  	(tm) =	ssettm $0x7FFFFFFF  }
0xc9: {  	_ =	shalt  }
tec
execute0_lowered:
.L_overlay_start_1:
0x0: {  	(tag) =	ssettag $0x1  }
0x1: {  	s1 =	rddreg [dreg:$0x0]  }
0x2: {  	s9 =	rddreg [dreg:$0x1]  }
0x3: {  	s0 =	rddreg [dreg:$0x2]  }
0x4: {  	s2 =	simm.s32 $0x0;
	s3 =	srdreg.scid;
	s12 =	simm.s32 $0x5  }
0x5: {  	s13 =	simm.s32 $0x0;
	[smem:$0x7FF] =	sst s2;
	s5 =	sand.u32 $0x1, s3  }
0x6: {  	s4 =	sadd.s32 $0xC00, s9;
	s3 =	stileid.u32;
	_ =	strace $0x80000047  }
.Ltmp0:
0x7: {  	s6 =	ssub.s32 $0x2, s5;
	s8 =	sshll.u32 s5, $0x4;
	(pc) =	sbr.rel .LBB2_1-.Ltmp0, $4  }
0x8: {  	s10 =	smul.u32 $0x3000, s3;
	s5 =	sadd.s32 $0x1000, s9;
	s7 =	sshrl.u32 s6, $0x1  }
0x9: {  	v2 =	vlaneseq.u32;
	s9 =	sadd.s32 $0x1100, s9;
	s8 =	sor.u32 s3, s8;
	s11 =	ssub.s32 s6, s7  }
0xa: {  	vm0 =	vmmov $0xffff;
	vm1 =	vmmov $0xff;
	v1 =	vshrl.u32 v2, $0x3;
	s6 =	sshll.u32 s8, $0x1;
	s7 =	sadd.s32 s1, s10;
	s8 =	sshll.u32 s8, $0x5  }
0xb: {  	v0 =	vand.u32 $0x7, v2;
	v2 =	vor.u32 $0x8, v2;
	v1 =	vmul.u32 $0x8, v1;
	s8 =	sadd.s32 s4, s8;
	s10 =	smax.u32 s11, $0x1;
	s11 =	simm.s32 $0x18000  }
.LBB2_7:
0xc: {  	s13 =	sadd.s32 $0x1, s13  }
0xd: {  	p0 =	sne.s32 s13, s10  }
.Ltmp1:
0xe: {  	_ = 	snop;
	(pc) =	sbr.rel @!p0 .LBB2_8-.Ltmp1, $1  }
0xf: {  	_ =	sdelay $0x3  }
.LBB2_1:
0x10: {  	_ =	strace $0x80000048  }
.Ltmp2:
0x11: {  	p0 =	por $0x0, $0x0;
	p2 =	por $0x1, $0x1;
	(pc) =	sbr.rel .LBB2_2-.Ltmp2, $4  }
0x12: {  	[tilespmem:s2], [sflag:$0x1] =	stream.linear.gather [hbm4b:s7+s2], $0xC000, $0x200038;
	[tilespmem:$0x18100] =	vst v63  }
0x13: {  	s19 =	simm.s32 $0x0;
	s14 =	simm.s32 $0x0;
	s15 =	simm.s32 $0x1  }
0x14: {  	[tilespmem:s11], [sflag:$0x3] =	stream.linear.gather [hbm4b:s8+s2], $0x80, $0x200038;
	[tilespmem:$0x18100] =	vst v63  }
0x15: {  	s16 =	simm.s32 $0x0;
	s17 =	simm.s32 $0x1;
	_ =	strace $0x90000048  }
.LBB2_3:
0x16: {  	s21 =	sand.u32 $0x1, s15;
	s20 =	sshll.u32 s20, $0x4  }
0x17: {  	_ =	strace $0x8000004A;
	s22 =	sshll.u32 s21, $0x7;
	s20 =	sand.u32 $0x1FFFFFF0, s20  }
0x18: {  	s21 =	sadd.s32 $0x3, s21;
	s22 =	sor.u32 $0x18000, s22;
	s20 =	sadd.s32 s4, s20  }
0x19: {  	[tilespmem:s22], [sflag:s21] =	stream.linear.gather [hbm4b:s20+s2], $0x80, $0x200038;
	[tilespmem:$0x18100] =	vst v63  }
0x1a: {  	s15 =	sadd.s32 $0x1, s15;
	_ =	strace $0x9000004A  }
.LBB2_5:
0x1b: {  	s20 =	sand.u32 $0x1, s16  }
0x1c: {  	_ =	strace $0x8000004B;
	s20 =	sadd.s32 $0x1, s20  }
0x1d: {  	_ =	swait.ge [sflag:s20], $0xC000  }
0x1e: {  	[sflag:s20] =	ssyncset.done $0x0  }
0x1f: {  	[sflag:s20] =	ssyncadd.s32 $0xFFFF4000  }
0x20: {  	_ =	strace $0x9000004B  }
.LBB2_6:
0x21: {  	s20 =	sand.u32 $0x1, s14  }
0x22: {  	_ =	strace $0x8000004C;
	s20 =	sadd.s32 $0x3, s20  }
0x23: {  	_ =	swait.ge [sflag:s20], $0x80  }
0x24: {  	[sflag:s20] =	ssyncset.done $0x0  }
0x25: {  	[sflag:s20] =	ssyncadd.s32 $0xFFFFFF80  }
0x26: {  	s24 =	sshll.u32 s14, $0x7;
	_ =	strace $0x9000004C  }
0x27: {  	s21 =	sand.u32 $0x80, s24;
	_ =	strace $0x8000004D  }
0x28: {  	v3 =	vld [tilespmem:s21+$0x18000];
	_ =	sdelay $0x4  }
0x29: {  	v4 =	vshrl.u32 v3, $0x3  }
0x2a: {  	v4 =	vmul.u32 $0x18, v4  }
0x2b: {  	v3 =	vand.u32 $0x7, v3  }
0x2c: {  	v3 =	vor.u32 v3, v4  }
0x2d: {  	v4 =	vperm.xlane v3, v0;
	_ =	sdelay $0x1  }
0x2e: {  	v4 =	vadd.s32 v1, v4;
	_ =	sdelay $0x1  }
0x2f: {  	s25 =	sand.u32 $0x1, s16;
	v3 =	vperm.xlane v3, v2  }
0x30: {  	p4 =	seq.s32 s25, $0x1;
	s20 =	simm.s32 $0xC000  }
0x31: {  	s20 =	simm.s32 @!p4 $0x0;
	v3 =	vadd.s32 v1, v3  }
0x32: {  	[hbm4b:s5+s2] =	stream.indirect_vreg.scatter [tilespmem:s20], [sflag:$0x5], $0x80, v4, vm0, $0x2000b8;
	[tilespmem:$0x18100] =	vst v63  }
0x33: {  	s22 =	sor.u32 $0x800, s20  }
0x34: {  	[hbm4b:s9+s2] =	stream.indirect_vreg.scatter [tilespmem:s22], [sflag:$0x5], $0x80, v4, vm1, $0x2000b8;
	[tilespmem:$0x18100] =	vst v63  }
0x35: {  	s26 =	sor.u32 $0xC00, s20  }
0x36: {  	[hbm4b:s5+s2] =	stream.indirect_vreg.scatter [tilespmem:s26], [sflag:$0x5], $0x80, v3, vm0, $0x2000b8;
	[tilespmem:$0x18100] =	vst v63  }
0x37: {  	s28 =	sor.u32 $0x1400, s20  }
0x38: {  	[hbm4b:s9+s2] =	stream.indirect_vreg.scatter [tilespmem:s28], [sflag:$0x5], $0x80, v3, vm1, $0x2000b8;
	[tilespmem:$0x18100] =	vst v63  }
0x39: {  	v3 =	vld [tilespmem:s21+$0x18010];
	_ =	sdelay $0x4  }
0x3a: {  	v57 =	vshrl.u32 v3, $0x3  }
0x3b: {  	v4 =	vmul.u32 $0x18, v57  }
0x3c: {  	v3 =	vand.u32 $0x7, v3  }
0x3d: {  	v3 =	vor.u32 v3, v4  }
0x3e: {  	v4 =	vperm.xlane v3, v0;
	_ =	sdelay $0x1  }
0x3f: {  	v4 =	vadd.s32 v1, v4;
	_ =	sdelay $0x1  }
0x40: {  	v3 =	vperm.xlane v3, v2;
	_ =	sdelay $0x1  }
0x41: {  	s29 =	sor.u32 $0x1800, s20;
	v3 =	vadd.s32 v1, v3  }
0x42: {  	[hbm4b:s5+s2] =	stream.indirect_vreg.scatter [tilespmem:s29], [sflag:$0x5], $0x80, v4, vm0, $0x2000b8;
	[tilespmem:$0x18100] =	vst v63  }
0x43: {  	s30 =	sor.u32 $0x2000, s20  }
0x44: {  	[hbm4b:s9+s2] =	stream.indirect_vreg.scatter [tilespmem:s30], [sflag:$0x5], $0x80, v4, vm1, $0x2000b8;
	[tilespmem:$0x18100] =	vst v63  }
0x45: {  	s31 =	sor.u32 $0x2400, s20  }
0x46: {  	[hbm4b:s5+s2] =	stream.indirect_vreg.scatter [tilespmem:s31], [sflag:$0x5], $0x80, v3, vm0, $0x2000b8;
	[tilespmem:$0x18100] =	vst v63  }
0x47: {  	s23 =	sor.u32 $0x2C00, s20  }
0x48: {  	[hbm4b:s9+s2] =	stream.indirect_vreg.scatter [tilespmem:s23], [sflag:$0x5], $0x80, v3, vm1, $0x2000b8;
	[tilespmem:$0x18100] =	vst v63  }
0x49: {  	v3 =	vld [tilespmem:s21+$0x18020];
	_ =	sdelay $0x4  }
0x4a: {  	v58 =	vshrl.u32 v3, $0x3  }
0x4b: {  	v4 =	vmul.u32 $0x18, v58  }
0x4c: {  	v3 =	vand.u32 $0x7, v3  }
0x4d: {  	v3 =	vor.u32 v3, v4  }
0x4e: {  	v4 =	vperm.xlane v3, v0;
	_ =	sdelay $0x1  }
0x4f: {  	v4 =	vadd.s32 v1, v4;
	_ =	sdelay $0x1  }
0x50: {  	v3 =	vperm.xlane v3, v2;
	_ =	sdelay $0x1  }
0x51: {  	s24 =	sor.u32 $0x3000, s20;
	v3 =	vadd.s32 v1, v3  }
0x52: {  	[hbm4b:s5+s2] =	stream.indirect_vreg.scatter [tilespmem:s24], [sflag:$0x5], $0x80, v4, vm0, $0x2000b8;
	[tilespmem:$0x18100] =	vst v63  }
0x53: {  	s25 =	sor.u32 $0x3800, s20  }
0x54: {  	[hbm4b:s9+s2] =	stream.indirect_vreg.scatter [tilespmem:s25], [sflag:$0x5], $0x80, v4, vm1, $0x2000b8;
	[tilespmem:$0x18100] =	vst v63  }
0x55: {  	s26 =	sor.u32 $0x3C00, s20  }
0x56: {  	[hbm4b:s5+s2] =	stream.indirect_vreg.scatter [tilespmem:s26], [sflag:$0x5], $0x80, v3, vm0, $0x2000b8;
	[tilespmem:$0x18100] =	vst v63  }
0x57: {  	s28 =	sadd.s32 $0x4400, s20  }
0x58: {  	[hbm4b:s9+s2] =	stream.indirect_vreg.scatter [tilespmem:s28], [sflag:$0x5], $0x80, v3, vm1, $0x2000b8;
	[tilespmem:$0x18100] =	vst v63  }
0x59: {  	v3 =	vld [tilespmem:s21+$0x18030];
	_ =	sdelay $0x4  }
0x5a: {  	v59 =	vshrl.u32 v3, $0x3  }
0x5b: {  	v4 =	vmul.u32 $0x18, v59  }
0x5c: {  	v3 =	vand.u32 $0x7, v3  }
0x5d: {  	v3 =	vor.u32 v3, v4  }
0x5e: {  	v4 =	vperm.xlane v3, v0;
	_ =	sdelay $0x1  }
0x5f: {  	v4 =	vadd.s32 v1, v4;
	_ =	sdelay $0x1  }
0x60: {  	v3 =	vperm.xlane v3, v2;
	_ =	sdelay $0x1  }
0x61: {  	s29 =	sadd.s32 $0x4800, s20;
	v3 =	vadd.s32 v1, v3  }
0x62: {  	[hbm4b:s5+s2] =	stream.indirect_vreg.scatter [tilespmem:s29], [sflag:$0x5], $0x80, v4, vm0, $0x2000b8;
	[tilespmem:$0x18100] =	vst v63  }
0x63: {  	s30 =	sadd.s32 $0x5000, s20  }
0x64: {  	[hbm4b:s9+s2] =	stream.indirect_vreg.scatter [tilespmem:s30], [sflag:$0x5], $0x80, v4, vm1, $0x2000b8;
	[tilespmem:$0x18100] =	vst v63  }
0x65: {  	s31 =	sadd.s32 $0x5400, s20  }
0x66: {  	[hbm4b:s5+s2] =	stream.indirect_vreg.scatter [tilespmem:s31], [sflag:$0x5], $0x80, v3, vm0, $0x2000b8;
	[tilespmem:$0x18100] =	vst v63  }
0x67: {  	s23 =	sadd.s32 $0x5C00, s20  }
0x68: {  	[hbm4b:s9+s2] =	stream.indirect_vreg.scatter [tilespmem:s23], [sflag:$0x5], $0x80, v3, vm1, $0x2000b8;
	[tilespmem:$0x18100] =	vst v63  }
0x69: {  	v3 =	vld [tilespmem:s21+$0x18040];
	_ =	sdelay $0x4  }
0x6a: {  	v60 =	vshrl.u32 v3, $0x3  }
0x6b: {  	v4 =	vmul.u32 $0x18, v60  }
0x6c: {  	v3 =	vand.u32 $0x7, v3  }
0x6d: {  	v3 =	vor.u32 v3, v4  }
0x6e: {  	v4 =	vperm.xlane v3, v0;
	_ =	sdelay $0x1  }
0x6f: {  	v4 =	vadd.s32 v1, v4;
	_ =	sdelay $0x1  }
0x70: {  	v3 =	vperm.xlane v3, v2;
	_ =	sdelay $0x1  }
0x71: {  	s24 =	sadd.s32 $0x6000, s20;
	v3 =	vadd.s32 v1, v3  }
0x72: {  	[hbm4b:s5+s2] =	stream.indirect_vreg.scatter [tilespmem:s24], [sflag:$0x5], $0x80, v4, vm0, $0x2000b8;
	[tilespmem:$0x18100] =	vst v63  }
0x73: {  	s25 =	sadd.s32 $0x6800, s20  }
0x74: {  	[hbm4b:s9+s2] =	stream.indirect_vreg.scatter [tilespmem:s25], [sflag:$0x5], $0x80, v4, vm1, $0x2000b8;
	[tilespmem:$0x18100] =	vst v63  }
0x75: {  	s26 =	sadd.s32 $0x6C00, s20  }
0x76: {  	[hbm4b:s5+s2] =	stream.indirect_vreg.scatter [tilespmem:s26], [sflag:$0x5], $0x80, v3, vm0, $0x2000b8;
	[tilespmem:$0x18100] =	vst v63  }
0x77: {  	s28 =	sadd.s32 $0x7400, s20  }
0x78: {  	[hbm4b:s9+s2] =	stream.indirect_vreg.scatter [tilespmem:s28], [sflag:$0x5], $0x80, v3, vm1, $0x2000b8;
	[tilespmem:$0x18100] =	vst v63  }
0x79: {  	v3 =	vld [tilespmem:s21+$0x18050];
	_ =	sdelay $0x4  }
0x7a: {  	v61 =	vshrl.u32 v3, $0x3  }
0x7b: {  	v4 =	vmul.u32 $0x18, v61  }
0x7c: {  	v3 =	vand.u32 $0x7, v3  }
0x7d: {  	v3 =	vor.u32 v3, v4  }
0x7e: {  	v4 =	vperm.xlane v3, v0;
	_ =	sdelay $0x1  }
0x7f: {  	v4 =	vadd.s32 v1, v4;
	_ =	sdelay $0x1  }
0x80: {  	v3 =	vperm.xlane v3, v2;
	_ =	sdelay $0x1  }
0x81: {  	s29 =	sadd.s32 $0x7800, s20;
	v3 =	vadd.s32 v1, v3  }
0x82: {  	[hbm4b:s5+s2] =	stream.indirect_vreg.scatter [tilespmem:s29], [sflag:$0x5], $0x80, v4, vm0, $0x2000b8;
	[tilespmem:$0x18100] =	vst v63  }
0x83: {  	s30 =	sadd.s32 $0x8000, s20  }
0x84: {  	[hbm4b:s9+s2] =	stream.indirect_vreg.scatter [tilespmem:s30], [sflag:$0x5], $0x80, v4, vm1, $0x2000b8;
	[tilespmem:$0x18100] =	vst v63  }
0x85: {  	s31 =	sadd.s32 $0x8400, s20  }
0x86: {  	[hbm4b:s5+s2] =	stream.indirect_vreg.scatter [tilespmem:s31], [sflag:$0x5], $0x80, v3, vm0, $0x2000b8;
	[tilespmem:$0x18100] =	vst v63  }
0x87: {  	s23 =	sadd.s32 $0x8C00, s20  }
0x88: {  	[hbm4b:s9+s2] =	stream.indirect_vreg.scatter [tilespmem:s23], [sflag:$0x5], $0x80, v3, vm1, $0x2000b8;
	[tilespmem:$0x18100] =	vst v63  }
0x89: {  	v3 =	vld [tilespmem:s21+$0x18060];
	_ =	sdelay $0x4  }
0x8a: {  	v62 =	vshrl.u32 v3, $0x3  }
0x8b: {  	v4 =	vmul.u32 $0x18, v62  }
0x8c: {  	v3 =	vand.u32 $0x7, v3  }
0x8d: {  	v3 =	vor.u32 v3, v4  }
0x8e: {  	v4 =	vperm.xlane v3, v0;
	_ =	sdelay $0x1  }
0x8f: {  	v4 =	vadd.s32 v1, v4;
	_ =	sdelay $0x1  }
0x90: {  	v3 =	vperm.xlane v3, v2;
	_ =	sdelay $0x1  }
0x91: {  	s24 =	sadd.s32 $0x9000, s20;
	v3 =	vadd.s32 v1, v3  }
0x92: {  	[hbm4b:s5+s2] =	stream.indirect_vreg.scatter [tilespmem:s24], [sflag:$0x5], $0x80, v4, vm0, $0x2000b8;
	[tilespmem:$0x18100] =	vst v63  }
0x93: {  	s25 =	sadd.s32 $0x9800, s20  }
0x94: {  	[hbm4b:s9+s2] =	stream.indirect_vreg.scatter [tilespmem:s25], [sflag:$0x5], $0x80, v4, vm1, $0x2000b8;
	[tilespmem:$0x18100] =	vst v63  }
0x95: {  	s26 =	sadd.s32 $0x9C00, s20  }
0x96: {  	[hbm4b:s5+s2] =	stream.indirect_vreg.scatter [tilespmem:s26], [sflag:$0x5], $0x80, v3, vm0, $0x2000b8;
	[tilespmem:$0x18100] =	vst v63  }
0x97: {  	s28 =	sadd.s32 $0xA400, s20  }
0x98: {  	[hbm4b:s9+s2] =	stream.indirect_vreg.scatter [tilespmem:s28], [sflag:$0x5], $0x80, v3, vm1, $0x2000b8;
	[tilespmem:$0x18100] =	vst v63  }
0x99: {  	v3 =	vld [tilespmem:s21+$0x18070];
	_ =	sdelay $0x4  }
0x9a: {  	v63 =	vshrl.u32 v3, $0x3  }
0x9b: {  	v4 =	vmul.u32 $0x18, v63  }
0x9c: {  	v3 =	vand.u32 $0x7, v3  }
0x9d: {  	v3 =	vor.u32 v3, v4  }
0x9e: {  	v4 =	vperm.xlane v3, v0;
	_ =	sdelay $0x1  }
0x9f: {  	v4 =	vadd.s32 v1, v4;
	_ =	sdelay $0x1  }
0xa0: {  	v3 =	vperm.xlane v3, v2;
	_ =	sdelay $0x1  }
0xa1: {  	s29 =	sadd.s32 $0xA800, s20;
	v3 =	vadd.s32 v1, v3  }
0xa2: {  	[hbm4b:s5+s2] =	stream.indirect_vreg.scatter [tilespmem:s29], [sflag:$0x5], $0x80, v4, vm0, $0x2000b8;
	[tilespmem:$0x18100] =	vst v63  }
0xa3: {  	p6 =	sne.s32 s19, s18;
	s30 =	sadd.s32 $0xB000, s20  }
0xa4: {  	[hbm4b:s9+s2] =	stream.indirect_vreg.scatter [tilespmem:s30], [sflag:$0x5], $0x80, v4, vm1, $0x2000b8;
	[tilespmem:$0x18100] =	vst v63  }
0xa5: {  	p2 =	por p0, p2;
	s19 =	simm.s32 $0x1;
	s31 =	sadd.s32 $0xB400, s20  }
0xa6: {  	[hbm4b:s5+s2] =	stream.indirect_vreg.scatter [tilespmem:s31], [sflag:$0x5], $0x80, v3, vm0, $0x2000b8;
	[tilespmem:$0x18100] =	vst v63  }
0xa7: {  	s19 =	simm.s32 @!p2 $0x0;
	p0 =	por p0, p6;
	s20 =	sadd.s32 $0xBC00, s20  }
0xa8: {  	[hbm4b:s9+s2] =	stream.indirect_vreg.scatter [tilespmem:s20], [sflag:$0x5], $0x80, v3, vm1, $0x2000b8;
	[tilespmem:$0x18100] =	vst v63  }
.Ltmp3:
0xa9: {  	p2 =	por $0x0, $0x0;
	s16 =	sadd.s32 s19, s16;
	(pc) =	sbr.rel @!p1 .LBB2_7-.Ltmp3, $4  }
0xaa: {  	s19 =	smov.u32 s18;
	s21 =	simm.s32 $0x1;
	_ =	swait.ge [sflag:s12], $0xC000  }
0xab: {  	s21 =	simm.s32 @!p3 $0x0;
	s20 =	simm.s32 $0x1;
	[sflag:s12] =	ssyncset.done $0x0  }
0xac: {  	s17 =	sadd.s32 s21, s17;
	s20 =	simm.s32 @!p0 $0x0;
	[sflag:s12] =	ssyncadd.s32 $0xFFFF4000  }
0xad: {  	p0 =	por $0x1, $0x1;
	s14 =	sadd.s32 s20, s14;
	_ =	strace $0x9000004D  }
.LBB2_2:
0xae: {  	s18 =	sadd.s32 $0x1, s19  }
0xaf: {  	p1 =	seq.s32 s18, $0x2  }
0xb0: {  	s18 =	simm.s32 @p1 $0x0  }
0xb1: {  	s21 =	sadd.s32 s6, s19;
	s20 =	sadd.s32 s6, s18  }
0xb2: {  	s22 =	sshra.s32 s21, $0x1F;
	s23 =	sshra.s32 s20, $0x1F  }
0xb3: {  	s22 =	sshrl.u32 s22, $0x1B;
	s23 =	sshrl.u32 s23, $0x1B  }
0xb4: {  	s22 =	sadd.s32 s22, s21;
	s23 =	sadd.s32 s23, s20  }
0xb5: {  	s22 =	sand.u32 $0xFFFFFFE0, s22;
	s23 =	sand.u32 $0xFFFFFFE0, s23  }
0xb6: {  	s21 =	ssub.s32 s21, s22;
	s22 =	ssub.s32 s20, s23  }
0xb7: {  	p1 =	por p2, p2;
	p2 =	sne.s32 s21, s22  }
0xb8: {  	p3 =	por !p1, !p2  }
0xb9: {  	p5 =	seq.s32 s19, s18;
	p3 =	por !p3, !p3  }
0xba: {  	p4 =	por !p1, !p1;
	s23 =	sand.u32 @p3 $0x1, s17;
	s22 =	smul.u32 @p3 $0x1800, s22  }
0xbb: {  	p5 =	por p4, p5;
	s24 =	smul.u32 @p3 $0x30000, s23  }
.Ltmp4:
0xbc: {  	_ = 	snop;
	(pc) =	sbr.rel @!p5 .LBB2_3-.Ltmp4, $4  }
0xbd: {  	_ =	strace @p3 $0x80000049;
	s25 =	simm.s32 @p3 $0x0  }
0xbe: {  	s23 =	sadd.s32 @p3 $0x1, s23;
	s22 =	sadd.s32 @p3 s1, s22;
	s24 =	sshrl.u32 @p3 s24, $0x2  }
0xbf: {  	[tilespmem:s24], [sflag:s23] =	stream.linear.gather @p3 [hbm4b:s22+s25], $0xC000, $0x200038;
	[tilespmem:$0x18100] =	vst v63  }
0xc0: {  	_ =	strace @p3 $0x90000049  }
0xc1: {  	s20 =	sadd.s32 $0xFFFFFFFF, s19;
	p5 =	seq.s32 s19, $0x0  }
0xc2: {  	s20 =	simm.s32 @p5 $0x1  }
0xc3: {  	s20 =	sadd.s32 s6, s20  }
0xc4: {  	s22 =	sshra.s32 s20, $0x1F  }
0xc5: {  	s22 =	sshrl.u32 s22, $0x1B  }
0xc6: {  	s22 =	sadd.s32 s22, s20  }
0xc7: {  	s22 =	sand.u32 $0xFFFFFFE0, s22  }
0xc8: {  	s20 =	ssub.s32 s20, s22  }
0xc9: {  	p6 =	seq.s32 s21, s20  }
0xca: {  	p4 =	por !p4, !p6  }
0xcb: {  	p4 =	por !p4, !p4  }
.Ltmp5:
0xcc: {  	_ = 	snop;
	(pc) =	sbr.rel @p4 .LBB2_6-.Ltmp5, $4  }
.Ltmp6:
0xcd: {  	_ = 	snop;
	(pc) =	sbr.rel @!p4 .LBB2_5-.Ltmp6, $4  }
0xce: {  	_ = 	snop  }
0xcf: {  	_ = 	snop  }
0xd0: {  	_ = 	snop  }
0xd1: {  	_ = 	snop  }
.LBB2_8:
0xd2: {  	_ =	sfence.sel $0x180000  }
0xd3: {  	[bflag:$0x0] =	sbarrier.arrive $0xFFFF  }
0xd4: {  	p0 =	sne.s32 s3, $0x0;
	_ =	strace $0x90000047  }
0xd5: {  	s0 =	sadd.s32 @!p0 $0x100000, s0;
	[bflag:$0x2] =	sbarrier.arrive $0xFFFF  }
0xd6: {  	[sflag:s0] =	ssyncadd.tile.s32 @!p0 $0x1;
	_ =	shalt  }
.Lfunc_end2:
_tile_overlayer_lowered:
.L_overlay_start_2:
0xd7: {  	(tag) =	ssettag $0x2  }
0xd8: {  	s0 =	rddreg [dreg:$0x0];
	s2 =	stileid.u32  }
0xd9: {  	s1 =	rddreg [dreg:$0x1];
	p0 =	sne.s32 s2, $0x0  }
0xda: {  	s3 =	rddreg [dreg:$0x2];
	[bflag:$0x3] =	sbarrier.arrive $0xFFFF;
	s2 =	simm.s32 @!p0 $0x1C01  }
0xdb: {  	[timem:s3], [sflag:s2] =	dma.local @!p0 [hbm:s0], s1  }
0xdc: {  	s0 =	simm.s32 @!p0 $0x1  }
0xdd: {  	_ =	swait.ge @!p0 [sflag:s0], s1  }
0xde: {  	s1 =	ssub.s32 @!p0 $0x0, s1;
	[sflag:s0] =	ssyncset.done @!p0 $0x0  }
0xdf: {  	[sflag:s0] =	ssyncadd.s32 @!p0 s1  }
0xe0: {  	[bflag:$0x3] =	sbarrier.arrive $0xFFFF  }
0xe1: {  	_ =	shalt  }

</sc_bundles>
